<compile_context>
chip_gen: v7x
topology: tpu7x:2x2x1
jax: 0.10.2.dev20260603
libtpu: 0.0.44.dev20260713+nightly
codegen_flags: <defaults>
</compile_context>

<pallas_src>
import functools

import jax
import jax.numpy as jnp
import numpy as np
from jax import lax
from jax.experimental import pallas as pl
from jax.experimental.pallas import tpu as pltpu
from jax.experimental.pallas import tpu_sc as plsc

N_ATOMS = 100000
N_INPUT = 128
BATCH = 4096
NK = 11

_MEMBERSHIPS = [(-1.645, 0.283), (-1.08, 0.17), (-0.739, 0.134),
                (-0.468, 0.118), (-0.228, 0.114), (0.0, 0.114),
                (0.228, 0.114), (0.468, 0.118), (0.739, 0.134),
                (1.08, 0.17), (1.645, 0.283)]
_MUS = [float(m) for m, _ in _MEMBERSHIPS]
_INV_SIG = [1.0 / float(s) for _, s in _MEMBERSHIPS]
_LOG2E = 1.4426950408889634
_A2 = [-0.5 * iv * iv * _LOG2E for iv in _INV_SIG]
_D2 = [a * m * m for a, m in zip(_A2, _MUS)]
_G2 = [-2.0 * a * m for a, m in zip(_A2, _MUS)]

TA = 2048
TF = 1024
NPART = [81920, 24576]
NPAD = sum(NPART)

NCORE = 2
NSUB = 16
CHUNKS = [[(0, 640), (640, 640), (1280, 640), (1920, 640)],
          [(0, 640), (640, 128)]]
ZPW = 264
RACC = ZPW * NSUB
OPW = BATCH // NSUB


def _hist_matmul_body(x_ref, w_ref, y_ref):
    x = x_ref[...]
    q = x * x
    es = [None] * NK
    for k in range(5):
        t = q * _A2[k] + _D2[k]
        u = x * _G2[k]
        es[k] = jnp.exp2(t + u)
        es[10 - k] = jnp.exp2(t - u)
    es[5] = jnp.exp2(q * _A2[5])
    s = None
    for k in range(NK):
        s = es[k] if s is None else s + es[k]
    r = 1.0 / s
    acc = None
    for k in range(NK):
        p = (es[k] * r).astype(jnp.bfloat16)
        t = jnp.dot(p, w_ref[k], preferred_element_type=jnp.float32)
        acc = t if acc is None else acc + t
    y_ref[...] = acc


def _seg_sum_sc(y_hbm, ids_hbm, zeros_hbm, out_hbm, rows_v, ids_v, acc_sh,
                *, chunks, per_w):
    c = lax.axis_index("c")
    s = lax.axis_index("s")
    w = c * NSUB + s
    pltpu.sync_copy(zeros_hbm.at[pl.ds(s * ZPW, ZPW)], rows_v.at[pl.ds(0, ZPW)])
    pltpu.sync_copy(rows_v.at[pl.ds(0, ZPW)], acc_sh.at[pl.ds(s * ZPW, ZPW)])
    pltpu.sync_copy(ids_hbm.at[w], ids_v)
    plsc.subcore_barrier()
    for (start, ch) in chunks:
        base = w * per_w + start
        pltpu.sync_copy(y_hbm.at[pl.ds(base, ch)], rows_v.at[pl.ds(0, ch)])
        for j in range(ch // 128):
            pltpu.sync_copy(rows_v.at[pl.ds(j * 128, 128)],
                            acc_sh.at[ids_v.at[start // 128 + j]], add=True)
    plsc.subcore_barrier()
    pltpu.sync_copy(acc_sh.at[pl.ds(s * OPW, OPW)], rows_v.at[pl.ds(0, OPW)])
    pltpu.sync_copy(rows_v.at[pl.ds(0, OPW)],
                    out_hbm.at[c, pl.ds(s * OPW, OPW)])


def _finish_body(pa_ref, pb_ref, b_ref, o_ref):
    o_ref[...] = jnp.tanh(pa_ref[0] + pa_ref[1] + pb_ref[0] + pb_ref[1]
                          + b_ref[...])


@jax.jit
def kernel(outputs, atom_split, W, b):
    Wr = W.reshape(N_INPUT, NK, N_INPUT).transpose(1, 0, 2).astype(jnp.bfloat16)
    ids = jnp.concatenate([
        atom_split.astype(jnp.int32),
        jnp.full((NPAD - N_ATOMS,), BATCH, jnp.int32),
    ])
    zeros = jnp.zeros((RACC, N_INPUT), jnp.float32)

    last_blk = (N_ATOMS - 1) // TA
    partials = []
    row0 = 0
    for h in range(2):
        nrows = NPART[h]
        base_blk = row0 // TA
        y_h = pl.pallas_call(
            _hist_matmul_body,
            grid=(nrows // TA,),
            in_specs=[
                pl.BlockSpec(
                    (TA, N_INPUT),
                    lambda i, bb=base_blk: (jnp.minimum(bb + i, last_blk), 0)),
                pl.BlockSpec((NK, N_INPUT, N_INPUT), lambda i: (0, 0, 0)),
            ],
            out_specs=pl.BlockSpec((TA, N_INPUT), lambda i: (i, 0)),
            out_shape=jax.ShapeDtypeStruct((nrows, N_INPUT), jnp.float32),
        )(outputs, Wr)
        per_w = nrows // (NCORE * NSUB)
        seg = pl.kernel(
            functools.partial(_seg_sum_sc, chunks=CHUNKS[h], per_w=per_w),
            out_type=jax.ShapeDtypeStruct((NCORE, BATCH, N_INPUT), jnp.float32),
            mesh=plsc.VectorSubcoreMesh(core_axis_name="c", subcore_axis_name="s"),
            scratch_types=[
                pltpu.VMEM((640, N_INPUT), jnp.float32),
                pltpu.VMEM((per_w // 128, 128), jnp.int32),
                pltpu.VMEM_SHARED((RACC, N_INPUT), jnp.float32),
            ],
        )
        ids3d_h = lax.dynamic_slice_in_dim(ids, row0, nrows).reshape(
            NCORE * NSUB, per_w // 128, 128)
        partials.append(seg(y_h, ids3d_h, zeros))
        row0 += nrows

    mol = pl.pallas_call(
        _finish_body,
        grid=(BATCH // TF,),
        in_specs=[
            pl.BlockSpec((NCORE, TF, N_INPUT), lambda i: (0, i, 0)),
            pl.BlockSpec((NCORE, TF, N_INPUT), lambda i: (0, i, 0)),
            pl.BlockSpec((1, N_INPUT), lambda i: (0, 0)),
        ],
        out_specs=pl.BlockSpec((TF, N_INPUT), lambda i: (i, 0)),
        out_shape=jax.ShapeDtypeStruct((BATCH, N_INPUT), jnp.float32),
    )(partials[0], partials[1], b.reshape(1, N_INPUT))
    return mol

# --- scband reference (transcript-rebuilt; emitter-appended) ---
"""Pipeline reference for scband-weave-gather-28982439313938 (READ-ONLY COPY).

The authoritative reference and input builder live on the scoring server;
editing this copy changes nothing except your own understanding.
"""

import jax, jax.numpy as jnp
import numpy as np

N_ATOMS = 100000
N_INPUT = 128
BATCH_SIZE = 4096

MEMBERSHIPS = [(-1.645, 0.283), (-1.08, 0.17), (-0.739, 0.134), (-0.468, 0.118), (-0.228, 0.114), (0.0, 0.114), (0.228, 0.114), (0.468, 0.118), (0.739, 0.134), (1.08, 0.17), (1.645, 0.283)]


def _normal_pdf(x, mu, sigma):
    return jnp.exp(-0.5 * ((x - mu) / sigma) ** 2) / (sigma * jnp.sqrt(2.0 * jnp.pi))


def gaussian_histogram(x):
    outs = []
    for (mu, sigma) in MEMBERSHIPS:
        dist_max = 1.0 / (sigma * jnp.sqrt(2.0 * jnp.pi))  # pdf at the mean
        outs.append(_normal_pdf(x, mu, sigma) / dist_max)
    outputs = jnp.stack(outs, axis=2)  # [N, n_input, 11]
    outputs = outputs / jnp.sum(outputs, axis=2, keepdims=True)
    outputs = outputs.reshape(-1, N_INPUT * 11)
    return outputs


def setup_inputs(seed: int = 0) -> dict:
    key = jax.random.key(seed)
    k1, k2, k3 = jax.random.split(key, 3)
    outputs = jax.random.normal(k1, (N_ATOMS, N_INPUT), dtype=jnp.float32)
    atom_split = jnp.sort(jax.random.randint(k2, (N_ATOMS,), 0, BATCH_SIZE, dtype=jnp.int64))
    fan_in, fan_out = N_INPUT * 11, N_INPUT
    limit = np.sqrt(6.0 / (fan_in + fan_out))
    W = jax.random.uniform(k3, (fan_in, fan_out), dtype=jnp.float32, minval=-limit, maxval=limit)
    b = jnp.zeros((N_INPUT,), dtype=jnp.float32)
    return {"outputs": outputs, "atom_split": atom_split, "W": W, "b": b}


def reference(outputs, atom_split, W, b):
    x = gaussian_histogram(outputs)  # [N, n_input*11]
    mol = jax.ops.segment_sum(x, atom_split, num_segments=BATCH_SIZE)  # [B, n_input*11]
    mol = jnp.matmul(mol, W) + b
    mol = jnp.tanh(mol)
    return mol

if __name__ == "__main__":
    import jax
    _d = setup_inputs()
    print(jax.jit(kernel)(*tuple(_d.values())))

</pallas_src>

<mosaic_0001>
#map = affine_map<(d0, d1) -> (0, 0)>
#map1 = affine_map<(d0, d1) -> (0, 0, 0)>
module attributes {stable_mosaic.version = 14 : i64} {
  func.func @_seg_sum_sc(%arg0: i32, %arg1: i32, %arg2: memref<24576x128xf32, #tpu.memory_space<hbm>>, %arg3: memref<32x6x128xi32, #tpu.memory_space<hbm>>, %arg4: memref<4224x128xf32, #tpu.memory_space<hbm>>, %arg5: memref<2x4096x128xf32, #tpu.memory_space<hbm>>, %arg6: memref<640x128xf32, #tpu.memory_space<vmem>>, %arg7: memref<6x128xi32, #tpu.memory_space<vmem>>, %arg8: memref<4224x128xf32, #tpu.memory_space<vmem_shared>>) attributes {dimension_semantics = [#tpu.dimension_semantics<core_parallel>, #tpu.dimension_semantics<subcore_parallel>], iteration_bounds = array<i64: 2, 16>, scalar_prefetch = 0 : i64, scratch_operands = 3 : i64, tpu.core_type = #tpu.core_type<sc_vector_subcore>, window_params = [{transform_indices = #map}, {transform_indices = #map1}, {transform_indices = #map}, {transform_indices = #map1}]} {
    %mul3A = arith.constant 16 : i32
    %mul3A_0 = arith.muli %arg0, %mul3A : i32
    %add3A = arith.addi %mul3A_0, %arg1 : i32
    %mul3A_1 = arith.constant 264 : i32
    %mul3A_2 = arith.muli %arg1, %mul3A_1 : i32
    "tpu.region"() ({
      %run_scoped3A_23 = tpu.sem_alloc : memref<!tpu.dma_semaphore, #tpu.memory_space<semaphore_mem>>
      %dma_start3A = arith.constant 0 : i32
      %dma_start3A_24 = arith.constant 0 : i32
      %dma_start3A_25 = tpu.memref_slice %arg6[%dma_start3A, %dma_start3A_24] : memref<640x128xf32, #tpu.memory_space<vmem>> -> memref<264x128xf32, #tpu.memory_space<vmem>>
      %dma_start3A_26 = arith.constant 0 : i32
      %dma_start3A_27 = tpu.memref_slice %arg4[%mul3A_2, %dma_start3A_26] : memref<4224x128xf32, #tpu.memory_space<hbm>> -> memref<264x128xf32, #tpu.memory_space<hbm>>
      %dma_start3A_28 = arith.constant 0 : i32
      %dma_start3A_29 = arith.constant 0 : i32
      %dma_start3A_30 = tpu.memref_slice %arg6[%dma_start3A_28, %dma_start3A_29] : memref<640x128xf32, #tpu.memory_space<vmem>> -> memref<264x128xf32, #tpu.memory_space<vmem>>
      %dma_start3A_31 = arith.constant 0 : i32
      %dma_start3A_32 = tpu.memref_slice %arg4[%mul3A_2, %dma_start3A_31] : memref<4224x128xf32, #tpu.memory_space<hbm>> -> memref<264x128xf32, #tpu.memory_space<hbm>>
      tpu.enqueue_dma source(%dma_start3A_32 : memref<264x128xf32, #tpu.memory_space<hbm>>) target(%dma_start3A_30 : memref<264x128xf32, #tpu.memory_space<vmem>>) target_semaphore(%run_scoped3A_23 : memref<!tpu.dma_semaphore, #tpu.memory_space<semaphore_mem>>)
      %dma_wait3A = arith.constant 0 : i32
      %dma_wait3A_33 = arith.constant 0 : i32
      %dma_wait3A_34 = tpu.memref_slice %arg6[%dma_wait3A, %dma_wait3A_33] : memref<640x128xf32, #tpu.memory_space<vmem>> -> memref<264x128xf32, #tpu.memory_space<vmem>>
      %dma_wait3A_35 = arith.constant 0 : i32
      %dma_wait3A_36 = tpu.memref_slice %arg4[%mul3A_2, %dma_wait3A_35] : memref<4224x128xf32, #tpu.memory_space<hbm>> -> memref<264x128xf32, #tpu.memory_space<hbm>>
      %dma_wait3A_37 = arith.constant 0 : i32
      %dma_wait3A_38 = arith.constant 0 : i32
      %dma_wait3A_39 = tpu.memref_slice %arg6[%dma_wait3A_37, %dma_wait3A_38] : memref<640x128xf32, #tpu.memory_space<vmem>> -> memref<264x128xf32, #tpu.memory_space<vmem>>
      %dma_wait3A_40 = arith.constant 0 : i32
      %dma_wait3A_41 = tpu.memref_slice %arg4[%mul3A_2, %dma_wait3A_40] : memref<4224x128xf32, #tpu.memory_space<hbm>> -> memref<264x128xf32, #tpu.memory_space<hbm>>
      tpu.wait_dma2 semaphore(%run_scoped3A_23 : memref<!tpu.dma_semaphore, #tpu.memory_space<semaphore_mem>>) src(%dma_wait3A_41 : memref<264x128xf32, #tpu.memory_space<hbm>>) dst(%dma_wait3A_39 : memref<264x128xf32, #tpu.memory_space<vmem>>)
      tpu.yield
    }) : () -> ()
    %mul3A_3 = arith.constant 264 : i32
    %mul3A_4 = arith.muli %arg1, %mul3A_3 : i32
    "tpu.region"() ({
      %run_scoped3A_23 = tpu.sem_alloc : memref<!tpu.dma_semaphore, #tpu.memory_space<semaphore_mem>>
      %dma_start3A = arith.constant 0 : i32
      %dma_start3A_24 = arith.constant 0 : i32
      %dma_start3A_25 = tpu.memref_slice %arg6[%dma_start3A, %dma_start3A_24] : memref<640x128xf32, #tpu.memory_space<vmem>> -> memref<264x128xf32, #tpu.memory_space<vmem>>
      %dma_start3A_26 = arith.constant 0 : i32
      %dma_start3A_27 = tpu.memref_slice %arg8[%mul3A_4, %dma_start3A_26] : memref<4224x128xf32, #tpu.memory_space<vmem_shared>> -> memref<264x128xf32, #tpu.memory_space<vmem_shared>>
      %dma_start3A_28 = arith.constant 0 : i32
      %dma_start3A_29 = tpu.memref_slice %arg8[%mul3A_4, %dma_start3A_28] : memref<4224x128xf32, #tpu.memory_space<vmem_shared>> -> memref<264x128xf32, #tpu.memory_space<vmem_shared>>
      %dma_start3A_30 = arith.constant 0 : i32
      %dma_start3A_31 = arith.constant 0 : i32
      %dma_start3A_32 = tpu.memref_slice %arg6[%dma_start3A_30, %dma_start3A_31] : memref<640x128xf32, #tpu.memory_space<vmem>> -> memref<264x128xf32, #tpu.memory_space<vmem>>
      tpu.enqueue_dma source(%dma_start3A_32 : memref<264x128xf32, #tpu.memory_space<vmem>>) target(%dma_start3A_29 : memref<264x128xf32, #tpu.memory_space<vmem_shared>>) target_semaphore(%run_scoped3A_23 : memref<!tpu.dma_semaphore, #tpu.memory_space<semaphore_mem>>)
      %dma_wait3A = arith.constant 0 : i32
      %dma_wait3A_33 = arith.constant 0 : i32
      %dma_wait3A_34 = tpu.memref_slice %arg6[%dma_wait3A, %dma_wait3A_33] : memref<640x128xf32, #tpu.memory_space<vmem>> -> memref<264x128xf32, #tpu.memory_space<vmem>>
      %dma_wait3A_35 = arith.constant 0 : i32
      %dma_wait3A_36 = tpu.memref_slice %arg8[%mul3A_4, %dma_wait3A_35] : memref<4224x128xf32, #tpu.memory_space<vmem_shared>> -> memref<264x128xf32, #tpu.memory_space<vmem_shared>>
      %dma_wait3A_37 = arith.constant 0 : i32
      %dma_wait3A_38 = tpu.memref_slice %arg8[%mul3A_4, %dma_wait3A_37] : memref<4224x128xf32, #tpu.memory_space<vmem_shared>> -> memref<264x128xf32, #tpu.memory_space<vmem_shared>>
      %dma_wait3A_39 = arith.constant 0 : i32
      %dma_wait3A_40 = arith.constant 0 : i32
      %dma_wait3A_41 = tpu.memref_slice %arg6[%dma_wait3A_39, %dma_wait3A_40] : memref<640x128xf32, #tpu.memory_space<vmem>> -> memref<264x128xf32, #tpu.memory_space<vmem>>
      tpu.wait_dma2 semaphore(%run_scoped3A_23 : memref<!tpu.dma_semaphore, #tpu.memory_space<semaphore_mem>>) src(%dma_wait3A_41 : memref<264x128xf32, #tpu.memory_space<vmem>>) dst(%dma_wait3A_38 : memref<264x128xf32, #tpu.memory_space<vmem_shared>>)
      tpu.yield
    }) : () -> ()
    "tpu.region"() ({
      %run_scoped3A_23 = tpu.sem_alloc : memref<!tpu.dma_semaphore, #tpu.memory_space<semaphore_mem>>
      %dma_start3A = arith.constant 0 : i32
      %dma_start3A_24 = arith.constant 0 : i32
      %dma_start3A_25 = tpu.memref_slice %arg3[%add3A, %dma_start3A, %dma_start3A_24] : memref<32x6x128xi32, #tpu.memory_space<hbm>> -> memref<1x6x128xi32, #tpu.memory_space<hbm>>
      %dma_start3A_26 = tpu.memref_squeeze %dma_start3A_25 : memref<1x6x128xi32, #tpu.memory_space<hbm>> -> memref<6x128xi32, #tpu.memory_space<hbm>>
      %dma_start3A_27 = arith.constant 0 : i32
      %dma_start3A_28 = arith.constant 0 : i32
      %dma_start3A_29 = tpu.memref_slice %arg3[%add3A, %dma_start3A_27, %dma_start3A_28] : memref<32x6x128xi32, #tpu.memory_space<hbm>> -> memref<1x6x128xi32, #tpu.memory_space<hbm>>
      %dma_start3A_30 = tpu.memref_squeeze %dma_start3A_29 : memref<1x6x128xi32, #tpu.memory_space<hbm>> -> memref<6x128xi32, #tpu.memory_space<hbm>>
      tpu.enqueue_dma source(%dma_start3A_30 : memref<6x128xi32, #tpu.memory_space<hbm>>) target(%arg7 : memref<6x128xi32, #tpu.memory_space<vmem>>) target_semaphore(%run_scoped3A_23 : memref<!tpu.dma_semaphore, #tpu.memory_space<semaphore_mem>>)
      %dma_wait3A = arith.constant 0 : i32
      %dma_wait3A_31 = arith.constant 0 : i32
      %dma_wait3A_32 = tpu.memref_slice %arg3[%add3A, %dma_wait3A, %dma_wait3A_31] : memref<32x6x128xi32, #tpu.memory_space<hbm>> -> memref<1x6x128xi32, #tpu.memory_space<hbm>>
      %dma_wait3A_33 = tpu.memref_squeeze %dma_wait3A_32 : memref<1x6x128xi32, #tpu.memory_space<hbm>> -> memref<6x128xi32, #tpu.memory_space<hbm>>
      %dma_wait3A_34 = arith.constant 0 : i32
      %dma_wait3A_35 = arith.constant 0 : i32
      %dma_wait3A_36 = tpu.memref_slice %arg3[%add3A, %dma_wait3A_34, %dma_wait3A_35] : memref<32x6x128xi32, #tpu.memory_space<hbm>> -> memref<1x6x128xi32, #tpu.memory_space<hbm>>
      %dma_wait3A_37 = tpu.memref_squeeze %dma_wait3A_36 : memref<1x6x128xi32, #tpu.memory_space<hbm>> -> memref<6x128xi32, #tpu.memory_space<hbm>>
      tpu.wait_dma2 semaphore(%run_scoped3A_23 : memref<!tpu.dma_semaphore, #tpu.memory_space<semaphore_mem>>) src(%dma_wait3A_37 : memref<6x128xi32, #tpu.memory_space<hbm>>) dst(%arg7 : memref<6x128xi32, #tpu.memory_space<vmem>>)
      tpu.yield
    }) : () -> ()
    %barrier3A = arith.constant 0 : index
    tpu.barrier barrier_id(%barrier3A)
    %mul3A_5 = arith.constant 768 : i32
    %mul3A_6 = arith.muli %add3A, %mul3A_5 : i32
    %add3A_7 = arith.constant 0 : i32
    %add3A_8 = arith.addi %mul3A_6, %add3A_7 : i32
    "tpu.region"() ({
      %run_scoped3A_23 = tpu.sem_alloc : memref<!tpu.dma_semaphore, #tpu.memory_space<semaphore_mem>>
      %dma_start3A = arith.constant 0 : i32
      %dma_start3A_24 = arith.constant 0 : i32
      %dma_start3A_25 = tpu.memref_slice %arg6[%dma_start3A, %dma_start3A_24] : memref<640x128xf32, #tpu.memory_space<vmem>> -> memref<640x128xf32, #tpu.memory_space<vmem>>
      %dma_start3A_26 = arith.constant 0 : i32
      %dma_start3A_27 = tpu.memref_slice %arg2[%add3A_8, %dma_start3A_26] : memref<24576x128xf32, #tpu.memory_space<hbm>> -> memref<640x128xf32, #tpu.memory_space<hbm>>
      %dma_start3A_28 = arith.constant 0 : i32
      %dma_start3A_29 = arith.constant 0 : i32
      %dma_start3A_30 = tpu.memref_slice %arg6[%dma_start3A_28, %dma_start3A_29] : memref<640x128xf32, #tpu.memory_space<vmem>> -> memref<640x128xf32, #tpu.memory_space<vmem>>
      %dma_start3A_31 = arith.constant 0 : i32
      %dma_start3A_32 = tpu.memref_slice %arg2[%add3A_8, %dma_start3A_31] : memref<24576x128xf32, #tpu.memory_space<hbm>> -> memref<640x128xf32, #tpu.memory_space<hbm>>
      tpu.enqueue_dma source(%dma_start3A_32 : memref<640x128xf32, #tpu.memory_space<hbm>>) target(%dma_start3A_30 : memref<640x128xf32, #tpu.memory_space<vmem>>) target_semaphore(%run_scoped3A_23 : memref<!tpu.dma_semaphore, #tpu.memory_space<semaphore_mem>>)
      %dma_wait3A = arith.constant 0 : i32
      %dma_wait3A_33 = arith.constant 0 : i32
      %dma_wait3A_34 = tpu.memref_slice %arg6[%dma_wait3A, %dma_wait3A_33] : memref<640x128xf32, #tpu.memory_space<vmem>> -> memref<640x128xf32, #tpu.memory_space<vmem>>
      %dma_wait3A_35 = arith.constant 0 : i32
      %dma_wait3A_36 = tpu.memref_slice %arg2[%add3A_8, %dma_wait3A_35] : memref<24576x128xf32, #tpu.memory_space<hbm>> -> memref<640x128xf32, #tpu.memory_space<hbm>>
      %dma_wait3A_37 = arith.constant 0 : i32
      %dma_wait3A_38 = arith.constant 0 : i32
      %dma_wait3A_39 = tpu.memref_slice %arg6[%dma_wait3A_37, %dma_wait3A_38] : memref<640x128xf32, #tpu.memory_space<vmem>> -> memref<640x128xf32, #tpu.memory_space<vmem>>
      %dma_wait3A_40 = arith.constant 0 : i32
      %dma_wait3A_41 = tpu.memref_slice %arg2[%add3A_8, %dma_wait3A_40] : memref<24576x128xf32, #tpu.memory_space<hbm>> -> memref<640x128xf32, #tpu.memory_space<hbm>>
      tpu.wait_dma2 semaphore(%run_scoped3A_23 : memref<!tpu.dma_semaphore, #tpu.memory_space<semaphore_mem>>) src(%dma_wait3A_41 : memref<640x128xf32, #tpu.memory_space<hbm>>) dst(%dma_wait3A_39 : memref<640x128xf32, #tpu.memory_space<vmem>>)
      tpu.yield
    }) : () -> ()
    %run_scoped3A = arith.constant 0 : i32
    "tpu.region"() ({
      %run_scoped3A_23 = tpu.sem_alloc : memref<!tpu.dma_semaphore, #tpu.memory_space<semaphore_mem>>
      %dma_start3A = arith.constant 0 : i32
      %dma_start3A_24 = arith.constant 0 : i32
      %dma_start3A_25 = tpu.memref_slice %arg6[%dma_start3A, %dma_start3A_24] : memref<640x128xf32, #tpu.memory_space<vmem>> -> memref<128x128xf32, #tpu.memory_space<vmem>>
      %dma_start3A_26 = arith.constant 0 : i32
      %dma_start3A_27 = tpu.memref_slice %arg7[%run_scoped3A, %dma_start3A_26] : memref<6x128xi32, #tpu.memory_space<vmem>> -> memref<1x128xi32, #tpu.memory_space<vmem>>
      %dma_start3A_28 = tpu.memref_squeeze %dma_start3A_27 : memref<1x128xi32, #tpu.memory_space<vmem>> -> memref<128xi32, #tpu.memory_space<vmem>>
      %dma_start3A_29 = arith.constant 0 : i32
      %dma_start3A_30 = arith.constant 0 : i32
      %dma_start3A_31 = tpu.memref_slice %arg8[%dma_start3A_29, %dma_start3A_30] : memref<4224x128xf32, #tpu.memory_space<vmem_shared>> -> memref<4224x128xf32, #tpu.memory_space<vmem_shared>>
      tpu.enqueue_indirect_dma source(%dma_start3A_25 : memref<128x128xf32, #tpu.memory_space<vmem>>) target(%dma_start3A_31 : memref<4224x128xf32, #tpu.memory_space<vmem_shared>>) offsets(%dma_start3A_28 : memref<128xi32, #tpu.memory_space<vmem>>) semaphore(%run_scoped3A_23 : memref<!tpu.dma_semaphore, #tpu.memory_space<semaphore_mem>>) {add = true}
      %dma_wait3A = arith.constant 0 : i32
      %dma_wait3A_32 = arith.constant 0 : i32
      %dma_wait3A_33 = tpu.memref_slice %arg6[%dma_wait3A, %dma_wait3A_32] : memref<640x128xf32, #tpu.memory_space<vmem>> -> memref<128x128xf32, #tpu.memory_space<vmem>>
      %dma_wait3A_34 = arith.constant 0 : i32
      %dma_wait3A_35 = tpu.memref_slice %arg7[%run_scoped3A, %dma_wait3A_34] : memref<6x128xi32, #tpu.memory_space<vmem>> -> memref<1x128xi32, #tpu.memory_space<vmem>>
      %dma_wait3A_36 = tpu.memref_squeeze %dma_wait3A_35 : memref<1x128xi32, #tpu.memory_space<vmem>> -> memref<128xi32, #tpu.memory_space<vmem>>
      %dma_wait3A_37 = arith.constant 0 : i32
      %dma_wait3A_38 = arith.constant 0 : i32
      %dma_wait3A_39 = tpu.memref_slice %arg8[%dma_wait3A_37, %dma_wait3A_38] : memref<4224x128xf32, #tpu.memory_space<vmem_shared>> -> memref<4224x128xf32, #tpu.memory_space<vmem_shared>>
      tpu.wait_indirect_dma semaphore(%run_scoped3A_23 : memref<!tpu.dma_semaphore, #tpu.memory_space<semaphore_mem>>) src(%dma_wait3A_33 : memref<128x128xf32, #tpu.memory_space<vmem>>) dst(%dma_wait3A_39 : memref<4224x128xf32, #tpu.memory_space<vmem_shared>>)
      tpu.yield
    }) : () -> ()
    %run_scoped3A_9 = arith.constant 1 : i32
    "tpu.region"() ({
      %run_scoped3A_23 = tpu.sem_alloc : memref<!tpu.dma_semaphore, #tpu.memory_space<semaphore_mem>>
      %dma_start3A = arith.constant 128 : i32
      %dma_start3A_24 = arith.constant 0 : i32
      %dma_start3A_25 = tpu.memref_slice %arg6[%dma_start3A, %dma_start3A_24] : memref<640x128xf32, #tpu.memory_space<vmem>> -> memref<128x128xf32, #tpu.memory_space<vmem>>
      %dma_start3A_26 = arith.constant 0 : i32
      %dma_start3A_27 = tpu.memref_slice %arg7[%run_scoped3A_9, %dma_start3A_26] : memref<6x128xi32, #tpu.memory_space<vmem>> -> memref<1x128xi32, #tpu.memory_space<vmem>>
      %dma_start3A_28 = tpu.memref_squeeze %dma_start3A_27 : memref<1x128xi32, #tpu.memory_space<vmem>> -> memref<128xi32, #tpu.memory_space<vmem>>
      %dma_start3A_29 = arith.constant 0 : i32
      %dma_start3A_30 = arith.constant 0 : i32
      %dma_start3A_31 = tpu.memref_slice %arg8[%dma_start3A_29, %dma_start3A_30] : memref<4224x128xf32, #tpu.memory_space<vmem_shared>> -> memref<4224x128xf32, #tpu.memory_space<vmem_shared>>
      tpu.enqueue_indirect_dma source(%dma_start3A_25 : memref<128x128xf32, #tpu.memory_space<vmem>>) target(%dma_start3A_31 : memref<4224x128xf32, #tpu.memory_space<vmem_shared>>) offsets(%dma_start3A_28 : memref<128xi32, #tpu.memory_space<vmem>>) semaphore(%run_scoped3A_23 : memref<!tpu.dma_semaphore, #tpu.memory_space<semaphore_mem>>) {add = true}
      %dma_wait3A = arith.constant 128 : i32
      %dma_wait3A_32 = arith.constant 0 : i32
      %dma_wait3A_33 = tpu.memref_slice %arg6[%dma_wait3A, %dma_wait3A_32] : memref<640x128xf32, #tpu.memory_space<vmem>> -> memref<128x128xf32, #tpu.memory_space<vmem>>
      %dma_wait3A_34 = arith.constant 0 : i32
      %dma_wait3A_35 = tpu.memref_slice %arg7[%run_scoped3A_9, %dma_wait3A_34] : memref<6x128xi32, #tpu.memory_space<vmem>> -> memref<1x128xi32, #tpu.memory_space<vmem>>
      %dma_wait3A_36 = tpu.memref_squeeze %dma_wait3A_35 : memref<1x128xi32, #tpu.memory_space<vmem>> -> memref<128xi32, #tpu.memory_space<vmem>>
      %dma_wait3A_37 = arith.constant 0 : i32
      %dma_wait3A_38 = arith.constant 0 : i32
      %dma_wait3A_39 = tpu.memref_slice %arg8[%dma_wait3A_37, %dma_wait3A_38] : memref<4224x128xf32, #tpu.memory_space<vmem_shared>> -> memref<4224x128xf32, #tpu.memory_space<vmem_shared>>
      tpu.wait_indirect_dma semaphore(%run_scoped3A_23 : memref<!tpu.dma_semaphore, #tpu.memory_space<semaphore_mem>>) src(%dma_wait3A_33 : memref<128x128xf32, #tpu.memory_space<vmem>>) dst(%dma_wait3A_39 : memref<4224x128xf32, #tpu.memory_space<vmem_shared>>)
      tpu.yield
    }) : () -> ()
    %run_scoped3A_10 = arith.constant 2 : i32
    "tpu.region"() ({
      %run_scoped3A_23 = tpu.sem_alloc : memref<!tpu.dma_semaphore, #tpu.memory_space<semaphore_mem>>
      %dma_start3A = arith.constant 256 : i32
      %dma_start3A_24 = arith.constant 0 : i32
      %dma_start3A_25 = tpu.memref_slice %arg6[%dma_start3A, %dma_start3A_24] : memref<640x128xf32, #tpu.memory_space<vmem>> -> memref<128x128xf32, #tpu.memory_space<vmem>>
      %dma_start3A_26 = arith.constant 0 : i32
      %dma_start3A_27 = tpu.memref_slice %arg7[%run_scoped3A_10, %dma_start3A_26] : memref<6x128xi32, #tpu.memory_space<vmem>> -> memref<1x128xi32, #tpu.memory_space<vmem>>
      %dma_start3A_28 = tpu.memref_squeeze %dma_start3A_27 : memref<1x128xi32, #tpu.memory_space<vmem>> -> memref<128xi32, #tpu.memory_space<vmem>>
      %dma_start3A_29 = arith.constant 0 : i32
      %dma_start3A_30 = arith.constant 0 : i32
      %dma_start3A_31 = tpu.memref_slice %arg8[%dma_start3A_29, %dma_start3A_30] : memref<4224x128xf32, #tpu.memory_space<vmem_shared>> -> memref<4224x128xf32, #tpu.memory_space<vmem_shared>>
      tpu.enqueue_indirect_dma source(%dma_start3A_25 : memref<128x128xf32, #tpu.memory_space<vmem>>) target(%dma_start3A_31 : memref<4224x128xf32, #tpu.memory_space<vmem_shared>>) offsets(%dma_start3A_28 : memref<128xi32, #tpu.memory_space<vmem>>) semaphore(%run_scoped3A_23 : memref<!tpu.dma_semaphore, #tpu.memory_space<semaphore_mem>>) {add = true}
      %dma_wait3A = arith.constant 256 : i32
      %dma_wait3A_32 = arith.constant 0 : i32
      %dma_wait3A_33 = tpu.memref_slice %arg6[%dma_wait3A, %dma_wait3A_32] : memref<640x128xf32, #tpu.memory_space<vmem>> -> memref<128x128xf32, #tpu.memory_space<vmem>>
      %dma_wait3A_34 = arith.constant 0 : i32
      %dma_wait3A_35 = tpu.memref_slice %arg7[%run_scoped3A_10, %dma_wait3A_34] : memref<6x128xi32, #tpu.memory_space<vmem>> -> memref<1x128xi32, #tpu.memory_space<vmem>>
      %dma_wait3A_36 = tpu.memref_squeeze %dma_wait3A_35 : memref<1x128xi32, #tpu.memory_space<vmem>> -> memref<128xi32, #tpu.memory_space<vmem>>
      %dma_wait3A_37 = arith.constant 0 : i32
      %dma_wait3A_38 = arith.constant 0 : i32
      %dma_wait3A_39 = tpu.memref_slice %arg8[%dma_wait3A_37, %dma_wait3A_38] : memref<4224x128xf32, #tpu.memory_space<vmem_shared>> -> memref<4224x128xf32, #tpu.memory_space<vmem_shared>>
      tpu.wait_indirect_dma semaphore(%run_scoped3A_23 : memref<!tpu.dma_semaphore, #tpu.memory_space<semaphore_mem>>) src(%dma_wait3A_33 : memref<128x128xf32, #tpu.memory_space<vmem>>) dst(%dma_wait3A_39 : memref<4224x128xf32, #tpu.memory_space<vmem_shared>>)
      tpu.yield
    }) : () -> ()
    %run_scoped3A_11 = arith.constant 3 : i32
    "tpu.region"() ({
      %run_scoped3A_23 = tpu.sem_alloc : memref<!tpu.dma_semaphore, #tpu.memory_space<semaphore_mem>>
      %dma_start3A = arith.constant 384 : i32
      %dma_start3A_24 = arith.constant 0 : i32
      %dma_start3A_25 = tpu.memref_slice %arg6[%dma_start3A, %dma_start3A_24] : memref<640x128xf32, #tpu.memory_space<vmem>> -> memref<128x128xf32, #tpu.memory_space<vmem>>
      %dma_start3A_26 = arith.constant 0 : i32
      %dma_start3A_27 = tpu.memref_slice %arg7[%run_scoped3A_11, %dma_start3A_26] : memref<6x128xi32, #tpu.memory_space<vmem>> -> memref<1x128xi32, #tpu.memory_space<vmem>>
      %dma_start3A_28 = tpu.memref_squeeze %dma_start3A_27 : memref<1x128xi32, #tpu.memory_space<vmem>> -> memref<128xi32, #tpu.memory_space<vmem>>
      %dma_start3A_29 = arith.constant 0 : i32
      %dma_start3A_30 = arith.constant 0 : i32
      %dma_start3A_31 = tpu.memref_slice %arg8[%dma_start3A_29, %dma_start3A_30] : memref<4224x128xf32, #tpu.memory_space<vmem_shared>> -> memref<4224x128xf32, #tpu.memory_space<vmem_shared>>
      tpu.enqueue_indirect_dma source(%dma_start3A_25 : memref<128x128xf32, #tpu.memory_space<vmem>>) target(%dma_start3A_31 : memref<4224x128xf32, #tpu.memory_space<vmem_shared>>) offsets(%dma_start3A_28 : memref<128xi32, #tpu.memory_space<vmem>>) semaphore(%run_scoped3A_23 : memref<!tpu.dma_semaphore, #tpu.memory_space<semaphore_mem>>) {add = true}
      %dma_wait3A = arith.constant 384 : i32
      %dma_wait3A_32 = arith.constant 0 : i32
      %dma_wait3A_33 = tpu.memref_slice %arg6[%dma_wait3A, %dma_wait3A_32] : memref<640x128xf32, #tpu.memory_space<vmem>> -> memref<128x128xf32, #tpu.memory_space<vmem>>
      %dma_wait3A_34 = arith.constant 0 : i32
      %dma_wait3A_35 = tpu.memref_slice %arg7[%run_scoped3A_11, %dma_wait3A_34] : memref<6x128xi32, #tpu.memory_space<vmem>> -> memref<1x128xi32, #tpu.memory_space<vmem>>
      %dma_wait3A_36 = tpu.memref_squeeze %dma_wait3A_35 : memref<1x128xi32, #tpu.memory_space<vmem>> -> memref<128xi32, #tpu.memory_space<vmem>>
      %dma_wait3A_37 = arith.constant 0 : i32
      %dma_wait3A_38 = arith.constant 0 : i32
      %dma_wait3A_39 = tpu.memref_slice %arg8[%dma_wait3A_37, %dma_wait3A_38] : memref<4224x128xf32, #tpu.memory_space<vmem_shared>> -> memref<4224x128xf32, #tpu.memory_space<vmem_shared>>
      tpu.wait_indirect_dma semaphore(%run_scoped3A_23 : memref<!tpu.dma_semaphore, #tpu.memory_space<semaphore_mem>>) src(%dma_wait3A_33 : memref<128x128xf32, #tpu.memory_space<vmem>>) dst(%dma_wait3A_39 : memref<4224x128xf32, #tpu.memory_space<vmem_shared>>)
      tpu.yield
    }) : () -> ()
    %run_scoped3A_12 = arith.constant 4 : i32
    "tpu.region"() ({
      %run_scoped3A_23 = tpu.sem_alloc : memref<!tpu.dma_semaphore, #tpu.memory_space<semaphore_mem>>
      %dma_start3A = arith.constant 512 : i32
      %dma_start3A_24 = arith.constant 0 : i32
      %dma_start3A_25 = tpu.memref_slice %arg6[%dma_start3A, %dma_start3A_24] : memref<640x128xf32, #tpu.memory_space<vmem>> -> memref<128x128xf32, #tpu.memory_space<vmem>>
      %dma_start3A_26 = arith.constant 0 : i32
      %dma_start3A_27 = tpu.memref_slice %arg7[%run_scoped3A_12, %dma_start3A_26] : memref<6x128xi32, #tpu.memory_space<vmem>> -> memref<1x128xi32, #tpu.memory_space<vmem>>
      %dma_start3A_28 = tpu.memref_squeeze %dma_start3A_27 : memref<1x128xi32, #tpu.memory_space<vmem>> -> memref<128xi32, #tpu.memory_space<vmem>>
      %dma_start3A_29 = arith.constant 0 : i32
      %dma_start3A_30 = arith.constant 0 : i32
      %dma_start3A_31 = tpu.memref_slice %arg8[%dma_start3A_29, %dma_start3A_30] : memref<4224x128xf32, #tpu.memory_space<vmem_shared>> -> memref<4224x128xf32, #tpu.memory_space<vmem_shared>>
      tpu.enqueue_indirect_dma source(%dma_start3A_25 : memref<128x128xf32, #tpu.memory_space<vmem>>) target(%dma_start3A_31 : memref<4224x128xf32, #tpu.memory_space<vmem_shared>>) offsets(%dma_start3A_28 : memref<128xi32, #tpu.memory_space<vmem>>) semaphore(%run_scoped3A_23 : memref<!tpu.dma_semaphore, #tpu.memory_space<semaphore_mem>>) {add = true}
      %dma_wait3A = arith.constant 512 : i32
      %dma_wait3A_32 = arith.constant 0 : i32
      %dma_wait3A_33 = tpu.memref_slice %arg6[%dma_wait3A, %dma_wait3A_32] : memref<640x128xf32, #tpu.memory_space<vmem>> -> memref<128x128xf32, #tpu.memory_space<vmem>>
      %dma_wait3A_34 = arith.constant 0 : i32
      %dma_wait3A_35 = tpu.memref_slice %arg7[%run_scoped3A_12, %dma_wait3A_34] : memref<6x128xi32, #tpu.memory_space<vmem>> -> memref<1x128xi32, #tpu.memory_space<vmem>>
      %dma_wait3A_36 = tpu.memref_squeeze %dma_wait3A_35 : memref<1x128xi32, #tpu.memory_space<vmem>> -> memref<128xi32, #tpu.memory_space<vmem>>
      %dma_wait3A_37 = arith.constant 0 : i32
      %dma_wait3A_38 = arith.constant 0 : i32
      %dma_wait3A_39 = tpu.memref_slice %arg8[%dma_wait3A_37, %dma_wait3A_38] : memref<4224x128xf32, #tpu.memory_space<vmem_shared>> -> memref<4224x128xf32, #tpu.memory_space<vmem_shared>>
      tpu.wait_indirect_dma semaphore(%run_scoped3A_23 : memref<!tpu.dma_semaphore, #tpu.memory_space<semaphore_mem>>) src(%dma_wait3A_33 : memref<128x128xf32, #tpu.memory_space<vmem>>) dst(%dma_wait3A_39 : memref<4224x128xf32, #tpu.memory_space<vmem_shared>>)
      tpu.yield
    }) : () -> ()
    %mul3A_13 = arith.constant 768 : i32
    %mul3A_14 = arith.muli %add3A, %mul3A_13 : i32
    %add3A_15 = arith.constant 640 : i32
    %add3A_16 = arith.addi %mul3A_14, %add3A_15 : i32
    "tpu.region"() ({
      %run_scoped3A_23 = tpu.sem_alloc : memref<!tpu.dma_semaphore, #tpu.memory_space<semaphore_mem>>
      %dma_start3A = arith.constant 0 : i32
      %dma_start3A_24 = arith.constant 0 : i32
      %dma_start3A_25 = tpu.memref_slice %arg6[%dma_start3A, %dma_start3A_24] : memref<640x128xf32, #tpu.memory_space<vmem>> -> memref<128x128xf32, #tpu.memory_space<vmem>>
      %dma_start3A_26 = arith.constant 0 : i32
      %dma_start3A_27 = tpu.memref_slice %arg2[%add3A_16, %dma_start3A_26] : memref<24576x128xf32, #tpu.memory_space<hbm>> -> memref<128x128xf32, #tpu.memory_space<hbm>>
      %dma_start3A_28 = arith.constant 0 : i32
      %dma_start3A_29 = arith.constant 0 : i32
      %dma_start3A_30 = tpu.memref_slice %arg6[%dma_start3A_28, %dma_start3A_29] : memref<640x128xf32, #tpu.memory_space<vmem>> -> memref<128x128xf32, #tpu.memory_space<vmem>>
      %dma_start3A_31 = arith.constant 0 : i32
      %dma_start3A_32 = tpu.memref_slice %arg2[%add3A_16, %dma_start3A_31] : memref<24576x128xf32, #tpu.memory_space<hbm>> -> memref<128x128xf32, #tpu.memory_space<hbm>>
      tpu.enqueue_dma source(%dma_start3A_32 : memref<128x128xf32, #tpu.memory_space<hbm>>) target(%dma_start3A_30 : memref<128x128xf32, #tpu.memory_space<vmem>>) target_semaphore(%run_scoped3A_23 : memref<!tpu.dma_semaphore, #tpu.memory_space<semaphore_mem>>)
      %dma_wait3A = arith.constant 0 : i32
      %dma_wait3A_33 = arith.constant 0 : i32
      %dma_wait3A_34 = tpu.memref_slice %arg6[%dma_wait3A, %dma_wait3A_33] : memref<640x128xf32, #tpu.memory_space<vmem>> -> memref<128x128xf32, #tpu.memory_space<vmem>>
      %dma_wait3A_35 = arith.constant 0 : i32
      %dma_wait3A_36 = tpu.memref_slice %arg2[%add3A_16, %dma_wait3A_35] : memref<24576x128xf32, #tpu.memory_space<hbm>> -> memref<128x128xf32, #tpu.memory_space<hbm>>
      %dma_wait3A_37 = arith.constant 0 : i32
      %dma_wait3A_38 = arith.constant 0 : i32
      %dma_wait3A_39 = tpu.memref_slice %arg6[%dma_wait3A_37, %dma_wait3A_38] : memref<640x128xf32, #tpu.memory_space<vmem>> -> memref<128x128xf32, #tpu.memory_space<vmem>>
      %dma_wait3A_40 = arith.constant 0 : i32
      %dma_wait3A_41 = tpu.memref_slice %arg2[%add3A_16, %dma_wait3A_40] : memref<24576x128xf32, #tpu.memory_space<hbm>> -> memref<128x128xf32, #tpu.memory_space<hbm>>
      tpu.wait_dma2 semaphore(%run_scoped3A_23 : memref<!tpu.dma_semaphore, #tpu.memory_space<semaphore_mem>>) src(%dma_wait3A_41 : memref<128x128xf32, #tpu.memory_space<hbm>>) dst(%dma_wait3A_39 : memref<128x128xf32, #tpu.memory_space<vmem>>)
      tpu.yield
    }) : () -> ()
    %run_scoped3A_17 = arith.constant 5 : i32
    "tpu.region"() ({
      %run_scoped3A_23 = tpu.sem_alloc : memref<!tpu.dma_semaphore, #tpu.memory_space<semaphore_mem>>
      %dma_start3A = arith.constant 0 : i32
      %dma_start3A_24 = arith.constant 0 : i32
      %dma_start3A_25 = tpu.memref_slice %arg6[%dma_start3A, %dma_start3A_24] : memref<640x128xf32, #tpu.memory_space<vmem>> -> memref<128x128xf32, #tpu.memory_space<vmem>>
      %dma_start3A_26 = arith.constant 0 : i32
      %dma_start3A_27 = tpu.memref_slice %arg7[%run_scoped3A_17, %dma_start3A_26] : memref<6x128xi32, #tpu.memory_space<vmem>> -> memref<1x128xi32, #tpu.memory_space<vmem>>
      %dma_start3A_28 = tpu.memref_squeeze %dma_start3A_27 : memref<1x128xi32, #tpu.memory_space<vmem>> -> memref<128xi32, #tpu.memory_space<vmem>>
      %dma_start3A_29 = arith.constant 0 : i32
      %dma_start3A_30 = arith.constant 0 : i32
      %dma_start3A_31 = tpu.memref_slice %arg8[%dma_start3A_29, %dma_start3A_30] : memref<4224x128xf32, #tpu.memory_space<vmem_shared>> -> memref<4224x128xf32, #tpu.memory_space<vmem_shared>>
      tpu.enqueue_indirect_dma source(%dma_start3A_25 : memref<128x128xf32, #tpu.memory_space<vmem>>) target(%dma_start3A_31 : memref<4224x128xf32, #tpu.memory_space<vmem_shared>>) offsets(%dma_start3A_28 : memref<128xi32, #tpu.memory_space<vmem>>) semaphore(%run_scoped3A_23 : memref<!tpu.dma_semaphore, #tpu.memory_space<semaphore_mem>>) {add = true}
      %dma_wait3A = arith.constant 0 : i32
      %dma_wait3A_32 = arith.constant 0 : i32
      %dma_wait3A_33 = tpu.memref_slice %arg6[%dma_wait3A, %dma_wait3A_32] : memref<640x128xf32, #tpu.memory_space<vmem>> -> memref<128x128xf32, #tpu.memory_space<vmem>>
      %dma_wait3A_34 = arith.constant 0 : i32
      %dma_wait3A_35 = tpu.memref_slice %arg7[%run_scoped3A_17, %dma_wait3A_34] : memref<6x128xi32, #tpu.memory_space<vmem>> -> memref<1x128xi32, #tpu.memory_space<vmem>>
      %dma_wait3A_36 = tpu.memref_squeeze %dma_wait3A_35 : memref<1x128xi32, #tpu.memory_space<vmem>> -> memref<128xi32, #tpu.memory_space<vmem>>
      %dma_wait3A_37 = arith.constant 0 : i32
      %dma_wait3A_38 = arith.constant 0 : i32
      %dma_wait3A_39 = tpu.memref_slice %arg8[%dma_wait3A_37, %dma_wait3A_38] : memref<4224x128xf32, #tpu.memory_space<vmem_shared>> -> memref<4224x128xf32, #tpu.memory_space<vmem_shared>>
      tpu.wait_indirect_dma semaphore(%run_scoped3A_23 : memref<!tpu.dma_semaphore, #tpu.memory_space<semaphore_mem>>) src(%dma_wait3A_33 : memref<128x128xf32, #tpu.memory_space<vmem>>) dst(%dma_wait3A_39 : memref<4224x128xf32, #tpu.memory_space<vmem_shared>>)
      tpu.yield
    }) : () -> ()
    %barrier3A_18 = arith.constant 0 : index
    tpu.barrier barrier_id(%barrier3A_18)
    %mul3A_19 = arith.constant 256 : i32
    %mul3A_20 = arith.muli %arg1, %mul3A_19 : i32
    "tpu.region"() ({
      %run_scoped3A_23 = tpu.sem_alloc : memref<!tpu.dma_semaphore, #tpu.memory_space<semaphore_mem>>
      %dma_start3A = arith.constant 0 : i32
      %dma_start3A_24 = arith.constant 0 : i32
      %dma_start3A_25 = tpu.memref_slice %arg6[%dma_start3A, %dma_start3A_24] : memref<640x128xf32, #tpu.memory_space<vmem>> -> memref<256x128xf32, #tpu.memory_space<vmem>>
      %dma_start3A_26 = arith.constant 0 : i32
      %dma_start3A_27 = tpu.memref_slice %arg8[%mul3A_20, %dma_start3A_26] : memref<4224x128xf32, #tpu.memory_space<vmem_shared>> -> memref<256x128xf32, #tpu.memory_space<vmem_shared>>
      %dma_start3A_28 = arith.constant 0 : i32
      %dma_start3A_29 = arith.constant 0 : i32
      %dma_start3A_30 = tpu.memref_slice %arg6[%dma_start3A_28, %dma_start3A_29] : memref<640x128xf32, #tpu.memory_space<vmem>> -> memref<256x128xf32, #tpu.memory_space<vmem>>
      %dma_start3A_31 = arith.constant 0 : i32
      %dma_start3A_32 = tpu.memref_slice %arg8[%mul3A_20, %dma_start3A_31] : memref<4224x128xf32, #tpu.memory_space<vmem_shared>> -> memref<256x128xf32, #tpu.memory_space<vmem_shared>>
      tpu.enqueue_dma source(%dma_start3A_32 : memref<256x128xf32, #tpu.memory_space<vmem_shared>>) target(%dma_start3A_30 : memref<256x128xf32, #tpu.memory_space<vmem>>) target_semaphore(%run_scoped3A_23 : memref<!tpu.dma_semaphore, #tpu.memory_space<semaphore_mem>>)
      %dma_wait3A = arith.constant 0 : i32
      %dma_wait3A_33 = arith.constant 0 : i32
      %dma_wait3A_34 = tpu.memref_slice %arg6[%dma_wait3A, %dma_wait3A_33] : memref<640x128xf32, #tpu.memory_space<vmem>> -> memref<256x128xf32, #tpu.memory_space<vmem>>
      %dma_wait3A_35 = arith.constant 0 : i32
      %dma_wait3A_36 = tpu.memref_slice %arg8[%mul3A_20, %dma_wait3A_35] : memref<4224x128xf32, #tpu.memory_space<vmem_shared>> -> memref<256x128xf32, #tpu.memory_space<vmem_shared>>
      %dma_wait3A_37 = arith.constant 0 : i32
      %dma_wait3A_38 = arith.constant 0 : i32
      %dma_wait3A_39 = tpu.memref_slice %arg6[%dma_wait3A_37, %dma_wait3A_38] : memref<640x128xf32, #tpu.memory_space<vmem>> -> memref<256x128xf32, #tpu.memory_space<vmem>>
      %dma_wait3A_40 = arith.constant 0 : i32
      %dma_wait3A_41 = tpu.memref_slice %arg8[%mul3A_20, %dma_wait3A_40] : memref<4224x128xf32, #tpu.memory_space<vmem_shared>> -> memref<256x128xf32, #tpu.memory_space<vmem_shared>>
      tpu.wait_dma2 semaphore(%run_scoped3A_23 : memref<!tpu.dma_semaphore, #tpu.memory_space<semaphore_mem>>) src(%dma_wait3A_41 : memref<256x128xf32, #tpu.memory_space<vmem_shared>>) dst(%dma_wait3A_39 : memref<256x128xf32, #tpu.memory_space<vmem>>)
      tpu.yield
    }) : () -> ()
    %mul3A_21 = arith.constant 256 : i32
    %mul3A_22 = arith.muli %arg1, %mul3A_21 : i32
    "tpu.region"() ({
      %run_scoped3A_23 = tpu.sem_alloc : memref<!tpu.dma_semaphore, #tpu.memory_space<semaphore_mem>>
      %dma_start3A = arith.constant 0 : i32
      %dma_start3A_24 = arith.constant 0 : i32
      %dma_start3A_25 = tpu.memref_slice %arg6[%dma_start3A, %dma_start3A_24] : memref<640x128xf32, #tpu.memory_space<vmem>> -> memref<256x128xf32, #tpu.memory_space<vmem>>
      %dma_start3A_26 = arith.constant 0 : i32
      %dma_start3A_27 = tpu.memref_slice %arg5[%arg0, %mul3A_22, %dma_start3A_26] : memref<2x4096x128xf32, #tpu.memory_space<hbm>> -> memref<1x256x128xf32, #tpu.memory_space<hbm>>
      %dma_start3A_28 = tpu.memref_squeeze %dma_start3A_27 : memref<1x256x128xf32, #tpu.memory_space<hbm>> -> memref<256x128xf32, #tpu.memory_space<hbm>>
      %dma_start3A_29 = arith.constant 0 : i32
      %dma_start3A_30 = tpu.memref_slice %arg5[%arg0, %mul3A_22, %dma_start3A_29] : memref<2x4096x128xf32, #tpu.memory_space<hbm>> -> memref<1x256x128xf32, #tpu.memory_space<hbm>>
      %dma_start3A_31 = tpu.memref_squeeze %dma_start3A_30 : memref<1x256x128xf32, #tpu.memory_space<hbm>> -> memref<256x128xf32, #tpu.memory_space<hbm>>
      %dma_start3A_32 = arith.constant 0 : i32
      %dma_start3A_33 = arith.constant 0 : i32
      %dma_start3A_34 = tpu.memref_slice %arg6[%dma_start3A_32, %dma_start3A_33] : memref<640x128xf32, #tpu.memory_space<vmem>> -> memref<256x128xf32, #tpu.memory_space<vmem>>
      tpu.enqueue_dma source(%dma_start3A_34 : memref<256x128xf32, #tpu.memory_space<vmem>>) target(%dma_start3A_31 : memref<256x128xf32, #tpu.memory_space<hbm>>) target_semaphore(%run_scoped3A_23 : memref<!tpu.dma_semaphore, #tpu.memory_space<semaphore_mem>>)
      %dma_wait3A = arith.constant 0 : i32
      %dma_wait3A_35 = arith.constant 0 : i32
      %dma_wait3A_36 = tpu.memref_slice %arg6[%dma_wait3A, %dma_wait3A_35] : memref<640x128xf32, #tpu.memory_space<vmem>> -> memref<256x128xf32, #tpu.memory_space<vmem>>
      %dma_wait3A_37 = arith.constant 0 : i32
      %dma_wait3A_38 = tpu.memref_slice %arg5[%arg0, %mul3A_22, %dma_wait3A_37] : memref<2x4096x128xf32, #tpu.memory_space<hbm>> -> memref<1x256x128xf32, #tpu.memory_space<hbm>>
      %dma_wait3A_39 = tpu.memref_squeeze %dma_wait3A_38 : memref<1x256x128xf32, #tpu.memory_space<hbm>> -> memref<256x128xf32, #tpu.memory_space<hbm>>
      %dma_wait3A_40 = arith.constant 0 : i32
      %dma_wait3A_41 = tpu.memref_slice %arg5[%arg0, %mul3A_22, %dma_wait3A_40] : memref<2x4096x128xf32, #tpu.memory_space<hbm>> -> memref<1x256x128xf32, #tpu.memory_space<hbm>>
      %dma_wait3A_42 = tpu.memref_squeeze %dma_wait3A_41 : memref<1x256x128xf32, #tpu.memory_space<hbm>> -> memref<256x128xf32, #tpu.memory_space<hbm>>
      %dma_wait3A_43 = arith.constant 0 : i32
      %dma_wait3A_44 = arith.constant 0 : i32
      %dma_wait3A_45 = tpu.memref_slice %arg6[%dma_wait3A_43, %dma_wait3A_44] : memref<640x128xf32, #tpu.memory_space<vmem>> -> memref<256x128xf32, #tpu.memory_space<vmem>>
      tpu.wait_dma2 semaphore(%run_scoped3A_23 : memref<!tpu.dma_semaphore, #tpu.memory_space<semaphore_mem>>) src(%dma_wait3A_45 : memref<256x128xf32, #tpu.memory_space<vmem>>) dst(%dma_wait3A_42 : memref<256x128xf32, #tpu.memory_space<hbm>>)
      tpu.yield
    }) : () -> ()
    return
  }
}

#map = affine_map<(d0, d1) -> (0, 0)>
#map1 = affine_map<(d0, d1) -> (0, 0, 0)>
module attributes {stable_mosaic.version = 14 : i64} {
  func.func @_seg_sum_sc(%arg0: i32, %arg1: i32, %arg2: memref<81920x128xf32, #tpu.memory_space<hbm>>, %arg3: memref<32x20x128xi32, #tpu.memory_space<hbm>>, %arg4: memref<4224x128xf32, #tpu.memory_space<hbm>>, %arg5: memref<2x4096x128xf32, #tpu.memory_space<hbm>>, %arg6: memref<640x128xf32, #tpu.memory_space<vmem>>, %arg7: memref<20x128xi32, #tpu.memory_space<vmem>>, %arg8: memref<4224x128xf32, #tpu.memory_space<vmem_shared>>) attributes {dimension_semantics = [#tpu.dimension_semantics<core_parallel>, #tpu.dimension_semantics<subcore_parallel>], iteration_bounds = array<i64: 2, 16>, scalar_prefetch = 0 : i64, scratch_operands = 3 : i64, tpu.core_type = #tpu.core_type<sc_vector_subcore>, window_params = [{transform_indices = #map}, {transform_indices = #map1}, {transform_indices = #map}, {transform_indices = #map1}]} {
    %mul3A = arith.constant 16 : i32
    %mul3A_0 = arith.muli %arg0, %mul3A : i32
    %add3A = arith.addi %mul3A_0, %arg1 : i32
    %mul3A_1 = arith.constant 264 : i32
    %mul3A_2 = arith.muli %arg1, %mul3A_1 : i32
    "tpu.region"() ({
      %run_scoped3A_45 = tpu.sem_alloc : memref<!tpu.dma_semaphore, #tpu.memory_space<semaphore_mem>>
      %dma_start3A = arith.constant 0 : i32
      %dma_start3A_46 = arith.constant 0 : i32
      %dma_start3A_47 = tpu.memref_slice %arg6[%dma_start3A, %dma_start3A_46] : memref<640x128xf32, #tpu.memory_space<vmem>> -> memref<264x128xf32, #tpu.memory_space<vmem>>
      %dma_start3A_48 = arith.constant 0 : i32
      %dma_start3A_49 = tpu.memref_slice %arg4[%mul3A_2, %dma_start3A_48] : memref<4224x128xf32, #tpu.memory_space<hbm>> -> memref<264x128xf32, #tpu.memory_space<hbm>>
      %dma_start3A_50 = arith.constant 0 : i32
      %dma_start3A_51 = arith.constant 0 : i32
      %dma_start3A_52 = tpu.memref_slice %arg6[%dma_start3A_50, %dma_start3A_51] : memref<640x128xf32, #tpu.memory_space<vmem>> -> memref<264x128xf32, #tpu.memory_space<vmem>>
      %dma_start3A_53 = arith.constant 0 : i32
      %dma_start3A_54 = tpu.memref_slice %arg4[%mul3A_2, %dma_start3A_53] : memref<4224x128xf32, #tpu.memory_space<hbm>> -> memref<264x128xf32, #tpu.memory_space<hbm>>
      tpu.enqueue_dma source(%dma_start3A_54 : memref<264x128xf32, #tpu.memory_space<hbm>>) target(%dma_start3A_52 : memref<264x128xf32, #tpu.memory_space<vmem>>) target_semaphore(%run_scoped3A_45 : memref<!tpu.dma_semaphore, #tpu.memory_space<semaphore_mem>>)
      %dma_wait3A = arith.constant 0 : i32
      %dma_wait3A_55 = arith.constant 0 : i32
      %dma_wait3A_56 = tpu.memref_slice %arg6[%dma_wait3A, %dma_wait3A_55] : memref<640x128xf32, #tpu.memory_space<vmem>> -> memref<264x128xf32, #tpu.memory_space<vmem>>
      %dma_wait3A_57 = arith.constant 0 : i32
      %dma_wait3A_58 = tpu.memref_slice %arg4[%mul3A_2, %dma_wait3A_57] : memref<4224x128xf32, #tpu.memory_space<hbm>> -> memref<264x128xf32, #tpu.memory_space<hbm>>
      %dma_wait3A_59 = arith.constant 0 : i32
      %dma_wait3A_60 = arith.constant 0 : i32
      %dma_wait3A_61 = tpu.memref_slice %arg6[%dma_wait3A_59, %dma_wait3A_60] : memref<640x128xf32, #tpu.memory_space<vmem>> -> memref<264x128xf32, #tpu.memory_space<vmem>>
      %dma_wait3A_62 = arith.constant 0 : i32
      %dma_wait3A_63 = tpu.memref_slice %arg4[%mul3A_2, %dma_wait3A_62] : memref<4224x128xf32, #tpu.memory_space<hbm>> -> memref<264x128xf32, #tpu.memory_space<hbm>>
      tpu.wait_dma2 semaphore(%run_scoped3A_45 : memref<!tpu.dma_semaphore, #tpu.memory_space<semaphore_mem>>) src(%dma_wait3A_63 : memref<264x128xf32, #tpu.memory_space<hbm>>) dst(%dma_wait3A_61 : memref<264x128xf32, #tpu.memory_space<vmem>>)
      tpu.yield
    }) : () -> ()
    %mul3A_3 = arith.constant 264 : i32
    %mul3A_4 = arith.muli %arg1, %mul3A_3 : i32
    "tpu.region"() ({
      %run_scoped3A_45 = tpu.sem_alloc : memref<!tpu.dma_semaphore, #tpu.memory_space<semaphore_mem>>
      %dma_start3A = arith.constant 0 : i32
      %dma_start3A_46 = arith.constant 0 : i32
      %dma_start3A_47 = tpu.memref_slice %arg6[%dma_start3A, %dma_start3A_46] : memref<640x128xf32, #tpu.memory_space<vmem>> -> memref<264x128xf32, #tpu.memory_space<vmem>>
      %dma_start3A_48 = arith.constant 0 : i32
      %dma_start3A_49 = tpu.memref_slice %arg8[%mul3A_4, %dma_start3A_48] : memref<4224x128xf32, #tpu.memory_space<vmem_shared>> -> memref<264x128xf32, #tpu.memory_space<vmem_shared>>
      %dma_start3A_50 = arith.constant 0 : i32
      %dma_start3A_51 = tpu.memref_slice %arg8[%mul3A_4, %dma_start3A_50] : memref<4224x128xf32, #tpu.memory_space<vmem_shared>> -> memref<264x128xf32, #tpu.memory_space<vmem_shared>>
      %dma_start3A_52 = arith.constant 0 : i32
      %dma_start3A_53 = arith.constant 0 : i32
      %dma_start3A_54 = tpu.memref_slice %arg6[%dma_start3A_52, %dma_start3A_53] : memref<640x128xf32, #tpu.memory_space<vmem>> -> memref<264x128xf32, #tpu.memory_space<vmem>>
      tpu.enqueue_dma source(%dma_start3A_54 : memref<264x128xf32, #tpu.memory_space<vmem>>) target(%dma_start3A_51 : memref<264x128xf32, #tpu.memory_space<vmem_shared>>) target_semaphore(%run_scoped3A_45 : memref<!tpu.dma_semaphore, #tpu.memory_space<semaphore_mem>>)
      %dma_wait3A = arith.constant 0 : i32
      %dma_wait3A_55 = arith.constant 0 : i32
      %dma_wait3A_56 = tpu.memref_slice %arg6[%dma_wait3A, %dma_wait3A_55] : memref<640x128xf32, #tpu.memory_space<vmem>> -> memref<264x128xf32, #tpu.memory_space<vmem>>
      %dma_wait3A_57 = arith.constant 0 : i32
      %dma_wait3A_58 = tpu.memref_slice %arg8[%mul3A_4, %dma_wait3A_57] : memref<4224x128xf32, #tpu.memory_space<vmem_shared>> -> memref<264x128xf32, #tpu.memory_space<vmem_shared>>
      %dma_wait3A_59 = arith.constant 0 : i32
      %dma_wait3A_60 = tpu.memref_slice %arg8[%mul3A_4, %dma_wait3A_59] : memref<4224x128xf32, #tpu.memory_space<vmem_shared>> -> memref<264x128xf32, #tpu.memory_space<vmem_shared>>
      %dma_wait3A_61 = arith.constant 0 : i32
      %dma_wait3A_62 = arith.constant 0 : i32
      %dma_wait3A_63 = tpu.memref_slice %arg6[%dma_wait3A_61, %dma_wait3A_62] : memref<640x128xf32, #tpu.memory_space<vmem>> -> memref<264x128xf32, #tpu.memory_space<vmem>>
      tpu.wait_dma2 semaphore(%run_scoped3A_45 : memref<!tpu.dma_semaphore, #tpu.memory_space<semaphore_mem>>) src(%dma_wait3A_63 : memref<264x128xf32, #tpu.memory_space<vmem>>) dst(%dma_wait3A_60 : memref<264x128xf32, #tpu.memory_space<vmem_shared>>)
      tpu.yield
    }) : () -> ()
    "tpu.region"() ({
      %run_scoped3A_45 = tpu.sem_alloc : memref<!tpu.dma_semaphore, #tpu.memory_space<semaphore_mem>>
      %dma_start3A = arith.constant 0 : i32
      %dma_start3A_46 = arith.constant 0 : i32
      %dma_start3A_47 = tpu.memref_slice %arg3[%add3A, %dma_start3A, %dma_start3A_46] : memref<32x20x128xi32, #tpu.memory_space<hbm>> -> memref<1x20x128xi32, #tpu.memory_space<hbm>>
      %dma_start3A_48 = tpu.memref_squeeze %dma_start3A_47 : memref<1x20x128xi32, #tpu.memory_space<hbm>> -> memref<20x128xi32, #tpu.memory_space<hbm>>
      %dma_start3A_49 = arith.constant 0 : i32
      %dma_start3A_50 = arith.constant 0 : i32
      %dma_start3A_51 = tpu.memref_slice %arg3[%add3A, %dma_start3A_49, %dma_start3A_50] : memref<32x20x128xi32, #tpu.memory_space<hbm>> -> memref<1x20x128xi32, #tpu.memory_space<hbm>>
      %dma_start3A_52 = tpu.memref_squeeze %dma_start3A_51 : memref<1x20x128xi32, #tpu.memory_space<hbm>> -> memref<20x128xi32, #tpu.memory_space<hbm>>
      tpu.enqueue_dma source(%dma_start3A_52 : memref<20x128xi32, #tpu.memory_space<hbm>>) target(%arg7 : memref<20x128xi32, #tpu.memory_space<vmem>>) target_semaphore(%run_scoped3A_45 : memref<!tpu.dma_semaphore, #tpu.memory_space<semaphore_mem>>)
      %dma_wait3A = arith.constant 0 : i32
      %dma_wait3A_53 = arith.constant 0 : i32
      %dma_wait3A_54 = tpu.memref_slice %arg3[%add3A, %dma_wait3A, %dma_wait3A_53] : memref<32x20x128xi32, #tpu.memory_space<hbm>> -> memref<1x20x128xi32, #tpu.memory_space<hbm>>
      %dma_wait3A_55 = tpu.memref_squeeze %dma_wait3A_54 : memref<1x20x128xi32, #tpu.memory_space<hbm>> -> memref<20x128xi32, #tpu.memory_space<hbm>>
      %dma_wait3A_56 = arith.constant 0 : i32
      %dma_wait3A_57 = arith.constant 0 : i32
      %dma_wait3A_58 = tpu.memref_slice %arg3[%add3A, %dma_wait3A_56, %dma_wait3A_57] : memref<32x20x128xi32, #tpu.memory_space<hbm>> -> memref<1x20x128xi32, #tpu.memory_space<hbm>>
      %dma_wait3A_59 = tpu.memref_squeeze %dma_wait3A_58 : memref<1x20x128xi32, #tpu.memory_space<hbm>> -> memref<20x128xi32, #tpu.memory_space<hbm>>
      tpu.wait_dma2 semaphore(%run_scoped3A_45 : memref<!tpu.dma_semaphore, #tpu.memory_space<semaphore_mem>>) src(%dma_wait3A_59 : memref<20x128xi32, #tpu.memory_space<hbm>>) dst(%arg7 : memref<20x128xi32, #tpu.memory_space<vmem>>)
      tpu.yield
    }) : () -> ()
    %barrier3A = arith.constant 0 : index
    tpu.barrier barrier_id(%barrier3A)
    %mul3A_5 = arith.constant 2560 : i32
    %mul3A_6 = arith.muli %add3A, %mul3A_5 : i32
    %add3A_7 = arith.constant 0 : i32
    %add3A_8 = arith.addi %mul3A_6, %add3A_7 : i32
    "tpu.region"() ({
      %run_scoped3A_45 = tpu.sem_alloc : memref<!tpu.dma_semaphore, #tpu.memory_space<semaphore_mem>>
      %dma_start3A = arith.constant 0 : i32
      %dma_start3A_46 = arith.constant 0 : i32
      %dma_start3A_47 = tpu.memref_slice %arg6[%dma_start3A, %dma_start3A_46] : memref<640x128xf32, #tpu.memory_space<vmem>> -> memref<640x128xf32, #tpu.memory_space<vmem>>
      %dma_start3A_48 = arith.constant 0 : i32
      %dma_start3A_49 = tpu.memref_slice %arg2[%add3A_8, %dma_start3A_48] : memref<81920x128xf32, #tpu.memory_space<hbm>> -> memref<640x128xf32, #tpu.memory_space<hbm>>
      %dma_start3A_50 = arith.constant 0 : i32
      %dma_start3A_51 = arith.constant 0 : i32
      %dma_start3A_52 = tpu.memref_slice %arg6[%dma_start3A_50, %dma_start3A_51] : memref<640x128xf32, #tpu.memory_space<vmem>> -> memref<640x128xf32, #tpu.memory_space<vmem>>
      %dma_start3A_53 = arith.constant 0 : i32
      %dma_start3A_54 = tpu.memref_slice %arg2[%add3A_8, %dma_start3A_53] : memref<81920x128xf32, #tpu.memory_space<hbm>> -> memref<640x128xf32, #tpu.memory_space<hbm>>
      tpu.enqueue_dma source(%dma_start3A_54 : memref<640x128xf32, #tpu.memory_space<hbm>>) target(%dma_start3A_52 : memref<640x128xf32, #tpu.memory_space<vmem>>) target_semaphore(%run_scoped3A_45 : memref<!tpu.dma_semaphore, #tpu.memory_space<semaphore_mem>>)
      %dma_wait3A = arith.constant 0 : i32
      %dma_wait3A_55 = arith.constant 0 : i32
      %dma_wait3A_56 = tpu.memref_slice %arg6[%dma_wait3A, %dma_wait3A_55] : memref<640x128xf32, #tpu.memory_space<vmem>> -> memref<640x128xf32, #tpu.memory_space<vmem>>
      %dma_wait3A_57 = arith.constant 0 : i32
      %dma_wait3A_58 = tpu.memref_slice %arg2[%add3A_8, %dma_wait3A_57] : memref<81920x128xf32, #tpu.memory_space<hbm>> -> memref<640x128xf32, #tpu.memory_space<hbm>>
      %dma_wait3A_59 = arith.constant 0 : i32
      %dma_wait3A_60 = arith.constant 0 : i32
      %dma_wait3A_61 = tpu.memref_slice %arg6[%dma_wait3A_59, %dma_wait3A_60] : memref<640x128xf32, #tpu.memory_space<vmem>> -> memref<640x128xf32, #tpu.memory_space<vmem>>
      %dma_wait3A_62 = arith.constant 0 : i32
      %dma_wait3A_63 = tpu.memref_slice %arg2[%add3A_8, %dma_wait3A_62] : memref<81920x128xf32, #tpu.memory_space<hbm>> -> memref<640x128xf32, #tpu.memory_space<hbm>>
      tpu.wait_dma2 semaphore(%run_scoped3A_45 : memref<!tpu.dma_semaphore, #tpu.memory_space<semaphore_mem>>) src(%dma_wait3A_63 : memref<640x128xf32, #tpu.memory_space<hbm>>) dst(%dma_wait3A_61 : memref<640x128xf32, #tpu.memory_space<vmem>>)
      tpu.yield
    }) : () -> ()
    %run_scoped3A = arith.constant 0 : i32
    "tpu.region"() ({
      %run_scoped3A_45 = tpu.sem_alloc : memref<!tpu.dma_semaphore, #tpu.memory_space<semaphore_mem>>
      %dma_start3A = arith.constant 0 : i32
      %dma_start3A_46 = arith.constant 0 : i32
      %dma_start3A_47 = tpu.memref_slice %arg6[%dma_start3A, %dma_start3A_46] : memref<640x128xf32, #tpu.memory_space<vmem>> -> memref<128x128xf32, #tpu.memory_space<vmem>>
      %dma_start3A_48 = arith.constant 0 : i32
      %dma_start3A_49 = tpu.memref_slice %arg7[%run_scoped3A, %dma_start3A_48] : memref<20x128xi32, #tpu.memory_space<vmem>> -> memref<1x128xi32, #tpu.memory_space<vmem>>
      %dma_start3A_50 = tpu.memref_squeeze %dma_start3A_49 : memref<1x128xi32, #tpu.memory_space<vmem>> -> memref<128xi32, #tpu.memory_space<vmem>>
      %dma_start3A_51 = arith.constant 0 : i32
      %dma_start3A_52 = arith.constant 0 : i32
      %dma_start3A_53 = tpu.memref_slice %arg8[%dma_start3A_51, %dma_start3A_52] : memref<4224x128xf32, #tpu.memory_space<vmem_shared>> -> memref<4224x128xf32, #tpu.memory_space<vmem_shared>>
      tpu.enqueue_indirect_dma source(%dma_start3A_47 : memref<128x128xf32, #tpu.memory_space<vmem>>) target(%dma_start3A_53 : memref<4224x128xf32, #tpu.memory_space<vmem_shared>>) offsets(%dma_start3A_50 : memref<128xi32, #tpu.memory_space<vmem>>) semaphore(%run_scoped3A_45 : memref<!tpu.dma_semaphore, #tpu.memory_space<semaphore_mem>>) {add = true}
      %dma_wait3A = arith.constant 0 : i32
      %dma_wait3A_54 = arith.constant 0 : i32
      %dma_wait3A_55 = tpu.memref_slice %arg6[%dma_wait3A, %dma_wait3A_54] : memref<640x128xf32, #tpu.memory_space<vmem>> -> memref<128x128xf32, #tpu.memory_space<vmem>>
      %dma_wait3A_56 = arith.constant 0 : i32
      %dma_wait3A_57 = tpu.memref_slice %arg7[%run_scoped3A, %dma_wait3A_56] : memref<20x128xi32, #tpu.memory_space<vmem>> -> memref<1x128xi32, #tpu.memory_space<vmem>>
      %dma_wait3A_58 = tpu.memref_squeeze %dma_wait3A_57 : memref<1x128xi32, #tpu.memory_space<vmem>> -> memref<128xi32, #tpu.memory_space<vmem>>
      %dma_wait3A_59 = arith.constant 0 : i32
      %dma_wait3A_60 = arith.constant 0 : i32
      %dma_wait3A_61 = tpu.memref_slice %arg8[%dma_wait3A_59, %dma_wait3A_60] : memref<4224x128xf32, #tpu.memory_space<vmem_shared>> -> memref<4224x128xf32, #tpu.memory_space<vmem_shared>>
      tpu.wait_indirect_dma semaphore(%run_scoped3A_45 : memref<!tpu.dma_semaphore, #tpu.memory_space<semaphore_mem>>) src(%dma_wait3A_55 : memref<128x128xf32, #tpu.memory_space<vmem>>) dst(%dma_wait3A_61 : memref<4224x128xf32, #tpu.memory_space<vmem_shared>>)
      tpu.yield
    }) : () -> ()
    %run_scoped3A_9 = arith.constant 1 : i32
    "tpu.region"() ({
      %run_scoped3A_45 = tpu.sem_alloc : memref<!tpu.dma_semaphore, #tpu.memory_space<semaphore_mem>>
      %dma_start3A = arith.constant 128 : i32
      %dma_start3A_46 = arith.constant 0 : i32
      %dma_start3A_47 = tpu.memref_slice %arg6[%dma_start3A, %dma_start3A_46] : memref<640x128xf32, #tpu.memory_space<vmem>> -> memref<128x128xf32, #tpu.memory_space<vmem>>
      %dma_start3A_48 = arith.constant 0 : i32
      %dma_start3A_49 = tpu.memref_slice %arg7[%run_scoped3A_9, %dma_start3A_48] : memref<20x128xi32, #tpu.memory_space<vmem>> -> memref<1x128xi32, #tpu.memory_space<vmem>>
      %dma_start3A_50 = tpu.memref_squeeze %dma_start3A_49 : memref<1x128xi32, #tpu.memory_space<vmem>> -> memref<128xi32, #tpu.memory_space<vmem>>
      %dma_start3A_51 = arith.constant 0 : i32
      %dma_start3A_52 = arith.constant 0 : i32
      %dma_start3A_53 = tpu.memref_slice %arg8[%dma_start3A_51, %dma_start3A_52] : memref<4224x128xf32, #tpu.memory_space<vmem_shared>> -> memref<4224x128xf32, #tpu.memory_space<vmem_shared>>
      tpu.enqueue_indirect_dma source(%dma_start3A_47 : memref<128x128xf32, #tpu.memory_space<vmem>>) target(%dma_start3A_53 : memref<4224x128xf32, #tpu.memory_space<vmem_shared>>) offsets(%dma_start3A_50 : memref<128xi32, #tpu.memory_space<vmem>>) semaphore(%run_scoped3A_45 : memref<!tpu.dma_semaphore, #tpu.memory_space<semaphore_mem>>) {add = true}
      %dma_wait3A = arith.constant 128 : i32
      %dma_wait3A_54 = arith.constant 0 : i32
      %dma_wait3A_55 = tpu.memref_slice %arg6[%dma_wait3A, %dma_wait3A_54] : memref<640x128xf32, #tpu.memory_space<vmem>> -> memref<128x128xf32, #tpu.memory_space<vmem>>
      %dma_wait3A_56 = arith.constant 0 : i32
      %dma_wait3A_57 = tpu.memref_slice %arg7[%run_scoped3A_9, %dma_wait3A_56] : memref<20x128xi32, #tpu.memory_space<vmem>> -> memref<1x128xi32, #tpu.memory_space<vmem>>
      %dma_wait3A_58 = tpu.memref_squeeze %dma_wait3A_57 : memref<1x128xi32, #tpu.memory_space<vmem>> -> memref<128xi32, #tpu.memory_space<vmem>>
      %dma_wait3A_59 = arith.constant 0 : i32
      %dma_wait3A_60 = arith.constant 0 : i32
      %dma_wait3A_61 = tpu.memref_slice %arg8[%dma_wait3A_59, %dma_wait3A_60] : memref<4224x128xf32, #tpu.memory_space<vmem_shared>> -> memref<4224x128xf32, #tpu.memory_space<vmem_shared>>
      tpu.wait_indirect_dma semaphore(%run_scoped3A_45 : memref<!tpu.dma_semaphore, #tpu.memory_space<semaphore_mem>>) src(%dma_wait3A_55 : memref<128x128xf32, #tpu.memory_space<vmem>>) dst(%dma_wait3A_61 : memref<4224x128xf32, #tpu.memory_space<vmem_shared>>)
      tpu.yield
    }) : () -> ()
    %run_scoped3A_10 = arith.constant 2 : i32
    "tpu.region"() ({
      %run_scoped3A_45 = tpu.sem_alloc : memref<!tpu.dma_semaphore, #tpu.memory_space<semaphore_mem>>
      %dma_start3A = arith.constant 256 : i32
      %dma_start3A_46 = arith.constant 0 : i32
      %dma_start3A_47 = tpu.memref_slice %arg6[%dma_start3A, %dma_start3A_46] : memref<640x128xf32, #tpu.memory_space<vmem>> -> memref<128x128xf32, #tpu.memory_space<vmem>>
      %dma_start3A_48 = arith.constant 0 : i32
      %dma_start3A_49 = tpu.memref_slice %arg7[%run_scoped3A_10, %dma_start3A_48] : memref<20x128xi32, #tpu.memory_space<vmem>> -> memref<1x128xi32, #tpu.memory_space<vmem>>
      %dma_start3A_50 = tpu.memref_squeeze %dma_start3A_49 : memref<1x128xi32, #tpu.memory_space<vmem>> -> memref<128xi32, #tpu.memory_space<vmem>>
      %dma_start3A_51 = arith.constant 0 : i32
      %dma_start3A_52 = arith.constant 0 : i32
      %dma_start3A_53 = tpu.memref_slice %arg8[%dma_start3A_51, %dma_start3A_52] : memref<4224x128xf32, #tpu.memory_space<vmem_shared>> -> memref<4224x128xf32, #tpu.memory_space<vmem_shared>>
      tpu.enqueue_indirect_dma source(%dma_start3A_47 : memref<128x128xf32, #tpu.memory_space<vmem>>) target(%dma_start3A_53 : memref<4224x128xf32, #tpu.memory_space<vmem_shared>>) offsets(%dma_start3A_50 : memref<128xi32, #tpu.memory_space<vmem>>) semaphore(%run_scoped3A_45 : memref<!tpu.dma_semaphore, #tpu.memory_space<semaphore_mem>>) {add = true}
      %dma_wait3A = arith.constant 256 : i32
      %dma_wait3A_54 = arith.constant 0 : i32
      %dma_wait3A_55 = tpu.memref_slice %arg6[%dma_wait3A, %dma_wait3A_54] : memref<640x128xf32, #tpu.memory_space<vmem>> -> memref<128x128xf32, #tpu.memory_space<vmem>>
      %dma_wait3A_56 = arith.constant 0 : i32
      %dma_wait3A_57 = tpu.memref_slice %arg7[%run_scoped3A_10, %dma_wait3A_56] : memref<20x128xi32, #tpu.memory_space<vmem>> -> memref<1x128xi32, #tpu.memory_space<vmem>>
      %dma_wait3A_58 = tpu.memref_squeeze %dma_wait3A_57 : memref<1x128xi32, #tpu.memory_space<vmem>> -> memref<128xi32, #tpu.memory_space<vmem>>
      %dma_wait3A_59 = arith.constant 0 : i32
      %dma_wait3A_60 = arith.constant 0 : i32
      %dma_wait3A_61 = tpu.memref_slice %arg8[%dma_wait3A_59, %dma_wait3A_60] : memref<4224x128xf32, #tpu.memory_space<vmem_shared>> -> memref<4224x128xf32, #tpu.memory_space<vmem_shared>>
      tpu.wait_indirect_dma semaphore(%run_scoped3A_45 : memref<!tpu.dma_semaphore, #tpu.memory_space<semaphore_mem>>) src(%dma_wait3A_55 : memref<128x128xf32, #tpu.memory_space<vmem>>) dst(%dma_wait3A_61 : memref<4224x128xf32, #tpu.memory_space<vmem_shared>>)
      tpu.yield
    }) : () -> ()
    %run_scoped3A_11 = arith.constant 3 : i32
    "tpu.region"() ({
      %run_scoped3A_45 = tpu.sem_alloc : memref<!tpu.dma_semaphore, #tpu.memory_space<semaphore_mem>>
      %dma_start3A = arith.constant 384 : i32
      %dma_start3A_46 = arith.constant 0 : i32
      %dma_start3A_47 = tpu.memref_slice %arg6[%dma_start3A, %dma_start3A_46] : memref<640x128xf32, #tpu.memory_space<vmem>> -> memref<128x128xf32, #tpu.memory_space<vmem>>
      %dma_start3A_48 = arith.constant 0 : i32
      %dma_start3A_49 = tpu.memref_slice %arg7[%run_scoped3A_11, %dma_start3A_48] : memref<20x128xi32, #tpu.memory_space<vmem>> -> memref<1x128xi32, #tpu.memory_space<vmem>>
      %dma_start3A_50 = tpu.memref_squeeze %dma_start3A_49 : memref<1x128xi32, #tpu.memory_space<vmem>> -> memref<128xi32, #tpu.memory_space<vmem>>
      %dma_start3A_51 = arith.constant 0 : i32
      %dma_start3A_52 = arith.constant 0 : i32
      %dma_start3A_53 = tpu.memref_slice %arg8[%dma_start3A_51, %dma_start3A_52] : memref<4224x128xf32, #tpu.memory_space<vmem_shared>> -> memref<4224x128xf32, #tpu.memory_space<vmem_shared>>
      tpu.enqueue_indirect_dma source(%dma_start3A_47 : memref<128x128xf32, #tpu.memory_space<vmem>>) target(%dma_start3A_53 : memref<4224x128xf32, #tpu.memory_space<vmem_shared>>) offsets(%dma_start3A_50 : memref<128xi32, #tpu.memory_space<vmem>>) semaphore(%run_scoped3A_45 : memref<!tpu.dma_semaphore, #tpu.memory_space<semaphore_mem>>) {add = true}
      %dma_wait3A = arith.constant 384 : i32
      %dma_wait3A_54 = arith.constant 0 : i32
      %dma_wait3A_55 = tpu.memref_slice %arg6[%dma_wait3A, %dma_wait3A_54] : memref<640x128xf32, #tpu.memory_space<vmem>> -> memref<128x128xf32, #tpu.memory_space<vmem>>
      %dma_wait3A_56 = arith.constant 0 : i32
      %dma_wait3A_57 = tpu.memref_slice %arg7[%run_scoped3A_11, %dma_wait3A_56] : memref<20x128xi32, #tpu.memory_space<vmem>> -> memref<1x128xi32, #tpu.memory_space<vmem>>
      %dma_wait3A_58 = tpu.memref_squeeze %dma_wait3A_57 : memref<1x128xi32, #tpu.memory_space<vmem>> -> memref<128xi32, #tpu.memory_space<vmem>>
      %dma_wait3A_59 = arith.constant 0 : i32
      %dma_wait3A_60 = arith.constant 0 : i32
      %dma_wait3A_61 = tpu.memref_slice %arg8[%dma_wait3A_59, %dma_wait3A_60] : memref<4224x128xf32, #tpu.memory_space<vmem_shared>> -> memref<4224x128xf32, #tpu.memory_space<vmem_shared>>
      tpu.wait_indirect_dma semaphore(%run_scoped3A_45 : memref<!tpu.dma_semaphore, #tpu.memory_space<semaphore_mem>>) src(%dma_wait3A_55 : memref<128x128xf32, #tpu.memory_space<vmem>>) dst(%dma_wait3A_61 : memref<4224x128xf32, #tpu.memory_space<vmem_shared>>)
      tpu.yield
    }) : () -> ()
    %run_scoped3A_12 = arith.constant 4 : i32
    "tpu.region"() ({
      %run_scoped3A_45 = tpu.sem_alloc : memref<!tpu.dma_semaphore, #tpu.memory_space<semaphore_mem>>
      %dma_start3A = arith.constant 512 : i32
      %dma_start3A_46 = arith.constant 0 : i32
      %dma_start3A_47 = tpu.memref_slice %arg6[%dma_start3A, %dma_start3A_46] : memref<640x128xf32, #tpu.memory_space<vmem>> -> memref<128x128xf32, #tpu.memory_space<vmem>>
      %dma_start3A_48 = arith.constant 0 : i32
      %dma_start3A_49 = tpu.memref_slice %arg7[%run_scoped3A_12, %dma_start3A_48] : memref<20x128xi32, #tpu.memory_space<vmem>> -> memref<1x128xi32, #tpu.memory_space<vmem>>
      %dma_start3A_50 = tpu.memref_squeeze %dma_start3A_49 : memref<1x128xi32, #tpu.memory_space<vmem>> -> memref<128xi32, #tpu.memory_space<vmem>>
      %dma_start3A_51 = arith.constant 0 : i32
      %dma_start3A_52 = arith.constant 0 : i32
      %dma_start3A_53 = tpu.memref_slice %arg8[%dma_start3A_51, %dma_start3A_52] : memref<4224x128xf32, #tpu.memory_space<vmem_shared>> -> memref<4224x128xf32, #tpu.memory_space<vmem_shared>>
      tpu.enqueue_indirect_dma source(%dma_start3A_47 : memref<128x128xf32, #tpu.memory_space<vmem>>) target(%dma_start3A_53 : memref<4224x128xf32, #tpu.memory_space<vmem_shared>>) offsets(%dma_start3A_50 : memref<128xi32, #tpu.memory_space<vmem>>) semaphore(%run_scoped3A_45 : memref<!tpu.dma_semaphore, #tpu.memory_space<semaphore_mem>>) {add = true}
      %dma_wait3A = arith.constant 512 : i32
      %dma_wait3A_54 = arith.constant 0 : i32
      %dma_wait3A_55 = tpu.memref_slice %arg6[%dma_wait3A, %dma_wait3A_54] : memref<640x128xf32, #tpu.memory_space<vmem>> -> memref<128x128xf32, #tpu.memory_space<vmem>>
      %dma_wait3A_56 = arith.constant 0 : i32
      %dma_wait3A_57 = tpu.memref_slice %arg7[%run_scoped3A_12, %dma_wait3A_56] : memref<20x128xi32, #tpu.memory_space<vmem>> -> memref<1x128xi32, #tpu.memory_space<vmem>>
      %dma_wait3A_58 = tpu.memref_squeeze %dma_wait3A_57 : memref<1x128xi32, #tpu.memory_space<vmem>> -> memref<128xi32, #tpu.memory_space<vmem>>
      %dma_wait3A_59 = arith.constant 0 : i32
      %dma_wait3A_60 = arith.constant 0 : i32
      %dma_wait3A_61 = tpu.memref_slice %arg8[%dma_wait3A_59, %dma_wait3A_60] : memref<4224x128xf32, #tpu.memory_space<vmem_shared>> -> memref<4224x128xf32, #tpu.memory_space<vmem_shared>>
      tpu.wait_indirect_dma semaphore(%run_scoped3A_45 : memref<!tpu.dma_semaphore, #tpu.memory_space<semaphore_mem>>) src(%dma_wait3A_55 : memref<128x128xf32, #tpu.memory_space<vmem>>) dst(%dma_wait3A_61 : memref<4224x128xf32, #tpu.memory_space<vmem_shared>>)
      tpu.yield
    }) : () -> ()
    %mul3A_13 = arith.constant 2560 : i32
    %mul3A_14 = arith.muli %add3A, %mul3A_13 : i32
    %add3A_15 = arith.constant 640 : i32
    %add3A_16 = arith.addi %mul3A_14, %add3A_15 : i32
    "tpu.region"() ({
      %run_scoped3A_45 = tpu.sem_alloc : memref<!tpu.dma_semaphore, #tpu.memory_space<semaphore_mem>>
      %dma_start3A = arith.constant 0 : i32
      %dma_start3A_46 = arith.constant 0 : i32
      %dma_start3A_47 = tpu.memref_slice %arg6[%dma_start3A, %dma_start3A_46] : memref<640x128xf32, #tpu.memory_space<vmem>> -> memref<640x128xf32, #tpu.memory_space<vmem>>
      %dma_start3A_48 = arith.constant 0 : i32
      %dma_start3A_49 = tpu.memref_slice %arg2[%add3A_16, %dma_start3A_48] : memref<81920x128xf32, #tpu.memory_space<hbm>> -> memref<640x128xf32, #tpu.memory_space<hbm>>
      %dma_start3A_50 = arith.constant 0 : i32
      %dma_start3A_51 = arith.constant 0 : i32
      %dma_start3A_52 = tpu.memref_slice %arg6[%dma_start3A_50, %dma_start3A_51] : memref<640x128xf32, #tpu.memory_space<vmem>> -> memref<640x128xf32, #tpu.memory_space<vmem>>
      %dma_start3A_53 = arith.constant 0 : i32
      %dma_start3A_54 = tpu.memref_slice %arg2[%add3A_16, %dma_start3A_53] : memref<81920x128xf32, #tpu.memory_space<hbm>> -> memref<640x128xf32, #tpu.memory_space<hbm>>
      tpu.enqueue_dma source(%dma_start3A_54 : memref<640x128xf32, #tpu.memory_space<hbm>>) target(%dma_start3A_52 : memref<640x128xf32, #tpu.memory_space<vmem>>) target_semaphore(%run_scoped3A_45 : memref<!tpu.dma_semaphore, #tpu.memory_space<semaphore_mem>>)
      %dma_wait3A = arith.constant 0 : i32
      %dma_wait3A_55 = arith.constant 0 : i32
      %dma_wait3A_56 = tpu.memref_slice %arg6[%dma_wait3A, %dma_wait3A_55] : memref<640x128xf32, #tpu.memory_space<vmem>> -> memref<640x128xf32, #tpu.memory_space<vmem>>
      %dma_wait3A_57 = arith.constant 0 : i32
      %dma_wait3A_58 = tpu.memref_slice %arg2[%add3A_16, %dma_wait3A_57] : memref<81920x128xf32, #tpu.memory_space<hbm>> -> memref<640x128xf32, #tpu.memory_space<hbm>>
      %dma_wait3A_59 = arith.constant 0 : i32
      %dma_wait3A_60 = arith.constant 0 : i32
      %dma_wait3A_61 = tpu.memref_slice %arg6[%dma_wait3A_59, %dma_wait3A_60] : memref<640x128xf32, #tpu.memory_space<vmem>> -> memref<640x128xf32, #tpu.memory_space<vmem>>
      %dma_wait3A_62 = arith.constant 0 : i32
      %dma_wait3A_63 = tpu.memref_slice %arg2[%add3A_16, %dma_wait3A_62] : memref<81920x128xf32, #tpu.memory_space<hbm>> -> memref<640x128xf32, #tpu.memory_space<hbm>>
      tpu.wait_dma2 semaphore(%run_scoped3A_45 : memref<!tpu.dma_semaphore, #tpu.memory_space<semaphore_mem>>) src(%dma_wait3A_63 : memref<640x128xf32, #tpu.memory_space<hbm>>) dst(%dma_wait3A_61 : memref<640x128xf32, #tpu.memory_space<vmem>>)
      tpu.yield
    }) : () -> ()
    %run_scoped3A_17 = arith.constant 5 : i32
    "tpu.region"() ({
      %run_scoped3A_45 = tpu.sem_alloc : memref<!tpu.dma_semaphore, #tpu.memory_space<semaphore_mem>>
      %dma_start3A = arith.constant 0 : i32
      %dma_start3A_46 = arith.constant 0 : i32
      %dma_start3A_47 = tpu.memref_slice %arg6[%dma_start3A, %dma_start3A_46] : memref<640x128xf32, #tpu.memory_space<vmem>> -> memref<128x128xf32, #tpu.memory_space<vmem>>
      %dma_start3A_48 = arith.constant 0 : i32
      %dma_start3A_49 = tpu.memref_slice %arg7[%run_scoped3A_17, %dma_start3A_48] : memref<20x128xi32, #tpu.memory_space<vmem>> -> memref<1x128xi32, #tpu.memory_space<vmem>>
      %dma_start3A_50 = tpu.memref_squeeze %dma_start3A_49 : memref<1x128xi32, #tpu.memory_space<vmem>> -> memref<128xi32, #tpu.memory_space<vmem>>
      %dma_start3A_51 = arith.constant 0 : i32
      %dma_start3A_52 = arith.constant 0 : i32
      %dma_start3A_53 = tpu.memref_slice %arg8[%dma_start3A_51, %dma_start3A_52] : memref<4224x128xf32, #tpu.memory_space<vmem_shared>> -> memref<4224x128xf32, #tpu.memory_space<vmem_shared>>
      tpu.enqueue_indirect_dma source(%dma_start3A_47 : memref<128x128xf32, #tpu.memory_space<vmem>>) target(%dma_start3A_53 : memref<4224x128xf32, #tpu.memory_space<vmem_shared>>) offsets(%dma_start3A_50 : memref<128xi32, #tpu.memory_space<vmem>>) semaphore(%run_scoped3A_45 : memref<!tpu.dma_semaphore, #tpu.memory_space<semaphore_mem>>) {add = true}
      %dma_wait3A = arith.constant 0 : i32
      %dma_wait3A_54 = arith.constant 0 : i32
      %dma_wait3A_55 = tpu.memref_slice %arg6[%dma_wait3A, %dma_wait3A_54] : memref<640x128xf32, #tpu.memory_space<vmem>> -> memref<128x128xf32, #tpu.memory_space<vmem>>
      %dma_wait3A_56 = arith.constant 0 : i32
      %dma_wait3A_57 = tpu.memref_slice %arg7[%run_scoped3A_17, %dma_wait3A_56] : memref<20x128xi32, #tpu.memory_space<vmem>> -> memref<1x128xi32, #tpu.memory_space<vmem>>
      %dma_wait3A_58 = tpu.memref_squeeze %dma_wait3A_57 : memref<1x128xi32, #tpu.memory_space<vmem>> -> memref<128xi32, #tpu.memory_space<vmem>>
      %dma_wait3A_59 = arith.constant 0 : i32
      %dma_wait3A_60 = arith.constant 0 : i32
      %dma_wait3A_61 = tpu.memref_slice %arg8[%dma_wait3A_59, %dma_wait3A_60] : memref<4224x128xf32, #tpu.memory_space<vmem_shared>> -> memref<4224x128xf32, #tpu.memory_space<vmem_shared>>
      tpu.wait_indirect_dma semaphore(%run_scoped3A_45 : memref<!tpu.dma_semaphore, #tpu.memory_space<semaphore_mem>>) src(%dma_wait3A_55 : memref<128x128xf32, #tpu.memory_space<vmem>>) dst(%dma_wait3A_61 : memref<4224x128xf32, #tpu.memory_space<vmem_shared>>)
      tpu.yield
    }) : () -> ()
    %run_scoped3A_18 = arith.constant 6 : i32
    "tpu.region"() ({
      %run_scoped3A_45 = tpu.sem_alloc : memref<!tpu.dma_semaphore, #tpu.memory_space<semaphore_mem>>
      %dma_start3A = arith.constant 128 : i32
      %dma_start3A_46 = arith.constant 0 : i32
      %dma_start3A_47 = tpu.memref_slice %arg6[%dma_start3A, %dma_start3A_46] : memref<640x128xf32, #tpu.memory_space<vmem>> -> memref<128x128xf32, #tpu.memory_space<vmem>>
      %dma_start3A_48 = arith.constant 0 : i32
      %dma_start3A_49 = tpu.memref_slice %arg7[%run_scoped3A_18, %dma_start3A_48] : memref<20x128xi32, #tpu.memory_space<vmem>> -> memref<1x128xi32, #tpu.memory_space<vmem>>
      %dma_start3A_50 = tpu.memref_squeeze %dma_start3A_49 : memref<1x128xi32, #tpu.memory_space<vmem>> -> memref<128xi32, #tpu.memory_space<vmem>>
      %dma_start3A_51 = arith.constant 0 : i32
      %dma_start3A_52 = arith.constant 0 : i32
      %dma_start3A_53 = tpu.memref_slice %arg8[%dma_start3A_51, %dma_start3A_52] : memref<4224x128xf32, #tpu.memory_space<vmem_shared>> -> memref<4224x128xf32, #tpu.memory_space<vmem_shared>>
      tpu.enqueue_indirect_dma source(%dma_start3A_47 : memref<128x128xf32, #tpu.memory_space<vmem>>) target(%dma_start3A_53 : memref<4224x128xf32, #tpu.memory_space<vmem_shared>>) offsets(%dma_start3A_50 : memref<128xi32, #tpu.memory_space<vmem>>) semaphore(%run_scoped3A_45 : memref<!tpu.dma_semaphore, #tpu.memory_space<semaphore_mem>>) {add = true}
      %dma_wait3A = arith.constant 128 : i32
      %dma_wait3A_54 = arith.constant 0 : i32
      %dma_wait3A_55 = tpu.memref_slice %arg6[%dma_wait3A, %dma_wait3A_54] : memref<640x128xf32, #tpu.memory_space<vmem>> -> memref<128x128xf32, #tpu.memory_space<vmem>>
      %dma_wait3A_56 = arith.constant 0 : i32
      %dma_wait3A_57 = tpu.memref_slice %arg7[%run_scoped3A_18, %dma_wait3A_56] : memref<20x128xi32, #tpu.memory_space<vmem>> -> memref<1x128xi32, #tpu.memory_space<vmem>>
      %dma_wait3A_58 = tpu.memref_squeeze %dma_wait3A_57 : memref<1x128xi32, #tpu.memory_space<vmem>> -> memref<128xi32, #tpu.memory_space<vmem>>
      %dma_wait3A_59 = arith.constant 0 : i32
      %dma_wait3A_60 = arith.constant 0 : i32
      %dma_wait3A_61 = tpu.memref_slice %arg8[%dma_wait3A_59, %dma_wait3A_60] : memref<4224x128xf32, #tpu.memory_space<vmem_shared>> -> memref<4224x128xf32, #tpu.memory_space<vmem_shared>>
      tpu.wait_indirect_dma semaphore(%run_scoped3A_45 : memref<!tpu.dma_semaphore, #tpu.memory_space<semaphore_mem>>) src(%dma_wait3A_55 : memref<128x128xf32, #tpu.memory_space<vmem>>) dst(%dma_wait3A_61 : memref<4224x128xf32, #tpu.memory_space<vmem_shared>>)
      tpu.yield
    }) : () -> ()
    %run_scoped3A_19 = arith.constant 7 : i32
    "tpu.region"() ({
      %run_scoped3A_45 = tpu.sem_alloc : memref<!tpu.dma_semaphore, #tpu.memory_space<semaphore_mem>>
      %dma_start3A = arith.constant 256 : i32
      %dma_start3A_46 = arith.constant 0 : i32
      %dma_start3A_47 = tpu.memref_slice %arg6[%dma_start3A, %dma_start3A_46] : memref<640x128xf32, #tpu.memory_space<vmem>> -> memref<128x128xf32, #tpu.memory_space<vmem>>
      %dma_start3A_48 = arith.constant 0 : i32
      %dma_start3A_49 = tpu.memref_slice %arg7[%run_scoped3A_19, %dma_start3A_48] : memref<20x128xi32, #tpu.memory_space<vmem>> -> memref<1x128xi32, #tpu.memory_space<vmem>>
      %dma_start3A_50 = tpu.memref_squeeze %dma_start3A_49 : memref<1x128xi32, #tpu.memory_space<vmem>> -> memref<128xi32, #tpu.memory_space<vmem>>
      %dma_start3A_51 = arith.constant 0 : i32
      %dma_start3A_52 = arith.constant 0 : i32
      %dma_start3A_53 = tpu.memref_slice %arg8[%dma_start3A_51, %dma_start3A_52] : memref<4224x128xf32, #tpu.memory_space<vmem_shared>> -> memref<4224x128xf32, #tpu.memory_space<vmem_shared>>
      tpu.enqueue_indirect_dma source(%dma_start3A_47 : memref<128x128xf32, #tpu.memory_space<vmem>>) target(%dma_start3A_53 : memref<4224x128xf32, #tpu.memory_space<vmem_shared>>) offsets(%dma_start3A_50 : memref<128xi32, #tpu.memory_space<vmem>>) semaphore(%run_scoped3A_45 : memref<!tpu.dma_semaphore, #tpu.memory_space<semaphore_mem>>) {add = true}
      %dma_wait3A = arith.constant 256 : i32
      %dma_wait3A_54 = arith.constant 0 : i32
      %dma_wait3A_55 = tpu.memref_slice %arg6[%dma_wait3A, %dma_wait3A_54] : memref<640x128xf32, #tpu.memory_space<vmem>> -> memref<128x128xf32, #tpu.memory_space<vmem>>
      %dma_wait3A_56 = arith.constant 0 : i32
      %dma_wait3A_57 = tpu.memref_slice %arg7[%run_scoped3A_19, %dma_wait3A_56] : memref<20x128xi32, #tpu.memory_space<vmem>> -> memref<1x128xi32, #tpu.memory_space<vmem>>
      %dma_wait3A_58 = tpu.memref_squeeze %dma_wait3A_57 : memref<1x128xi32, #tpu.memory_space<vmem>> -> memref<128xi32, #tpu.memory_space<vmem>>
      %dma_wait3A_59 = arith.constant 0 : i32
      %dma_wait3A_60 = arith.constant 0 : i32
      %dma_wait3A_61 = tpu.memref_slice %arg8[%dma_wait3A_59, %dma_wait3A_60] : memref<4224x128xf32, #tpu.memory_space<vmem_shared>> -> memref<4224x128xf32, #tpu.memory_space<vmem_shared>>
      tpu.wait_indirect_dma semaphore(%run_scoped3A_45 : memref<!tpu.dma_semaphore, #tpu.memory_space<semaphore_mem>>) src(%dma_wait3A_55 : memref<128x128xf32, #tpu.memory_space<vmem>>) dst(%dma_wait3A_61 : memref<4224x128xf32, #tpu.memory_space<vmem_shared>>)
      tpu.yield
    }) : () -> ()
    %run_scoped3A_20 = arith.constant 8 : i32
    "tpu.region"() ({
      %run_scoped3A_45 = tpu.sem_alloc : memref<!tpu.dma_semaphore, #tpu.memory_space<semaphore_mem>>
      %dma_start3A = arith.constant 384 : i32
      %dma_start3A_46 = arith.constant 0 : i32
      %dma_start3A_47 = tpu.memref_slice %arg6[%dma_start3A, %dma_start3A_46] : memref<640x128xf32, #tpu.memory_space<vmem>> -> memref<128x128xf32, #tpu.memory_space<vmem>>
      %dma_start3A_48 = arith.constant 0 : i32
      %dma_start3A_49 = tpu.memref_slice %arg7[%run_scoped3A_20, %dma_start3A_48] : memref<20x128xi32, #tpu.memory_space<vmem>> -> memref<1x128xi32, #tpu.memory_space<vmem>>
      %dma_start3A_50 = tpu.memref_squeeze %dma_start3A_49 : memref<1x128xi32, #tpu.memory_space<vmem>> -> memref<128xi32, #tpu.memory_space<vmem>>
      %dma_start3A_51 = arith.constant 0 : i32
      %dma_start3A_52 = arith.constant 0 : i32
      %dma_start3A_53 = tpu.memref_slice %arg8[%dma_start3A_51, %dma_start3A_52] : memref<4224x128xf32, #tpu.memory_space<vmem_shared>> -> memref<4224x128xf32, #tpu.memory_space<vmem_shared>>
      tpu.enqueue_indirect_dma source(%dma_start3A_47 : memref<128x128xf32, #tpu.memory_space<vmem>>) target(%dma_start3A_53 : memref<4224x128xf32, #tpu.memory_space<vmem_shared>>) offsets(%dma_start3A_50 : memref<128xi32, #tpu.memory_space<vmem>>) semaphore(%run_scoped3A_45 : memref<!tpu.dma_semaphore, #tpu.memory_space<semaphore_mem>>) {add = true}
      %dma_wait3A = arith.constant 384 : i32
      %dma_wait3A_54 = arith.constant 0 : i32
      %dma_wait3A_55 = tpu.memref_slice %arg6[%dma_wait3A, %dma_wait3A_54] : memref<640x128xf32, #tpu.memory_space<vmem>> -> memref<128x128xf32, #tpu.memory_space<vmem>>
      %dma_wait3A_56 = arith.constant 0 : i32
      %dma_wait3A_57 = tpu.memref_slice %arg7[%run_scoped3A_20, %dma_wait3A_56] : memref<20x128xi32, #tpu.memory_space<vmem>> -> memref<1x128xi32, #tpu.memory_space<vmem>>
      %dma_wait3A_58 = tpu.memref_squeeze %dma_wait3A_57 : memref<1x128xi32, #tpu.memory_space<vmem>> -> memref<128xi32, #tpu.memory_space<vmem>>
      %dma_wait3A_59 = arith.constant 0 : i32
      %dma_wait3A_60 = arith.constant 0 : i32
      %dma_wait3A_61 = tpu.memref_slice %arg8[%dma_wait3A_59, %dma_wait3A_60] : memref<4224x128xf32, #tpu.memory_space<vmem_shared>> -> memref<4224x128xf32, #tpu.memory_space<vmem_shared>>
      tpu.wait_indirect_dma semaphore(%run_scoped3A_45 : memref<!tpu.dma_semaphore, #tpu.memory_space<semaphore_mem>>) src(%dma_wait3A_55 : memref<128x128xf32, #tpu.memory_space<vmem>>) dst(%dma_wait3A_61 : memref<4224x128xf32, #tpu.memory_space<vmem_shared>>)
      tpu.yield
    }) : () -> ()
    %run_scoped3A_21 = arith.constant 9 : i32
    "tpu.region"() ({
      %run_scoped3A_45 = tpu.sem_alloc : memref<!tpu.dma_semaphore, #tpu.memory_space<semaphore_mem>>
      %dma_start3A = arith.constant 512 : i32
      %dma_start3A_46 = arith.constant 0 : i32
      %dma_start3A_47 = tpu.memref_slice %arg6[%dma_start3A, %dma_start3A_46] : memref<640x128xf32, #tpu.memory_space<vmem>> -> memref<128x128xf32, #tpu.memory_space<vmem>>
      %dma_start3A_48 = arith.constant 0 : i32
      %dma_start3A_49 = tpu.memref_slice %arg7[%run_scoped3A_21, %dma_start3A_48] : memref<20x128xi32, #tpu.memory_space<vmem>> -> memref<1x128xi32, #tpu.memory_space<vmem>>
      %dma_start3A_50 = tpu.memref_squeeze %dma_start3A_49 : memref<1x128xi32, #tpu.memory_space<vmem>> -> memref<128xi32, #tpu.memory_space<vmem>>
      %dma_start3A_51 = arith.constant 0 : i32
      %dma_start3A_52 = arith.constant 0 : i32
      %dma_start3A_53 = tpu.memref_slice %arg8[%dma_start3A_51, %dma_start3A_52] : memref<4224x128xf32, #tpu.memory_space<vmem_shared>> -> memref<4224x128xf32, #tpu.memory_space<vmem_shared>>
      tpu.enqueue_indirect_dma source(%dma_start3A_47 : memref<128x128xf32, #tpu.memory_space<vmem>>) target(%dma_start3A_53 : memref<4224x128xf32, #tpu.memory_space<vmem_shared>>) offsets(%dma_start3A_50 : memref<128xi32, #tpu.memory_space<vmem>>) semaphore(%run_scoped3A_45 : memref<!tpu.dma_semaphore, #tpu.memory_space<semaphore_mem>>) {add = true}
      %dma_wait3A = arith.constant 512 : i32
      %dma_wait3A_54 = arith.constant 0 : i32
      %dma_wait3A_55 = tpu.memref_slice %arg6[%dma_wait3A, %dma_wait3A_54] : memref<640x128xf32, #tpu.memory_space<vmem>> -> memref<128x128xf32, #tpu.memory_space<vmem>>
      %dma_wait3A_56 = arith.constant 0 : i32
      %dma_wait3A_57 = tpu.memref_slice %arg7[%run_scoped3A_21, %dma_wait3A_56] : memref<20x128xi32, #tpu.memory_space<vmem>> -> memref<1x128xi32, #tpu.memory_space<vmem>>
      %dma_wait3A_58 = tpu.memref_squeeze %dma_wait3A_57 : memref<1x128xi32, #tpu.memory_space<vmem>> -> memref<128xi32, #tpu.memory_space<vmem>>
      %dma_wait3A_59 = arith.constant 0 : i32
      %dma_wait3A_60 = arith.constant 0 : i32
      %dma_wait3A_61 = tpu.memref_slice %arg8[%dma_wait3A_59, %dma_wait3A_60] : memref<4224x128xf32, #tpu.memory_space<vmem_shared>> -> memref<4224x128xf32, #tpu.memory_space<vmem_shared>>
      tpu.wait_indirect_dma semaphore(%run_scoped3A_45 : memref<!tpu.dma_semaphore, #tpu.memory_space<semaphore_mem>>) src(%dma_wait3A_55 : memref<128x128xf32, #tpu.memory_space<vmem>>) dst(%dma_wait3A_61 : memref<4224x128xf32, #tpu.memory_space<vmem_shared>>)
      tpu.yield
    }) : () -> ()
    %mul3A_22 = arith.constant 2560 : i32
    %mul3A_23 = arith.muli %add3A, %mul3A_22 : i32
    %add3A_24 = arith.constant 1280 : i32
    %add3A_25 = arith.addi %mul3A_23, %add3A_24 : i32
    "tpu.region"() ({
      %run_scoped3A_45 = tpu.sem_alloc : memref<!tpu.dma_semaphore, #tpu.memory_space<semaphore_mem>>
      %dma_start3A = arith.constant 0 : i32
      %dma_start3A_46 = arith.constant 0 : i32
      %dma_start3A_47 = tpu.memref_slice %arg6[%dma_start3A, %dma_start3A_46] : memref<640x128xf32, #tpu.memory_space<vmem>> -> memref<640x128xf32, #tpu.memory_space<vmem>>
      %dma_start3A_48 = arith.constant 0 : i32
      %dma_start3A_49 = tpu.memref_slice %arg2[%add3A_25, %dma_start3A_48] : memref<81920x128xf32, #tpu.memory_space<hbm>> -> memref<640x128xf32, #tpu.memory_space<hbm>>
      %dma_start3A_50 = arith.constant 0 : i32
      %dma_start3A_51 = arith.constant 0 : i32
      %dma_start3A_52 = tpu.memref_slice %arg6[%dma_start3A_50, %dma_start3A_51] : memref<640x128xf32, #tpu.memory_space<vmem>> -> memref<640x128xf32, #tpu.memory_space<vmem>>
      %dma_start3A_53 = arith.constant 0 : i32
      %dma_start3A_54 = tpu.memref_slice %arg2[%add3A_25, %dma_start3A_53] : memref<81920x128xf32, #tpu.memory_space<hbm>> -> memref<640x128xf32, #tpu.memory_space<hbm>>
      tpu.enqueue_dma source(%dma_start3A_54 : memref<640x128xf32, #tpu.memory_space<hbm>>) target(%dma_start3A_52 : memref<640x128xf32, #tpu.memory_space<vmem>>) target_semaphore(%run_scoped3A_45 : memref<!tpu.dma_semaphore, #tpu.memory_space<semaphore_mem>>)
      %dma_wait3A = arith.constant 0 : i32
      %dma_wait3A_55 = arith.constant 0 : i32
      %dma_wait3A_56 = tpu.memref_slice %arg6[%dma_wait3A, %dma_wait3A_55] : memref<640x128xf32, #tpu.memory_space<vmem>> -> memref<640x128xf32, #tpu.memory_space<vmem>>
      %dma_wait3A_57 = arith.constant 0 : i32
      %dma_wait3A_58 = tpu.memref_slice %arg2[%add3A_25, %dma_wait3A_57] : memref<81920x128xf32, #tpu.memory_space<hbm>> -> memref<640x128xf32, #tpu.memory_space<hbm>>
      %dma_wait3A_59 = arith.constant 0 : i32
      %dma_wait3A_60 = arith.constant 0 : i32
      %dma_wait3A_61 = tpu.memref_slice %arg6[%dma_wait3A_59, %dma_wait3A_60] : memref<640x128xf32, #tpu.memory_space<vmem>> -> memref<640x128xf32, #tpu.memory_space<vmem>>
      %dma_wait3A_62 = arith.constant 0 : i32
      %dma_wait3A_63 = tpu.memref_slice %arg2[%add3A_25, %dma_wait3A_62] : memref<81920x128xf32, #tpu.memory_space<hbm>> -> memref<640x128xf32, #tpu.memory_space<hbm>>
      tpu.wait_dma2 semaphore(%run_scoped3A_45 : memref<!tpu.dma_semaphore, #tpu.memory_space<semaphore_mem>>) src(%dma_wait3A_63 : memref<640x128xf32, #tpu.memory_space<hbm>>) dst(%dma_wait3A_61 : memref<640x128xf32, #tpu.memory_space<vmem>>)
      tpu.yield
    }) : () -> ()
    %run_scoped3A_26 = arith.constant 10 : i32
    "tpu.region"() ({
      %run_scoped3A_45 = tpu.sem_alloc : memref<!tpu.dma_semaphore, #tpu.memory_space<semaphore_mem>>
      %dma_start3A = arith.constant 0 : i32
      %dma_start3A_46 = arith.constant 0 : i32
      %dma_start3A_47 = tpu.memref_slice %arg6[%dma_start3A, %dma_start3A_46] : memref<640x128xf32, #tpu.memory_space<vmem>> -> memref<128x128xf32, #tpu.memory_space<vmem>>
      %dma_start3A_48 = arith.constant 0 : i32
      %dma_start3A_49 = tpu.memref_slice %arg7[%run_scoped3A_26, %dma_start3A_48] : memref<20x128xi32, #tpu.memory_space<vmem>> -> memref<1x128xi32, #tpu.memory_space<vmem>>
      %dma_start3A_50 = tpu.memref_squeeze %dma_start3A_49 : memref<1x128xi32, #tpu.memory_space<vmem>> -> memref<128xi32, #tpu.memory_space<vmem>>
      %dma_start3A_51 = arith.constant 0 : i32
      %dma_start3A_52 = arith.constant 0 : i32
      %dma_start3A_53 = tpu.memref_slice %arg8[%dma_start3A_51, %dma_start3A_52] : memref<4224x128xf32, #tpu.memory_space<vmem_shared>> -> memref<4224x128xf32, #tpu.memory_space<vmem_shared>>
      tpu.enqueue_indirect_dma source(%dma_start3A_47 : memref<128x128xf32, #tpu.memory_space<vmem>>) target(%dma_start3A_53 : memref<4224x128xf32, #tpu.memory_space<vmem_shared>>) offsets(%dma_start3A_50 : memref<128xi32, #tpu.memory_space<vmem>>) semaphore(%run_scoped3A_45 : memref<!tpu.dma_semaphore, #tpu.memory_space<semaphore_mem>>) {add = true}
      %dma_wait3A = arith.constant 0 : i32
      %dma_wait3A_54 = arith.constant 0 : i32
      %dma_wait3A_55 = tpu.memref_slice %arg6[%dma_wait3A, %dma_wait3A_54] : memref<640x128xf32, #tpu.memory_space<vmem>> -> memref<128x128xf32, #tpu.memory_space<vmem>>
      %dma_wait3A_56 = arith.constant 0 : i32
      %dma_wait3A_57 = tpu.memref_slice %arg7[%run_scoped3A_26, %dma_wait3A_56] : memref<20x128xi32, #tpu.memory_space<vmem>> -> memref<1x128xi32, #tpu.memory_space<vmem>>
      %dma_wait3A_58 = tpu.memref_squeeze %dma_wait3A_57 : memref<1x128xi32, #tpu.memory_space<vmem>> -> memref<128xi32, #tpu.memory_space<vmem>>
      %dma_wait3A_59 = arith.constant 0 : i32
      %dma_wait3A_60 = arith.constant 0 : i32
      %dma_wait3A_61 = tpu.memref_slice %arg8[%dma_wait3A_59, %dma_wait3A_60] : memref<4224x128xf32, #tpu.memory_space<vmem_shared>> -> memref<4224x128xf32, #tpu.memory_space<vmem_shared>>
      tpu.wait_indirect_dma semaphore(%run_scoped3A_45 : memref<!tpu.dma_semaphore, #tpu.memory_space<semaphore_mem>>) src(%dma_wait3A_55 : memref<128x128xf32, #tpu.memory_space<vmem>>) dst(%dma_wait3A_61 : memref<4224x128xf32, #tpu.memory_space<vmem_shared>>)
      tpu.yield
    }) : () -> ()
    %run_scoped3A_27 = arith.constant 11 : i32
    "tpu.region"() ({
      %run_scoped3A_45 = tpu.sem_alloc : memref<!tpu.dma_semaphore, #tpu.memory_space<semaphore_mem>>
      %dma_start3A = arith.constant 128 : i32
      %dma_start3A_46 = arith.constant 0 : i32
      %dma_start3A_47 = tpu.memref_slice %arg6[%dma_start3A, %dma_start3A_46] : memref<640x128xf32, #tpu.memory_space<vmem>> -> memref<128x128xf32, #tpu.memory_space<vmem>>
      %dma_start3A_48 = arith.constant 0 : i32
      %dma_start3A_49 = tpu.memref_slice %arg7[%run_scoped3A_27, %dma_start3A_48] : memref<20x128xi32, #tpu.memory_space<vmem>> -> memref<1x128xi32, #tpu.memory_space<vmem>>
      %dma_start3A_50 = tpu.memref_squeeze %dma_start3A_49 : memref<1x128xi32, #tpu.memory_space<vmem>> -> memref<128xi32, #tpu.memory_space<vmem>>
      %dma_start3A_51 = arith.constant 0 : i32
      %dma_start3A_52 = arith.constant 0 : i32
      %dma_start3A_53 = tpu.memref_slice %arg8[%dma_start3A_51, %dma_start3A_52] : memref<4224x128xf32, #tpu.memory_space<vmem_shared>> -> memref<4224x128xf32, #tpu.memory_space<vmem_shared>>
      tpu.enqueue_indirect_dma source(%dma_start3A_47 : memref<128x128xf32, #tpu.memory_space<vmem>>) target(%dma_start3A_53 : memref<4224x128xf32, #tpu.memory_space<vmem_shared>>) offsets(%dma_start3A_50 : memref<128xi32, #tpu.memory_space<vmem>>) semaphore(%run_scoped3A_45 : memref<!tpu.dma_semaphore, #tpu.memory_space<semaphore_mem>>) {add = true}
      %dma_wait3A = arith.constant 128 : i32
      %dma_wait3A_54 = arith.constant 0 : i32
      %dma_wait3A_55 = tpu.memref_slice %arg6[%dma_wait3A, %dma_wait3A_54] : memref<640x128xf32, #tpu.memory_space<vmem>> -> memref<128x128xf32, #tpu.memory_space<vmem>>
      %dma_wait3A_56 = arith.constant 0 : i32
      %dma_wait3A_57 = tpu.memref_slice %arg7[%run_scoped3A_27, %dma_wait3A_56] : memref<20x128xi32, #tpu.memory_space<vmem>> -> memref<1x128xi32, #tpu.memory_space<vmem>>
      %dma_wait3A_58 = tpu.memref_squeeze %dma_wait3A_57 : memref<1x128xi32, #tpu.memory_space<vmem>> -> memref<128xi32, #tpu.memory_space<vmem>>
      %dma_wait3A_59 = arith.constant 0 : i32
      %dma_wait3A_60 = arith.constant 0 : i32
      %dma_wait3A_61 = tpu.memref_slice %arg8[%dma_wait3A_59, %dma_wait3A_60] : memref<4224x128xf32, #tpu.memory_space<vmem_shared>> -> memref<4224x128xf32, #tpu.memory_space<vmem_shared>>
      tpu.wait_indirect_dma semaphore(%run_scoped3A_45 : memref<!tpu.dma_semaphore, #tpu.memory_space<semaphore_mem>>) src(%dma_wait3A_55 : memref<128x128xf32, #tpu.memory_space<vmem>>) dst(%dma_wait3A_61 : memref<4224x128xf32, #tpu.memory_space<vmem_shared>>)
      tpu.yield
    }) : () -> ()
    %run_scoped3A_28 = arith.constant 12 : i32
    "tpu.region"() ({
      %run_scoped3A_45 = tpu.sem_alloc : memref<!tpu.dma_semaphore, #tpu.memory_space<semaphore_mem>>
      %dma_start3A = arith.constant 256 : i32
      %dma_start3A_46 = arith.constant 0 : i32
      %dma_start3A_47 = tpu.memref_slice %arg6[%dma_start3A, %dma_start3A_46] : memref<640x128xf32, #tpu.memory_space<vmem>> -> memref<128x128xf32, #tpu.memory_space<vmem>>
      %dma_start3A_48 = arith.constant 0 : i32
      %dma_start3A_49 = tpu.memref_slice %arg7[%run_scoped3A_28, %dma_start3A_48] : memref<20x128xi32, #tpu.memory_space<vmem>> -> memref<1x128xi32, #tpu.memory_space<vmem>>
      %dma_start3A_50 = tpu.memref_squeeze %dma_start3A_49 : memref<1x128xi32, #tpu.memory_space<vmem>> -> memref<128xi32, #tpu.memory_space<vmem>>
      %dma_start3A_51 = arith.constant 0 : i32
      %dma_start3A_52 = arith.constant 0 : i32
      %dma_start3A_53 = tpu.memref_slice %arg8[%dma_start3A_51, %dma_start3A_52] : memref<4224x128xf32, #tpu.memory_space<vmem_shared>> -> memref<4224x128xf32, #tpu.memory_space<vmem_shared>>
      tpu.enqueue_indirect_dma source(%dma_start3A_47 : memref<128x128xf32, #tpu.memory_space<vmem>>) target(%dma_start3A_53 : memref<4224x128xf32, #tpu.memory_space<vmem_shared>>) offsets(%dma_start3A_50 : memref<128xi32, #tpu.memory_space<vmem>>) semaphore(%run_scoped3A_45 : memref<!tpu.dma_semaphore, #tpu.memory_space<semaphore_mem>>) {add = true}
      %dma_wait3A = arith.constant 256 : i32
      %dma_wait3A_54 = arith.constant 0 : i32
      %dma_wait3A_55 = tpu.memref_slice %arg6[%dma_wait3A, %dma_wait3A_54] : memref<640x128xf32, #tpu.memory_space<vmem>> -> memref<128x128xf32, #tpu.memory_space<vmem>>
      %dma_wait3A_56 = arith.constant 0 : i32
      %dma_wait3A_57 = tpu.memref_slice %arg7[%run_scoped3A_28, %dma_wait3A_56] : memref<20x128xi32, #tpu.memory_space<vmem>> -> memref<1x128xi32, #tpu.memory_space<vmem>>
      %dma_wait3A_58 = tpu.memref_squeeze %dma_wait3A_57 : memref<1x128xi32, #tpu.memory_space<vmem>> -> memref<128xi32, #tpu.memory_space<vmem>>
      %dma_wait3A_59 = arith.constant 0 : i32
      %dma_wait3A_60 = arith.constant 0 : i32
      %dma_wait3A_61 = tpu.memref_slice %arg8[%dma_wait3A_59, %dma_wait3A_60] : memref<4224x128xf32, #tpu.memory_space<vmem_shared>> -> memref<4224x128xf32, #tpu.memory_space<vmem_shared>>
      tpu.wait_indirect_dma semaphore(%run_scoped3A_45 : memref<!tpu.dma_semaphore, #tpu.memory_space<semaphore_mem>>) src(%dma_wait3A_55 : memref<128x128xf32, #tpu.memory_space<vmem>>) dst(%dma_wait3A_61 : memref<4224x128xf32, #tpu.memory_space<vmem_shared>>)
      tpu.yield
    }) : () -> ()
    %run_scoped3A_29 = arith.constant 13 : i32
    "tpu.region"() ({
      %run_scoped3A_45 = tpu.sem_alloc : memref<!tpu.dma_semaphore, #tpu.memory_space<semaphore_mem>>
      %dma_start3A = arith.constant 384 : i32
      %dma_start3A_46 = arith.constant 0 : i32
      %dma_start3A_47 = tpu.memref_slice %arg6[%dma_start3A, %dma_start3A_46] : memref<640x128xf32, #tpu.memory_space<vmem>> -> memref<128x128xf32, #tpu.memory_space<vmem>>
      %dma_start3A_48 = arith.constant 0 : i32
      %dma_start3A_49 = tpu.memref_slice %arg7[%run_scoped3A_29, %dma_start3A_48] : memref<20x128xi32, #tpu.memory_space<vmem>> -> memref<1x128xi32, #tpu.memory_space<vmem>>
      %dma_start3A_50 = tpu.memref_squeeze %dma_start3A_49 : memref<1x128xi32, #tpu.memory_space<vmem>> -> memref<128xi32, #tpu.memory_space<vmem>>
      %dma_start3A_51 = arith.constant 0 : i32
      %dma_start3A_52 = arith.constant 0 : i32
      %dma_start3A_53 = tpu.memref_slice %arg8[%dma_start3A_51, %dma_start3A_52] : memref<4224x128xf32, #tpu.memory_space<vmem_shared>> -> memref<4224x128xf32, #tpu.memory_space<vmem_shared>>
      tpu.enqueue_indirect_dma source(%dma_start3A_47 : memref<128x128xf32, #tpu.memory_space<vmem>>) target(%dma_start3A_53 : memref<4224x128xf32, #tpu.memory_space<vmem_shared>>) offsets(%dma_start3A_50 : memref<128xi32, #tpu.memory_space<vmem>>) semaphore(%run_scoped3A_45 : memref<!tpu.dma_semaphore, #tpu.memory_space<semaphore_mem>>) {add = true}
      %dma_wait3A = arith.constant 384 : i32
      %dma_wait3A_54 = arith.constant 0 : i32
      %dma_wait3A_55 = tpu.memref_slice %arg6[%dma_wait3A, %dma_wait3A_54] : memref<640x128xf32, #tpu.memory_space<vmem>> -> memref<128x128xf32, #tpu.memory_space<vmem>>
      %dma_wait3A_56 = arith.constant 0 : i32
      %dma_wait3A_57 = tpu.memref_slice %arg7[%run_scoped3A_29, %dma_wait3A_56] : memref<20x128xi32, #tpu.memory_space<vmem>> -> memref<1x128xi32, #tpu.memory_space<vmem>>
      %dma_wait3A_58 = tpu.memref_squeeze %dma_wait3A_57 : memref<1x128xi32, #tpu.memory_space<vmem>> -> memref<128xi32, #tpu.memory_space<vmem>>
      %dma_wait3A_59 = arith.constant 0 : i32
      %dma_wait3A_60 = arith.constant 0 : i32
      %dma_wait3A_61 = tpu.memref_slice %arg8[%dma_wait3A_59, %dma_wait3A_60] : memref<4224x128xf32, #tpu.memory_space<vmem_shared>> -> memref<4224x128xf32, #tpu.memory_space<vmem_shared>>
      tpu.wait_indirect_dma semaphore(%run_scoped3A_45 : memref<!tpu.dma_semaphore, #tpu.memory_space<semaphore_mem>>) src(%dma_wait3A_55 : memref<128x128xf32, #tpu.memory_space<vmem>>) dst(%dma_wait3A_61 : memref<4224x128xf32, #tpu.memory_space<vmem_shared>>)
      tpu.yield
    }) : () -> ()
    %run_scoped3A_30 = arith.constant 14 : i32
    "tpu.region"() ({
      %run_scoped3A_45 = tpu.sem_alloc : memref<!tpu.dma_semaphore, #tpu.memory_space<semaphore_mem>>
      %dma_start3A = arith.constant 512 : i32
      %dma_start3A_46 = arith.constant 0 : i32
      %dma_start3A_47 = tpu.memref_slice %arg6[%dma_start3A, %dma_start3A_46] : memref<640x128xf32, #tpu.memory_space<vmem>> -> memref<128x128xf32, #tpu.memory_space<vmem>>
      %dma_start3A_48 = arith.constant 0 : i32
      %dma_start3A_49 = tpu.memref_slice %arg7[%run_scoped3A_30, %dma_start3A_48] : memref<20x128xi32, #tpu.memory_space<vmem>> -> memref<1x128xi32, #tpu.memory_space<vmem>>
      %dma_start3A_50 = tpu.memref_squeeze %dma_start3A_49 : memref<1x128xi32, #tpu.memory_space<vmem>> -> memref<128xi32, #tpu.memory_space<vmem>>
      %dma_start3A_51 = arith.constant 0 : i32
      %dma_start3A_52 = arith.constant 0 : i32
      %dma_start3A_53 = tpu.memref_slice %arg8[%dma_start3A_51, %dma_start3A_52] : memref<4224x128xf32, #tpu.memory_space<vmem_shared>> -> memref<4224x128xf32, #tpu.memory_space<vmem_shared>>
      tpu.enqueue_indirect_dma source(%dma_start3A_47 : memref<128x128xf32, #tpu.memory_space<vmem>>) target(%dma_start3A_53 : memref<4224x128xf32, #tpu.memory_space<vmem_shared>>) offsets(%dma_start3A_50 : memref<128xi32, #tpu.memory_space<vmem>>) semaphore(%run_scoped3A_45 : memref<!tpu.dma_semaphore, #tpu.memory_space<semaphore_mem>>) {add = true}
      %dma_wait3A = arith.constant 512 : i32
      %dma_wait3A_54 = arith.constant 0 : i32
      %dma_wait3A_55 = tpu.memref_slice %arg6[%dma_wait3A, %dma_wait3A_54] : memref<640x128xf32, #tpu.memory_space<vmem>> -> memref<128x128xf32, #tpu.memory_space<vmem>>
      %dma_wait3A_56 = arith.constant 0 : i32
      %dma_wait3A_57 = tpu.memref_slice %arg7[%run_scoped3A_30, %dma_wait3A_56] : memref<20x128xi32, #tpu.memory_space<vmem>> -> memref<1x128xi32, #tpu.memory_space<vmem>>
      %dma_wait3A_58 = tpu.memref_squeeze %dma_wait3A_57 : memref<1x128xi32, #tpu.memory_space<vmem>> -> memref<128xi32, #tpu.memory_space<vmem>>
      %dma_wait3A_59 = arith.constant 0 : i32
      %dma_wait3A_60 = arith.constant 0 : i32
      %dma_wait3A_61 = tpu.memref_slice %arg8[%dma_wait3A_59, %dma_wait3A_60] : memref<4224x128xf32, #tpu.memory_space<vmem_shared>> -> memref<4224x128xf32, #tpu.memory_space<vmem_shared>>
      tpu.wait_indirect_dma semaphore(%run_scoped3A_45 : memref<!tpu.dma_semaphore, #tpu.memory_space<semaphore_mem>>) src(%dma_wait3A_55 : memref<128x128xf32, #tpu.memory_space<vmem>>) dst(%dma_wait3A_61 : memref<4224x128xf32, #tpu.memory_space<vmem_shared>>)
      tpu.yield
    }) : () -> ()
    %mul3A_31 = arith.constant 2560 : i32
    %mul3A_32 = arith.muli %add3A, %mul3A_31 : i32
    %add3A_33 = arith.constant 1920 : i32
    %add3A_34 = arith.addi %mul3A_32, %add3A_33 : i32
    "tpu.region"() ({
      %run_scoped3A_45 = tpu.sem_alloc : memref<!tpu.dma_semaphore, #tpu.memory_space<semaphore_mem>>
      %dma_start3A = arith.constant 0 : i32
      %dma_start3A_46 = arith.constant 0 : i32
      %dma_start3A_47 = tpu.memref_slice %arg6[%dma_start3A, %dma_start3A_46] : memref<640x128xf32, #tpu.memory_space<vmem>> -> memref<640x128xf32, #tpu.memory_space<vmem>>
      %dma_start3A_48 = arith.constant 0 : i32
      %dma_start3A_49 = tpu.memref_slice %arg2[%add3A_34, %dma_start3A_48] : memref<81920x128xf32, #tpu.memory_space<hbm>> -> memref<640x128xf32, #tpu.memory_space<hbm>>
      %dma_start3A_50 = arith.constant 0 : i32
      %dma_start3A_51 = arith.constant 0 : i32
      %dma_start3A_52 = tpu.memref_slice %arg6[%dma_start3A_50, %dma_start3A_51] : memref<640x128xf32, #tpu.memory_space<vmem>> -> memref<640x128xf32, #tpu.memory_space<vmem>>
      %dma_start3A_53 = arith.constant 0 : i32
      %dma_start3A_54 = tpu.memref_slice %arg2[%add3A_34, %dma_start3A_53] : memref<81920x128xf32, #tpu.memory_space<hbm>> -> memref<640x128xf32, #tpu.memory_space<hbm>>
      tpu.enqueue_dma source(%dma_start3A_54 : memref<640x128xf32, #tpu.memory_space<hbm>>) target(%dma_start3A_52 : memref<640x128xf32, #tpu.memory_space<vmem>>) target_semaphore(%run_scoped3A_45 : memref<!tpu.dma_semaphore, #tpu.memory_space<semaphore_mem>>)
      %dma_wait3A = arith.constant 0 : i32
      %dma_wait3A_55 = arith.constant 0 : i32
      %dma_wait3A_56 = tpu.memref_slice %arg6[%dma_wait3A, %dma_wait3A_55] : memref<640x128xf32, #tpu.memory_space<vmem>> -> memref<640x128xf32, #tpu.memory_space<vmem>>
      %dma_wait3A_57 = arith.constant 0 : i32
      %dma_wait3A_58 = tpu.memref_slice %arg2[%add3A_34, %dma_wait3A_57] : memref<81920x128xf32, #tpu.memory_space<hbm>> -> memref<640x128xf32, #tpu.memory_space<hbm>>
      %dma_wait3A_59 = arith.constant 0 : i32
      %dma_wait3A_60 = arith.constant 0 : i32
      %dma_wait3A_61 = tpu.memref_slice %arg6[%dma_wait3A_59, %dma_wait3A_60] : memref<640x128xf32, #tpu.memory_space<vmem>> -> memref<640x128xf32, #tpu.memory_space<vmem>>
      %dma_wait3A_62 = arith.constant 0 : i32
      %dma_wait3A_63 = tpu.memref_slice %arg2[%add3A_34, %dma_wait3A_62] : memref<81920x128xf32, #tpu.memory_space<hbm>> -> memref<640x128xf32, #tpu.memory_space<hbm>>
      tpu.wait_dma2 semaphore(%run_scoped3A_45 : memref<!tpu.dma_semaphore, #tpu.memory_space<semaphore_mem>>) src(%dma_wait3A_63 : memref<640x128xf32, #tpu.memory_space<hbm>>) dst(%dma_wait3A_61 : memref<640x128xf32, #tpu.memory_space<vmem>>)
      tpu.yield
    }) : () -> ()
    %run_scoped3A_35 = arith.constant 15 : i32
    "tpu.region"() ({
      %run_scoped3A_45 = tpu.sem_alloc : memref<!tpu.dma_semaphore, #tpu.memory_space<semaphore_mem>>
      %dma_start3A = arith.constant 0 : i32
      %dma_start3A_46 = arith.constant 0 : i32
      %dma_start3A_47 = tpu.memref_slice %arg6[%dma_start3A, %dma_start3A_46] : memref<640x128xf32, #tpu.memory_space<vmem>> -> memref<128x128xf32, #tpu.memory_space<vmem>>
      %dma_start3A_48 = arith.constant 0 : i32
      %dma_start3A_49 = tpu.memref_slice %arg7[%run_scoped3A_35, %dma_start3A_48] : memref<20x128xi32, #tpu.memory_space<vmem>> -> memref<1x128xi32, #tpu.memory_space<vmem>>
      %dma_start3A_50 = tpu.memref_squeeze %dma_start3A_49 : memref<1x128xi32, #tpu.memory_space<vmem>> -> memref<128xi32, #tpu.memory_space<vmem>>
      %dma_start3A_51 = arith.constant 0 : i32
      %dma_start3A_52 = arith.constant 0 : i32
      %dma_start3A_53 = tpu.memref_slice %arg8[%dma_start3A_51, %dma_start3A_52] : memref<4224x128xf32, #tpu.memory_space<vmem_shared>> -> memref<4224x128xf32, #tpu.memory_space<vmem_shared>>
      tpu.enqueue_indirect_dma source(%dma_start3A_47 : memref<128x128xf32, #tpu.memory_space<vmem>>) target(%dma_start3A_53 : memref<4224x128xf32, #tpu.memory_space<vmem_shared>>) offsets(%dma_start3A_50 : memref<128xi32, #tpu.memory_space<vmem>>) semaphore(%run_scoped3A_45 : memref<!tpu.dma_semaphore, #tpu.memory_space<semaphore_mem>>) {add = true}
      %dma_wait3A = arith.constant 0 : i32
      %dma_wait3A_54 = arith.constant 0 : i32
      %dma_wait3A_55 = tpu.memref_slice %arg6[%dma_wait3A, %dma_wait3A_54] : memref<640x128xf32, #tpu.memory_space<vmem>> -> memref<128x128xf32, #tpu.memory_space<vmem>>
      %dma_wait3A_56 = arith.constant 0 : i32
      %dma_wait3A_57 = tpu.memref_slice %arg7[%run_scoped3A_35, %dma_wait3A_56] : memref<20x128xi32, #tpu.memory_space<vmem>> -> memref<1x128xi32, #tpu.memory_space<vmem>>
      %dma_wait3A_58 = tpu.memref_squeeze %dma_wait3A_57 : memref<1x128xi32, #tpu.memory_space<vmem>> -> memref<128xi32, #tpu.memory_space<vmem>>
      %dma_wait3A_59 = arith.constant 0 : i32
      %dma_wait3A_60 = arith.constant 0 : i32
      %dma_wait3A_61 = tpu.memref_slice %arg8[%dma_wait3A_59, %dma_wait3A_60] : memref<4224x128xf32, #tpu.memory_space<vmem_shared>> -> memref<4224x128xf32, #tpu.memory_space<vmem_shared>>
      tpu.wait_indirect_dma semaphore(%run_scoped3A_45 : memref<!tpu.dma_semaphore, #tpu.memory_space<semaphore_mem>>) src(%dma_wait3A_55 : memref<128x128xf32, #tpu.memory_space<vmem>>) dst(%dma_wait3A_61 : memref<4224x128xf32, #tpu.memory_space<vmem_shared>>)
      tpu.yield
    }) : () -> ()
    %run_scoped3A_36 = arith.constant 16 : i32
    "tpu.region"() ({
      %run_scoped3A_45 = tpu.sem_alloc : memref<!tpu.dma_semaphore, #tpu.memory_space<semaphore_mem>>
      %dma_start3A = arith.constant 128 : i32
      %dma_start3A_46 = arith.constant 0 : i32
      %dma_start3A_47 = tpu.memref_slice %arg6[%dma_start3A, %dma_start3A_46] : memref<640x128xf32, #tpu.memory_space<vmem>> -> memref<128x128xf32, #tpu.memory_space<vmem>>
      %dma_start3A_48 = arith.constant 0 : i32
      %dma_start3A_49 = tpu.memref_slice %arg7[%run_scoped3A_36, %dma_start3A_48] : memref<20x128xi32, #tpu.memory_space<vmem>> -> memref<1x128xi32, #tpu.memory_space<vmem>>
      %dma_start3A_50 = tpu.memref_squeeze %dma_start3A_49 : memref<1x128xi32, #tpu.memory_space<vmem>> -> memref<128xi32, #tpu.memory_space<vmem>>
      %dma_start3A_51 = arith.constant 0 : i32
      %dma_start3A_52 = arith.constant 0 : i32
      %dma_start3A_53 = tpu.memref_slice %arg8[%dma_start3A_51, %dma_start3A_52] : memref<4224x128xf32, #tpu.memory_space<vmem_shared>> -> memref<4224x128xf32, #tpu.memory_space<vmem_shared>>
      tpu.enqueue_indirect_dma source(%dma_start3A_47 : memref<128x128xf32, #tpu.memory_space<vmem>>) target(%dma_start3A_53 : memref<4224x128xf32, #tpu.memory_space<vmem_shared>>) offsets(%dma_start3A_50 : memref<128xi32, #tpu.memory_space<vmem>>) semaphore(%run_scoped3A_45 : memref<!tpu.dma_semaphore, #tpu.memory_space<semaphore_mem>>) {add = true}
      %dma_wait3A = arith.constant 128 : i32
      %dma_wait3A_54 = arith.constant 0 : i32
      %dma_wait3A_55 = tpu.memref_slice %arg6[%dma_wait3A, %dma_wait3A_54] : memref<640x128xf32, #tpu.memory_space<vmem>> -> memref<128x128xf32, #tpu.memory_space<vmem>>
      %dma_wait3A_56 = arith.constant 0 : i32
      %dma_wait3A_57 = tpu.memref_slice %arg7[%run_scoped3A_36, %dma_wait3A_56] : memref<20x128xi32, #tpu.memory_space<vmem>> -> memref<1x128xi32, #tpu.memory_space<vmem>>
      %dma_wait3A_58 = tpu.memref_squeeze %dma_wait3A_57 : memref<1x128xi32, #tpu.memory_space<vmem>> -> memref<128xi32, #tpu.memory_space<vmem>>
      %dma_wait3A_59 = arith.constant 0 : i32
      %dma_wait3A_60 = arith.constant 0 : i32
      %dma_wait3A_61 = tpu.memref_slice %arg8[%dma_wait3A_59, %dma_wait3A_60] : memref<4224x128xf32, #tpu.memory_space<vmem_shared>> -> memref<4224x128xf32, #tpu.memory_space<vmem_shared>>
      tpu.wait_indirect_dma semaphore(%run_scoped3A_45 : memref<!tpu.dma_semaphore, #tpu.memory_space<semaphore_mem>>) src(%dma_wait3A_55 : memref<128x128xf32, #tpu.memory_space<vmem>>) dst(%dma_wait3A_61 : memref<4224x128xf32, #tpu.memory_space<vmem_shared>>)
      tpu.yield
    }) : () -> ()
    %run_scoped3A_37 = arith.constant 17 : i32
    "tpu.region"() ({
      %run_scoped3A_45 = tpu.sem_alloc : memref<!tpu.dma_semaphore, #tpu.memory_space<semaphore_mem>>
      %dma_start3A = arith.constant 256 : i32
      %dma_start3A_46 = arith.constant 0 : i32
      %dma_start3A_47 = tpu.memref_slice %arg6[%dma_start3A, %dma_start3A_46] : memref<640x128xf32, #tpu.memory_space<vmem>> -> memref<128x128xf32, #tpu.memory_space<vmem>>
      %dma_start3A_48 = arith.constant 0 : i32
      %dma_start3A_49 = tpu.memref_slice %arg7[%run_scoped3A_37, %dma_start3A_48] : memref<20x128xi32, #tpu.memory_space<vmem>> -> memref<1x128xi32, #tpu.memory_space<vmem>>
      %dma_start3A_50 = tpu.memref_squeeze %dma_start3A_49 : memref<1x128xi32, #tpu.memory_space<vmem>> -> memref<128xi32, #tpu.memory_space<vmem>>
      %dma_start3A_51 = arith.constant 0 : i32
      %dma_start3A_52 = arith.constant 0 : i32
      %dma_start3A_53 = tpu.memref_slice %arg8[%dma_start3A_51, %dma_start3A_52] : memref<4224x128xf32, #tpu.memory_space<vmem_shared>> -> memref<4224x128xf32, #tpu.memory_space<vmem_shared>>
      tpu.enqueue_indirect_dma source(%dma_start3A_47 : memref<128x128xf32, #tpu.memory_space<vmem>>) target(%dma_start3A_53 : memref<4224x128xf32, #tpu.memory_space<vmem_shared>>) offsets(%dma_start3A_50 : memref<128xi32, #tpu.memory_space<vmem>>) semaphore(%run_scoped3A_45 : memref<!tpu.dma_semaphore, #tpu.memory_space<semaphore_mem>>) {add = true}
      %dma_wait3A = arith.constant 256 : i32
      %dma_wait3A_54 = arith.constant 0 : i32
      %dma_wait3A_55 = tpu.memref_slice %arg6[%dma_wait3A, %dma_wait3A_54] : memref<640x128xf32, #tpu.memory_space<vmem>> -> memref<128x128xf32, #tpu.memory_space<vmem>>
      %dma_wait3A_56 = arith.constant 0 : i32
      %dma_wait3A_57 = tpu.memref_slice %arg7[%run_scoped3A_37, %dma_wait3A_56] : memref<20x128xi32, #tpu.memory_space<vmem>> -> memref<1x128xi32, #tpu.memory_space<vmem>>
      %dma_wait3A_58 = tpu.memref_squeeze %dma_wait3A_57 : memref<1x128xi32, #tpu.memory_space<vmem>> -> memref<128xi32, #tpu.memory_space<vmem>>
      %dma_wait3A_59 = arith.constant 0 : i32
      %dma_wait3A_60 = arith.constant 0 : i32
      %dma_wait3A_61 = tpu.memref_slice %arg8[%dma_wait3A_59, %dma_wait3A_60] : memref<4224x128xf32, #tpu.memory_space<vmem_shared>> -> memref<4224x128xf32, #tpu.memory_space<vmem_shared>>
      tpu.wait_indirect_dma semaphore(%run_scoped3A_45 : memref<!tpu.dma_semaphore, #tpu.memory_space<semaphore_mem>>) src(%dma_wait3A_55 : memref<128x128xf32, #tpu.memory_space<vmem>>) dst(%dma_wait3A_61 : memref<4224x128xf32, #tpu.memory_space<vmem_shared>>)
      tpu.yield
    }) : () -> ()
    %run_scoped3A_38 = arith.constant 18 : i32
    "tpu.region"() ({
      %run_scoped3A_45 = tpu.sem_alloc : memref<!tpu.dma_semaphore, #tpu.memory_space<semaphore_mem>>
      %dma_start3A = arith.constant 384 : i32
      %dma_start3A_46 = arith.constant 0 : i32
      %dma_start3A_47 = tpu.memref_slice %arg6[%dma_start3A, %dma_start3A_46] : memref<640x128xf32, #tpu.memory_space<vmem>> -> memref<128x128xf32, #tpu.memory_space<vmem>>
      %dma_start3A_48 = arith.constant 0 : i32
      %dma_start3A_49 = tpu.memref_slice %arg7[%run_scoped3A_38, %dma_start3A_48] : memref<20x128xi32, #tpu.memory_space<vmem>> -> memref<1x128xi32, #tpu.memory_space<vmem>>
      %dma_start3A_50 = tpu.memref_squeeze %dma_start3A_49 : memref<1x128xi32, #tpu.memory_space<vmem>> -> memref<128xi32, #tpu.memory_space<vmem>>
      %dma_start3A_51 = arith.constant 0 : i32
      %dma_start3A_52 = arith.constant 0 : i32
      %dma_start3A_53 = tpu.memref_slice %arg8[%dma_start3A_51, %dma_start3A_52] : memref<4224x128xf32, #tpu.memory_space<vmem_shared>> -> memref<4224x128xf32, #tpu.memory_space<vmem_shared>>
      tpu.enqueue_indirect_dma source(%dma_start3A_47 : memref<128x128xf32, #tpu.memory_space<vmem>>) target(%dma_start3A_53 : memref<4224x128xf32, #tpu.memory_space<vmem_shared>>) offsets(%dma_start3A_50 : memref<128xi32, #tpu.memory_space<vmem>>) semaphore(%run_scoped3A_45 : memref<!tpu.dma_semaphore, #tpu.memory_space<semaphore_mem>>) {add = true}
      %dma_wait3A = arith.constant 384 : i32
      %dma_wait3A_54 = arith.constant 0 : i32
      %dma_wait3A_55 = tpu.memref_slice %arg6[%dma_wait3A, %dma_wait3A_54] : memref<640x128xf32, #tpu.memory_space<vmem>> -> memref<128x128xf32, #tpu.memory_space<vmem>>
      %dma_wait3A_56 = arith.constant 0 : i32
      %dma_wait3A_57 = tpu.memref_slice %arg7[%run_scoped3A_38, %dma_wait3A_56] : memref<20x128xi32, #tpu.memory_space<vmem>> -> memref<1x128xi32, #tpu.memory_space<vmem>>
      %dma_wait3A_58 = tpu.memref_squeeze %dma_wait3A_57 : memref<1x128xi32, #tpu.memory_space<vmem>> -> memref<128xi32, #tpu.memory_space<vmem>>
      %dma_wait3A_59 = arith.constant 0 : i32
      %dma_wait3A_60 = arith.constant 0 : i32
      %dma_wait3A_61 = tpu.memref_slice %arg8[%dma_wait3A_59, %dma_wait3A_60] : memref<4224x128xf32, #tpu.memory_space<vmem_shared>> -> memref<4224x128xf32, #tpu.memory_space<vmem_shared>>
      tpu.wait_indirect_dma semaphore(%run_scoped3A_45 : memref<!tpu.dma_semaphore, #tpu.memory_space<semaphore_mem>>) src(%dma_wait3A_55 : memref<128x128xf32, #tpu.memory_space<vmem>>) dst(%dma_wait3A_61 : memref<4224x128xf32, #tpu.memory_space<vmem_shared>>)
      tpu.yield
    }) : () -> ()
    %run_scoped3A_39 = arith.constant 19 : i32
    "tpu.region"() ({
      %run_scoped3A_45 = tpu.sem_alloc : memref<!tpu.dma_semaphore, #tpu.memory_space<semaphore_mem>>
      %dma_start3A = arith.constant 512 : i32
      %dma_start3A_46 = arith.constant 0 : i32
      %dma_start3A_47 = tpu.memref_slice %arg6[%dma_start3A, %dma_start3A_46] : memref<640x128xf32, #tpu.memory_space<vmem>> -> memref<128x128xf32, #tpu.memory_space<vmem>>
      %dma_start3A_48 = arith.constant 0 : i32
      %dma_start3A_49 = tpu.memref_slice %arg7[%run_scoped3A_39, %dma_start3A_48] : memref<20x128xi32, #tpu.memory_space<vmem>> -> memref<1x128xi32, #tpu.memory_space<vmem>>
      %dma_start3A_50 = tpu.memref_squeeze %dma_start3A_49 : memref<1x128xi32, #tpu.memory_space<vmem>> -> memref<128xi32, #tpu.memory_space<vmem>>
      %dma_start3A_51 = arith.constant 0 : i32
      %dma_start3A_52 = arith.constant 0 : i32
      %dma_start3A_53 = tpu.memref_slice %arg8[%dma_start3A_51, %dma_start3A_52] : memref<4224x128xf32, #tpu.memory_space<vmem_shared>> -> memref<4224x128xf32, #tpu.memory_space<vmem_shared>>
      tpu.enqueue_indirect_dma source(%dma_start3A_47 : memref<128x128xf32, #tpu.memory_space<vmem>>) target(%dma_start3A_53 : memref<4224x128xf32, #tpu.memory_space<vmem_shared>>) offsets(%dma_start3A_50 : memref<128xi32, #tpu.memory_space<vmem>>) semaphore(%run_scoped3A_45 : memref<!tpu.dma_semaphore, #tpu.memory_space<semaphore_mem>>) {add = true}
      %dma_wait3A = arith.constant 512 : i32
      %dma_wait3A_54 = arith.constant 0 : i32
      %dma_wait3A_55 = tpu.memref_slice %arg6[%dma_wait3A, %dma_wait3A_54] : memref<640x128xf32, #tpu.memory_space<vmem>> -> memref<128x128xf32, #tpu.memory_space<vmem>>
      %dma_wait3A_56 = arith.constant 0 : i32
      %dma_wait3A_57 = tpu.memref_slice %arg7[%run_scoped3A_39, %dma_wait3A_56] : memref<20x128xi32, #tpu.memory_space<vmem>> -> memref<1x128xi32, #tpu.memory_space<vmem>>
      %dma_wait3A_58 = tpu.memref_squeeze %dma_wait3A_57 : memref<1x128xi32, #tpu.memory_space<vmem>> -> memref<128xi32, #tpu.memory_space<vmem>>
      %dma_wait3A_59 = arith.constant 0 : i32
      %dma_wait3A_60 = arith.constant 0 : i32
      %dma_wait3A_61 = tpu.memref_slice %arg8[%dma_wait3A_59, %dma_wait3A_60] : memref<4224x128xf32, #tpu.memory_space<vmem_shared>> -> memref<4224x128xf32, #tpu.memory_space<vmem_shared>>
      tpu.wait_indirect_dma semaphore(%run_scoped3A_45 : memref<!tpu.dma_semaphore, #tpu.memory_space<semaphore_mem>>) src(%dma_wait3A_55 : memref<128x128xf32, #tpu.memory_space<vmem>>) dst(%dma_wait3A_61 : memref<4224x128xf32, #tpu.memory_space<vmem_shared>>)
      tpu.yield
    }) : () -> ()
    %barrier3A_40 = arith.constant 0 : index
    tpu.barrier barrier_id(%barrier3A_40)
    %mul3A_41 = arith.constant 256 : i32
    %mul3A_42 = arith.muli %arg1, %mul3A_41 : i32
    "tpu.region"() ({
      %run_scoped3A_45 = tpu.sem_alloc : memref<!tpu.dma_semaphore, #tpu.memory_space<semaphore_mem>>
      %dma_start3A = arith.constant 0 : i32
      %dma_start3A_46 = arith.constant 0 : i32
      %dma_start3A_47 = tpu.memref_slice %arg6[%dma_start3A, %dma_start3A_46] : memref<640x128xf32, #tpu.memory_space<vmem>> -> memref<256x128xf32, #tpu.memory_space<vmem>>
      %dma_start3A_48 = arith.constant 0 : i32
      %dma_start3A_49 = tpu.memref_slice %arg8[%mul3A_42, %dma_start3A_48] : memref<4224x128xf32, #tpu.memory_space<vmem_shared>> -> memref<256x128xf32, #tpu.memory_space<vmem_shared>>
      %dma_start3A_50 = arith.constant 0 : i32
      %dma_start3A_51 = arith.constant 0 : i32
      %dma_start3A_52 = tpu.memref_slice %arg6[%dma_start3A_50, %dma_start3A_51] : memref<640x128xf32, #tpu.memory_space<vmem>> -> memref<256x128xf32, #tpu.memory_space<vmem>>
      %dma_start3A_53 = arith.constant 0 : i32
      %dma_start3A_54 = tpu.memref_slice %arg8[%mul3A_42, %dma_start3A_53] : memref<4224x128xf32, #tpu.memory_space<vmem_shared>> -> memref<256x128xf32, #tpu.memory_space<vmem_shared>>
      tpu.enqueue_dma source(%dma_start3A_54 : memref<256x128xf32, #tpu.memory_space<vmem_shared>>) target(%dma_start3A_52 : memref<256x128xf32, #tpu.memory_space<vmem>>) target_semaphore(%run_scoped3A_45 : memref<!tpu.dma_semaphore, #tpu.memory_space<semaphore_mem>>)
      %dma_wait3A = arith.constant 0 : i32
      %dma_wait3A_55 = arith.constant 0 : i32
      %dma_wait3A_56 = tpu.memref_slice %arg6[%dma_wait3A, %dma_wait3A_55] : memref<640x128xf32, #tpu.memory_space<vmem>> -> memref<256x128xf32, #tpu.memory_space<vmem>>
      %dma_wait3A_57 = arith.constant 0 : i32
      %dma_wait3A_58 = tpu.memref_slice %arg8[%mul3A_42, %dma_wait3A_57] : memref<4224x128xf32, #tpu.memory_space<vmem_shared>> -> memref<256x128xf32, #tpu.memory_space<vmem_shared>>
      %dma_wait3A_59 = arith.constant 0 : i32
      %dma_wait3A_60 = arith.constant 0 : i32
      %dma_wait3A_61 = tpu.memref_slice %arg6[%dma_wait3A_59, %dma_wait3A_60] : memref<640x128xf32, #tpu.memory_space<vmem>> -> memref<256x128xf32, #tpu.memory_space<vmem>>
      %dma_wait3A_62 = arith.constant 0 : i32
      %dma_wait3A_63 = tpu.memref_slice %arg8[%mul3A_42, %dma_wait3A_62] : memref<4224x128xf32, #tpu.memory_space<vmem_shared>> -> memref<256x128xf32, #tpu.memory_space<vmem_shared>>
      tpu.wait_dma2 semaphore(%run_scoped3A_45 : memref<!tpu.dma_semaphore, #tpu.memory_space<semaphore_mem>>) src(%dma_wait3A_63 : memref<256x128xf32, #tpu.memory_space<vmem_shared>>) dst(%dma_wait3A_61 : memref<256x128xf32, #tpu.memory_space<vmem>>)
      tpu.yield
    }) : () -> ()
    %mul3A_43 = arith.constant 256 : i32
    %mul3A_44 = arith.muli %arg1, %mul3A_43 : i32
    "tpu.region"() ({
      %run_scoped3A_45 = tpu.sem_alloc : memref<!tpu.dma_semaphore, #tpu.memory_space<semaphore_mem>>
      %dma_start3A = arith.constant 0 : i32
      %dma_start3A_46 = arith.constant 0 : i32
      %dma_start3A_47 = tpu.memref_slice %arg6[%dma_start3A, %dma_start3A_46] : memref<640x128xf32, #tpu.memory_space<vmem>> -> memref<256x128xf32, #tpu.memory_space<vmem>>
      %dma_start3A_48 = arith.constant 0 : i32
      %dma_start3A_49 = tpu.memref_slice %arg5[%arg0, %mul3A_44, %dma_start3A_48] : memref<2x4096x128xf32, #tpu.memory_space<hbm>> -> memref<1x256x128xf32, #tpu.memory_space<hbm>>
      %dma_start3A_50 = tpu.memref_squeeze %dma_start3A_49 : memref<1x256x128xf32, #tpu.memory_space<hbm>> -> memref<256x128xf32, #tpu.memory_space<hbm>>
      %dma_start3A_51 = arith.constant 0 : i32
      %dma_start3A_52 = tpu.memref_slice %arg5[%arg0, %mul3A_44, %dma_start3A_51] : memref<2x4096x128xf32, #tpu.memory_space<hbm>> -> memref<1x256x128xf32, #tpu.memory_space<hbm>>
      %dma_start3A_53 = tpu.memref_squeeze %dma_start3A_52 : memref<1x256x128xf32, #tpu.memory_space<hbm>> -> memref<256x128xf32, #tpu.memory_space<hbm>>
      %dma_start3A_54 = arith.constant 0 : i32
      %dma_start3A_55 = arith.constant 0 : i32
      %dma_start3A_56 = tpu.memref_slice %arg6[%dma_start3A_54, %dma_start3A_55] : memref<640x128xf32, #tpu.memory_space<vmem>> -> memref<256x128xf32, #tpu.memory_space<vmem>>
      tpu.enqueue_dma source(%dma_start3A_56 : memref<256x128xf32, #tpu.memory_space<vmem>>) target(%dma_start3A_53 : memref<256x128xf32, #tpu.memory_space<hbm>>) target_semaphore(%run_scoped3A_45 : memref<!tpu.dma_semaphore, #tpu.memory_space<semaphore_mem>>)
      %dma_wait3A = arith.constant 0 : i32
      %dma_wait3A_57 = arith.constant 0 : i32
      %dma_wait3A_58 = tpu.memref_slice %arg6[%dma_wait3A, %dma_wait3A_57] : memref<640x128xf32, #tpu.memory_space<vmem>> -> memref<256x128xf32, #tpu.memory_space<vmem>>
      %dma_wait3A_59 = arith.constant 0 : i32
      %dma_wait3A_60 = tpu.memref_slice %arg5[%arg0, %mul3A_44, %dma_wait3A_59] : memref<2x4096x128xf32, #tpu.memory_space<hbm>> -> memref<1x256x128xf32, #tpu.memory_space<hbm>>
      %dma_wait3A_61 = tpu.memref_squeeze %dma_wait3A_60 : memref<1x256x128xf32, #tpu.memory_space<hbm>> -> memref<256x128xf32, #tpu.memory_space<hbm>>
      %dma_wait3A_62 = arith.constant 0 : i32
      %dma_wait3A_63 = tpu.memref_slice %arg5[%arg0, %mul3A_44, %dma_wait3A_62] : memref<2x4096x128xf32, #tpu.memory_space<hbm>> -> memref<1x256x128xf32, #tpu.memory_space<hbm>>
      %dma_wait3A_64 = tpu.memref_squeeze %dma_wait3A_63 : memref<1x256x128xf32, #tpu.memory_space<hbm>> -> memref<256x128xf32, #tpu.memory_space<hbm>>
      %dma_wait3A_65 = arith.constant 0 : i32
      %dma_wait3A_66 = arith.constant 0 : i32
      %dma_wait3A_67 = tpu.memref_slice %arg6[%dma_wait3A_65, %dma_wait3A_66] : memref<640x128xf32, #tpu.memory_space<vmem>> -> memref<256x128xf32, #tpu.memory_space<vmem>>
      tpu.wait_dma2 semaphore(%run_scoped3A_45 : memref<!tpu.dma_semaphore, #tpu.memory_space<semaphore_mem>>) src(%dma_wait3A_67 : memref<256x128xf32, #tpu.memory_space<vmem>>) dst(%dma_wait3A_64 : memref<256x128xf32, #tpu.memory_space<hbm>>)
      tpu.yield
    }) : () -> ()
    return
  }
}

module attributes {stable_mosaic.version = 14 : i64} {
  func.func @_hist_matmul_body(%arg0: i32, %arg1: memref<2048x128xf32, #tpu.memory_space<vmem>>, %arg2: memref<11x128x128xbf16, #tpu.memory_space<vmem>>, %arg3: memref<2048x128xf32, #tpu.memory_space<vmem>>) attributes {dimension_semantics = [#tpu.dimension_semantics<arbitrary>], iteration_bounds = array<i64: 40>, scalar_prefetch = 0 : i64, scratch_operands = 0 : i64, tpu.core_type = #tpu.core_type<tc>, window_params = [{transform_indices = @transform_0, window_bounds = array<i64: 2048, 128>}, {pipeline_mode = #tpu.pipeline_mode<synchronous>, transform_indices = @transform_1, window_bounds = array<i64: 11, 128, 128>}, {transform_indices = @transform_2, window_bounds = array<i64: 2048, 128>}]} {
    %get3A = arith.constant 0 : index
    %get3A_0 = arith.constant 0 : index
    %get3A_1 = vector.load %arg1[%get3A, %get3A_0] : memref<2048x128xf32, #tpu.memory_space<vmem>>, vector<2048x128xf32>
    %mul3A = arith.mulf %get3A_1, %get3A_1 : vector<2048x128xf32>
    %mul3A_2 = arith.constant -9.00682353 : f32
    %mul3A_3 = vector.broadcast %mul3A_2 : f32 to vector<2048x128xf32>
    %mul3A_4 = arith.mulf %mul3A, %mul3A_3 : vector<2048x128xf32>
    %add3A = arith.constant -24.3726902 : f32
    %add3A_5 = vector.broadcast %add3A : f32 to vector<2048x128xf32>
    %add3A_6 = arith.addf %mul3A_4, %add3A_5 : vector<2048x128xf32>
    %mul3A_7 = arith.constant -29.6324501 : f32
    %mul3A_8 = vector.broadcast %mul3A_7 : f32 to vector<2048x128xf32>
    %mul3A_9 = arith.mulf %get3A_1, %mul3A_8 : vector<2048x128xf32>
    %add3A_10 = arith.addf %add3A_6, %mul3A_9 : vector<2048x128xf32>
    %exp23A = math.exp2 %add3A_10 : vector<2048x128xf32>
    %sub3A = arith.subf %add3A_6, %mul3A_9 : vector<2048x128xf32>
    %exp23A_11 = math.exp2 %sub3A : vector<2048x128xf32>
    %mul3A_12 = arith.constant -24.9601212 : f32
    %mul3A_13 = vector.broadcast %mul3A_12 : f32 to vector<2048x128xf32>
    %mul3A_14 = arith.mulf %mul3A, %mul3A_13 : vector<2048x128xf32>
    %add3A_15 = arith.constant -29.1134853 : f32
    %add3A_16 = vector.broadcast %add3A_15 : f32 to vector<2048x128xf32>
    %add3A_17 = arith.addf %mul3A_14, %add3A_16 : vector<2048x128xf32>
    %mul3A_18 = arith.constant -53.9138641 : f32
    %mul3A_19 = vector.broadcast %mul3A_18 : f32 to vector<2048x128xf32>
    %mul3A_20 = arith.mulf %get3A_1, %mul3A_19 : vector<2048x128xf32>
    %add3A_21 = arith.addf %add3A_17, %mul3A_20 : vector<2048x128xf32>
    %exp23A_22 = math.exp2 %add3A_21 : vector<2048x128xf32>
    %sub3A_23 = arith.subf %add3A_17, %mul3A_20 : vector<2048x128xf32>
    %exp23A_24 = math.exp2 %sub3A_23 : vector<2048x128xf32>
    %mul3A_25 = arith.constant -40.1730614 : f32
    %mul3A_26 = vector.broadcast %mul3A_25 : f32 to vector<2048x128xf32>
    %mul3A_27 = arith.mulf %mul3A, %mul3A_26 : vector<2048x128xf32>
    %add3A_28 = arith.constant -21.9393539 : f32
    %add3A_29 = vector.broadcast %add3A_28 : f32 to vector<2048x128xf32>
    %add3A_30 = arith.addf %mul3A_27, %add3A_29 : vector<2048x128xf32>
    %mul3A_31 = arith.constant -59.3757858 : f32
    %mul3A_32 = vector.broadcast %mul3A_31 : f32 to vector<2048x128xf32>
    %mul3A_33 = arith.mulf %get3A_1, %mul3A_32 : vector<2048x128xf32>
    %add3A_34 = arith.addf %add3A_30, %mul3A_33 : vector<2048x128xf32>
    %exp23A_35 = math.exp2 %add3A_34 : vector<2048x128xf32>
    %sub3A_36 = arith.subf %add3A_30, %mul3A_33 : vector<2048x128xf32>
    %exp23A_37 = math.exp2 %sub3A_36 : vector<2048x128xf32>
    %mul3A_38 = arith.constant -51.806057 : f32
    %mul3A_39 = vector.broadcast %mul3A_38 : f32 to vector<2048x128xf32>
    %mul3A_40 = arith.mulf %mul3A, %mul3A_39 : vector<2048x128xf32>
    %add3A_41 = arith.constant -11.3467693 : f32
    %add3A_42 = vector.broadcast %add3A_41 : f32 to vector<2048x128xf32>
    %add3A_43 = arith.addf %mul3A_40, %add3A_42 : vector<2048x128xf32>
    %mul3A_44 = arith.constant -48.4904671 : f32
    %mul3A_45 = vector.broadcast %mul3A_44 : f32 to vector<2048x128xf32>
    %mul3A_46 = arith.mulf %get3A_1, %mul3A_45 : vector<2048x128xf32>
    %add3A_47 = arith.addf %add3A_43, %mul3A_46 : vector<2048x128xf32>
    %exp23A_48 = math.exp2 %add3A_47 : vector<2048x128xf32>
    %sub3A_49 = arith.subf %add3A_43, %mul3A_46 : vector<2048x128xf32>
    %exp23A_50 = math.exp2 %sub3A_49 : vector<2048x128xf32>
    %mul3A_51 = arith.constant -55.5053482 : f32
    %mul3A_52 = vector.broadcast %mul3A_51 : f32 to vector<2048x128xf32>
    %mul3A_53 = arith.mulf %mul3A, %mul3A_52 : vector<2048x128xf32>
    %add3A_54 = arith.constant -2.885390e+00 : f32
    %add3A_55 = vector.broadcast %add3A_54 : f32 to vector<2048x128xf32>
    %add3A_56 = arith.addf %mul3A_53, %add3A_55 : vector<2048x128xf32>
    %mul3A_57 = arith.constant -25.3104401 : f32
    %mul3A_58 = vector.broadcast %mul3A_57 : f32 to vector<2048x128xf32>
    %mul3A_59 = arith.mulf %get3A_1, %mul3A_58 : vector<2048x128xf32>
    %add3A_60 = arith.addf %add3A_56, %mul3A_59 : vector<2048x128xf32>
    %exp23A_61 = math.exp2 %add3A_60 : vector<2048x128xf32>
    %sub3A_62 = arith.subf %add3A_56, %mul3A_59 : vector<2048x128xf32>
    %exp23A_63 = math.exp2 %sub3A_62 : vector<2048x128xf32>
    %mul3A_64 = arith.constant -55.5053482 : f32
    %mul3A_65 = vector.broadcast %mul3A_64 : f32 to vector<2048x128xf32>
    %mul3A_66 = arith.mulf %mul3A, %mul3A_65 : vector<2048x128xf32>
    %exp23A_67 = math.exp2 %mul3A_66 : vector<2048x128xf32>
    %add3A_68 = arith.addf %exp23A, %exp23A_22 : vector<2048x128xf32>
    %add3A_69 = arith.addf %add3A_68, %exp23A_35 : vector<2048x128xf32>
    %add3A_70 = arith.addf %add3A_69, %exp23A_48 : vector<2048x128xf32>
    %add3A_71 = arith.addf %add3A_70, %exp23A_61 : vector<2048x128xf32>
    %add3A_72 = arith.addf %add3A_71, %exp23A_67 : vector<2048x128xf32>
    %add3A_73 = arith.addf %add3A_72, %exp23A_63 : vector<2048x128xf32>
    %add3A_74 = arith.addf %add3A_73, %exp23A_50 : vector<2048x128xf32>
    %add3A_75 = arith.addf %add3A_74, %exp23A_37 : vector<2048x128xf32>
    %add3A_76 = arith.addf %add3A_75, %exp23A_24 : vector<2048x128xf32>
    %add3A_77 = arith.addf %add3A_76, %exp23A_11 : vector<2048x128xf32>
    %div3A = arith.constant 1.000000e+00 : f32
    %div3A_78 = vector.broadcast %div3A : f32 to vector<2048x128xf32>
    %div3A_79 = arith.divf %div3A_78, %add3A_77 : vector<2048x128xf32>
    %mul3A_80 = arith.mulf %exp23A, %div3A_79 : vector<2048x128xf32>
    %convert_element_type3A = arith.truncf %mul3A_80 : vector<2048x128xf32> to vector<2048x128xbf16>
    %get3A_81 = arith.constant 0 : index
    %get3A_82 = arith.constant 0 : index
    %get3A_83 = arith.constant 0 : index
    %get3A_84 = vector.load %arg2[%get3A_81, %get3A_82, %get3A_83] : memref<11x128x128xbf16, #tpu.memory_space<vmem>>, vector<1x128x128xbf16>
    %get3A_85 = vector.shape_cast %get3A_84 : vector<1x128x128xbf16> to vector<128x128xbf16>
    %dot_general3A = arith.constant dense<0.000000e+00> : vector<2048x128xf32>
    %dot_general3A_86 = tpu.matmul %convert_element_type3A, %get3A_85, %dot_general3A {dimension_numbers = #tpu.dot_dimension_numbers<[1], [0], [0], [1], [0, 0, 1, 1], [], []>, transpose_lhs_hint = false} : vector<2048x128xbf16>, vector<128x128xbf16>, vector<2048x128xf32> -> vector<2048x128xf32>
    %mul3A_87 = arith.mulf %exp23A_22, %div3A_79 : vector<2048x128xf32>
    %convert_element_type3A_88 = arith.truncf %mul3A_87 : vector<2048x128xf32> to vector<2048x128xbf16>
    %get3A_89 = arith.constant 1 : index
    %get3A_90 = arith.constant 0 : index
    %get3A_91 = arith.constant 0 : index
    %get3A_92 = vector.load %arg2[%get3A_89, %get3A_90, %get3A_91] : memref<11x128x128xbf16, #tpu.memory_space<vmem>>, vector<1x128x128xbf16>
    %get3A_93 = vector.shape_cast %get3A_92 : vector<1x128x128xbf16> to vector<128x128xbf16>
    %dot_general3A_94 = arith.constant dense<0.000000e+00> : vector<2048x128xf32>
    %dot_general3A_95 = tpu.matmul %convert_element_type3A_88, %get3A_93, %dot_general3A_94 {dimension_numbers = #tpu.dot_dimension_numbers<[1], [0], [0], [1], [0, 0, 1, 1], [], []>, transpose_lhs_hint = false} : vector<2048x128xbf16>, vector<128x128xbf16>, vector<2048x128xf32> -> vector<2048x128xf32>
    %add3A_96 = arith.addf %dot_general3A_86, %dot_general3A_95 : vector<2048x128xf32>
    %mul3A_97 = arith.mulf %exp23A_35, %div3A_79 : vector<2048x128xf32>
    %convert_element_type3A_98 = arith.truncf %mul3A_97 : vector<2048x128xf32> to vector<2048x128xbf16>
    %get3A_99 = arith.constant 2 : index
    %get3A_100 = arith.constant 0 : index
    %get3A_101 = arith.constant 0 : index
    %get3A_102 = vector.load %arg2[%get3A_99, %get3A_100, %get3A_101] : memref<11x128x128xbf16, #tpu.memory_space<vmem>>, vector<1x128x128xbf16>
    %get3A_103 = vector.shape_cast %get3A_102 : vector<1x128x128xbf16> to vector<128x128xbf16>
    %dot_general3A_104 = arith.constant dense<0.000000e+00> : vector<2048x128xf32>
    %dot_general3A_105 = tpu.matmul %convert_element_type3A_98, %get3A_103, %dot_general3A_104 {dimension_numbers = #tpu.dot_dimension_numbers<[1], [0], [0], [1], [0, 0, 1, 1], [], []>, transpose_lhs_hint = false} : vector<2048x128xbf16>, vector<128x128xbf16>, vector<2048x128xf32> -> vector<2048x128xf32>
    %add3A_106 = arith.addf %add3A_96, %dot_general3A_105 : vector<2048x128xf32>
    %mul3A_107 = arith.mulf %exp23A_48, %div3A_79 : vector<2048x128xf32>
    %convert_element_type3A_108 = arith.truncf %mul3A_107 : vector<2048x128xf32> to vector<2048x128xbf16>
    %get3A_109 = arith.constant 3 : index
    %get3A_110 = arith.constant 0 : index
    %get3A_111 = arith.constant 0 : index
    %get3A_112 = vector.load %arg2[%get3A_109, %get3A_110, %get3A_111] : memref<11x128x128xbf16, #tpu.memory_space<vmem>>, vector<1x128x128xbf16>
    %get3A_113 = vector.shape_cast %get3A_112 : vector<1x128x128xbf16> to vector<128x128xbf16>
    %dot_general3A_114 = arith.constant dense<0.000000e+00> : vector<2048x128xf32>
    %dot_general3A_115 = tpu.matmul %convert_element_type3A_108, %get3A_113, %dot_general3A_114 {dimension_numbers = #tpu.dot_dimension_numbers<[1], [0], [0], [1], [0, 0, 1, 1], [], []>, transpose_lhs_hint = false} : vector<2048x128xbf16>, vector<128x128xbf16>, vector<2048x128xf32> -> vector<2048x128xf32>
    %add3A_116 = arith.addf %add3A_106, %dot_general3A_115 : vector<2048x128xf32>
    %mul3A_117 = arith.mulf %exp23A_61, %div3A_79 : vector<2048x128xf32>
    %convert_element_type3A_118 = arith.truncf %mul3A_117 : vector<2048x128xf32> to vector<2048x128xbf16>
    %get3A_119 = arith.constant 4 : index
    %get3A_120 = arith.constant 0 : index
    %get3A_121 = arith.constant 0 : index
    %get3A_122 = vector.load %arg2[%get3A_119, %get3A_120, %get3A_121] : memref<11x128x128xbf16, #tpu.memory_space<vmem>>, vector<1x128x128xbf16>
    %get3A_123 = vector.shape_cast %get3A_122 : vector<1x128x128xbf16> to vector<128x128xbf16>
    %dot_general3A_124 = arith.constant dense<0.000000e+00> : vector<2048x128xf32>
    %dot_general3A_125 = tpu.matmul %convert_element_type3A_118, %get3A_123, %dot_general3A_124 {dimension_numbers = #tpu.dot_dimension_numbers<[1], [0], [0], [1], [0, 0, 1, 1], [], []>, transpose_lhs_hint = false} : vector<2048x128xbf16>, vector<128x128xbf16>, vector<2048x128xf32> -> vector<2048x128xf32>
    %add3A_126 = arith.addf %add3A_116, %dot_general3A_125 : vector<2048x128xf32>
    %mul3A_127 = arith.mulf %exp23A_67, %div3A_79 : vector<2048x128xf32>
    %convert_element_type3A_128 = arith.truncf %mul3A_127 : vector<2048x128xf32> to vector<2048x128xbf16>
    %get3A_129 = arith.constant 5 : index
    %get3A_130 = arith.constant 0 : index
    %get3A_131 = arith.constant 0 : index
    %get3A_132 = vector.load %arg2[%get3A_129, %get3A_130, %get3A_131] : memref<11x128x128xbf16, #tpu.memory_space<vmem>>, vector<1x128x128xbf16>
    %get3A_133 = vector.shape_cast %get3A_132 : vector<1x128x128xbf16> to vector<128x128xbf16>
    %dot_general3A_134 = arith.constant dense<0.000000e+00> : vector<2048x128xf32>
    %dot_general3A_135 = tpu.matmul %convert_element_type3A_128, %get3A_133, %dot_general3A_134 {dimension_numbers = #tpu.dot_dimension_numbers<[1], [0], [0], [1], [0, 0, 1, 1], [], []>, transpose_lhs_hint = false} : vector<2048x128xbf16>, vector<128x128xbf16>, vector<2048x128xf32> -> vector<2048x128xf32>
    %add3A_136 = arith.addf %add3A_126, %dot_general3A_135 : vector<2048x128xf32>
    %mul3A_137 = arith.mulf %exp23A_63, %div3A_79 : vector<2048x128xf32>
    %convert_element_type3A_138 = arith.truncf %mul3A_137 : vector<2048x128xf32> to vector<2048x128xbf16>
    %get3A_139 = arith.constant 6 : index
    %get3A_140 = arith.constant 0 : index
    %get3A_141 = arith.constant 0 : index
    %get3A_142 = vector.load %arg2[%get3A_139, %get3A_140, %get3A_141] : memref<11x128x128xbf16, #tpu.memory_space<vmem>>, vector<1x128x128xbf16>
    %get3A_143 = vector.shape_cast %get3A_142 : vector<1x128x128xbf16> to vector<128x128xbf16>
    %dot_general3A_144 = arith.constant dense<0.000000e+00> : vector<2048x128xf32>
    %dot_general3A_145 = tpu.matmul %convert_element_type3A_138, %get3A_143, %dot_general3A_144 {dimension_numbers = #tpu.dot_dimension_numbers<[1], [0], [0], [1], [0, 0, 1, 1], [], []>, transpose_lhs_hint = false} : vector<2048x128xbf16>, vector<128x128xbf16>, vector<2048x128xf32> -> vector<2048x128xf32>
    %add3A_146 = arith.addf %add3A_136, %dot_general3A_145 : vector<2048x128xf32>
    %mul3A_147 = arith.mulf %exp23A_50, %div3A_79 : vector<2048x128xf32>
    %convert_element_type3A_148 = arith.truncf %mul3A_147 : vector<2048x128xf32> to vector<2048x128xbf16>
    %get3A_149 = arith.constant 7 : index
    %get3A_150 = arith.constant 0 : index
    %get3A_151 = arith.constant 0 : index
    %get3A_152 = vector.load %arg2[%get3A_149, %get3A_150, %get3A_151] : memref<11x128x128xbf16, #tpu.memory_space<vmem>>, vector<1x128x128xbf16>
    %get3A_153 = vector.shape_cast %get3A_152 : vector<1x128x128xbf16> to vector<128x128xbf16>
    %dot_general3A_154 = arith.constant dense<0.000000e+00> : vector<2048x128xf32>
    %dot_general3A_155 = tpu.matmul %convert_element_type3A_148, %get3A_153, %dot_general3A_154 {dimension_numbers = #tpu.dot_dimension_numbers<[1], [0], [0], [1], [0, 0, 1, 1], [], []>, transpose_lhs_hint = false} : vector<2048x128xbf16>, vector<128x128xbf16>, vector<2048x128xf32> -> vector<2048x128xf32>
    %add3A_156 = arith.addf %add3A_146, %dot_general3A_155 : vector<2048x128xf32>
    %mul3A_157 = arith.mulf %exp23A_37, %div3A_79 : vector<2048x128xf32>
    %convert_element_type3A_158 = arith.truncf %mul3A_157 : vector<2048x128xf32> to vector<2048x128xbf16>
    %get3A_159 = arith.constant 8 : index
    %get3A_160 = arith.constant 0 : index
    %get3A_161 = arith.constant 0 : index
    %get3A_162 = vector.load %arg2[%get3A_159, %get3A_160, %get3A_161] : memref<11x128x128xbf16, #tpu.memory_space<vmem>>, vector<1x128x128xbf16>
    %get3A_163 = vector.shape_cast %get3A_162 : vector<1x128x128xbf16> to vector<128x128xbf16>
    %dot_general3A_164 = arith.constant dense<0.000000e+00> : vector<2048x128xf32>
    %dot_general3A_165 = tpu.matmul %convert_element_type3A_158, %get3A_163, %dot_general3A_164 {dimension_numbers = #tpu.dot_dimension_numbers<[1], [0], [0], [1], [0, 0, 1, 1], [], []>, transpose_lhs_hint = false} : vector<2048x128xbf16>, vector<128x128xbf16>, vector<2048x128xf32> -> vector<2048x128xf32>
    %add3A_166 = arith.addf %add3A_156, %dot_general3A_165 : vector<2048x128xf32>
    %mul3A_167 = arith.mulf %exp23A_24, %div3A_79 : vector<2048x128xf32>
    %convert_element_type3A_168 = arith.truncf %mul3A_167 : vector<2048x128xf32> to vector<2048x128xbf16>
    %get3A_169 = arith.constant 9 : index
    %get3A_170 = arith.constant 0 : index
    %get3A_171 = arith.constant 0 : index
    %get3A_172 = vector.load %arg2[%get3A_169, %get3A_170, %get3A_171] : memref<11x128x128xbf16, #tpu.memory_space<vmem>>, vector<1x128x128xbf16>
    %get3A_173 = vector.shape_cast %get3A_172 : vector<1x128x128xbf16> to vector<128x128xbf16>
    %dot_general3A_174 = arith.constant dense<0.000000e+00> : vector<2048x128xf32>
    %dot_general3A_175 = tpu.matmul %convert_element_type3A_168, %get3A_173, %dot_general3A_174 {dimension_numbers = #tpu.dot_dimension_numbers<[1], [0], [0], [1], [0, 0, 1, 1], [], []>, transpose_lhs_hint = false} : vector<2048x128xbf16>, vector<128x128xbf16>, vector<2048x128xf32> -> vector<2048x128xf32>
    %add3A_176 = arith.addf %add3A_166, %dot_general3A_175 : vector<2048x128xf32>
    %mul3A_177 = arith.mulf %exp23A_11, %div3A_79 : vector<2048x128xf32>
    %convert_element_type3A_178 = arith.truncf %mul3A_177 : vector<2048x128xf32> to vector<2048x128xbf16>
    %get3A_179 = arith.constant 10 : index
    %get3A_180 = arith.constant 0 : index
    %get3A_181 = arith.constant 0 : index
    %get3A_182 = vector.load %arg2[%get3A_179, %get3A_180, %get3A_181] : memref<11x128x128xbf16, #tpu.memory_space<vmem>>, vector<1x128x128xbf16>
    %get3A_183 = vector.shape_cast %get3A_182 : vector<1x128x128xbf16> to vector<128x128xbf16>
    %dot_general3A_184 = arith.constant dense<0.000000e+00> : vector<2048x128xf32>
    %dot_general3A_185 = tpu.matmul %convert_element_type3A_178, %get3A_183, %dot_general3A_184 {dimension_numbers = #tpu.dot_dimension_numbers<[1], [0], [0], [1], [0, 0, 1, 1], [], []>, transpose_lhs_hint = false} : vector<2048x128xbf16>, vector<128x128xbf16>, vector<2048x128xf32> -> vector<2048x128xf32>
    %add3A_186 = arith.addf %add3A_176, %dot_general3A_185 : vector<2048x128xf32>
    %swap3A = arith.constant 0 : index
    %swap3A_187 = arith.constant 0 : index
    %swap3A_188 = vector.load %arg3[%swap3A, %swap3A_187] : memref<2048x128xf32, #tpu.memory_space<vmem>>, vector<2048x128xf32>
    tpu.vector_store %arg3[%swap3A, %swap3A_187], %add3A_186 {strides = array<i32>} : memref<2048x128xf32, #tpu.memory_space<vmem>>, vector<2048x128xf32>,
    return
  }
  func.func @transform_0(%arg0: i32) -> (i32, i32) {
    %add3A = arith.constant 0 : i32
    %add3A_0 = arith.addi %add3A, %arg0 : i32
    %min3A = arith.constant 48 : i32
    %min3A_1 = arith.minsi %add3A_0, %min3A : i32
    %c0_i32 = arith.constant 0 : i32
    %c0_i32_2 = arith.constant 0 : i32
    return %min3A_1, %c0_i32 : i32, i32
  }
  func.func @transform_1(%arg0: i32) -> (i32, i32, i32) {
    %c0_i32 = arith.constant 0 : i32
    %c0_i32_0 = arith.constant 0 : i32
    %c0_i32_1 = arith.constant 0 : i32
    %c0_i32_2 = arith.constant 0 : i32
    return %c0_i32, %c0_i32_0, %c0_i32_1 : i32, i32, i32
  }
  func.func @transform_2(%arg0: i32) -> (i32, i32) {
    %c0_i32 = arith.constant 0 : i32
    %c0_i32_0 = arith.constant 0 : i32
    return %arg0, %c0_i32 : i32, i32
  }
}

module attributes {stable_mosaic.version = 14 : i64} {
  func.func @_hist_matmul_body(%arg0: i32, %arg1: memref<2048x128xf32, #tpu.memory_space<vmem>>, %arg2: memref<11x128x128xbf16, #tpu.memory_space<vmem>>, %arg3: memref<2048x128xf32, #tpu.memory_space<vmem>>) attributes {dimension_semantics = [#tpu.dimension_semantics<arbitrary>], iteration_bounds = array<i64: 12>, scalar_prefetch = 0 : i64, scratch_operands = 0 : i64, tpu.core_type = #tpu.core_type<tc>, window_params = [{transform_indices = @transform_0, window_bounds = array<i64: 2048, 128>}, {pipeline_mode = #tpu.pipeline_mode<synchronous>, transform_indices = @transform_1, window_bounds = array<i64: 11, 128, 128>}, {transform_indices = @transform_2, window_bounds = array<i64: 2048, 128>}]} {
    %get3A = arith.constant 0 : index
    %get3A_0 = arith.constant 0 : index
    %get3A_1 = vector.load %arg1[%get3A, %get3A_0] : memref<2048x128xf32, #tpu.memory_space<vmem>>, vector<2048x128xf32>
    %mul3A = arith.mulf %get3A_1, %get3A_1 : vector<2048x128xf32>
    %mul3A_2 = arith.constant -9.00682353 : f32
    %mul3A_3 = vector.broadcast %mul3A_2 : f32 to vector<2048x128xf32>
    %mul3A_4 = arith.mulf %mul3A, %mul3A_3 : vector<2048x128xf32>
    %add3A = arith.constant -24.3726902 : f32
    %add3A_5 = vector.broadcast %add3A : f32 to vector<2048x128xf32>
    %add3A_6 = arith.addf %mul3A_4, %add3A_5 : vector<2048x128xf32>
    %mul3A_7 = arith.constant -29.6324501 : f32
    %mul3A_8 = vector.broadcast %mul3A_7 : f32 to vector<2048x128xf32>
    %mul3A_9 = arith.mulf %get3A_1, %mul3A_8 : vector<2048x128xf32>
    %add3A_10 = arith.addf %add3A_6, %mul3A_9 : vector<2048x128xf32>
    %exp23A = math.exp2 %add3A_10 : vector<2048x128xf32>
    %sub3A = arith.subf %add3A_6, %mul3A_9 : vector<2048x128xf32>
    %exp23A_11 = math.exp2 %sub3A : vector<2048x128xf32>
    %mul3A_12 = arith.constant -24.9601212 : f32
    %mul3A_13 = vector.broadcast %mul3A_12 : f32 to vector<2048x128xf32>
    %mul3A_14 = arith.mulf %mul3A, %mul3A_13 : vector<2048x128xf32>
    %add3A_15 = arith.constant -29.1134853 : f32
    %add3A_16 = vector.broadcast %add3A_15 : f32 to vector<2048x128xf32>
    %add3A_17 = arith.addf %mul3A_14, %add3A_16 : vector<2048x128xf32>
    %mul3A_18 = arith.constant -53.9138641 : f32
    %mul3A_19 = vector.broadcast %mul3A_18 : f32 to vector<2048x128xf32>
    %mul3A_20 = arith.mulf %get3A_1, %mul3A_19 : vector<2048x128xf32>
    %add3A_21 = arith.addf %add3A_17, %mul3A_20 : vector<2048x128xf32>
    %exp23A_22 = math.exp2 %add3A_21 : vector<2048x128xf32>
    %sub3A_23 = arith.subf %add3A_17, %mul3A_20 : vector<2048x128xf32>
    %exp23A_24 = math.exp2 %sub3A_23 : vector<2048x128xf32>
    %mul3A_25 = arith.constant -40.1730614 : f32
    %mul3A_26 = vector.broadcast %mul3A_25 : f32 to vector<2048x128xf32>
    %mul3A_27 = arith.mulf %mul3A, %mul3A_26 : vector<2048x128xf32>
    %add3A_28 = arith.constant -21.9393539 : f32
    %add3A_29 = vector.broadcast %add3A_28 : f32 to vector<2048x128xf32>
    %add3A_30 = arith.addf %mul3A_27, %add3A_29 : vector<2048x128xf32>
    %mul3A_31 = arith.constant -59.3757858 : f32
    %mul3A_32 = vector.broadcast %mul3A_31 : f32 to vector<2048x128xf32>
    %mul3A_33 = arith.mulf %get3A_1, %mul3A_32 : vector<2048x128xf32>
    %add3A_34 = arith.addf %add3A_30, %mul3A_33 : vector<2048x128xf32>
    %exp23A_35 = math.exp2 %add3A_34 : vector<2048x128xf32>
    %sub3A_36 = arith.subf %add3A_30, %mul3A_33 : vector<2048x128xf32>
    %exp23A_37 = math.exp2 %sub3A_36 : vector<2048x128xf32>
    %mul3A_38 = arith.constant -51.806057 : f32
    %mul3A_39 = vector.broadcast %mul3A_38 : f32 to vector<2048x128xf32>
    %mul3A_40 = arith.mulf %mul3A, %mul3A_39 : vector<2048x128xf32>
    %add3A_41 = arith.constant -11.3467693 : f32
    %add3A_42 = vector.broadcast %add3A_41 : f32 to vector<2048x128xf32>
    %add3A_43 = arith.addf %mul3A_40, %add3A_42 : vector<2048x128xf32>
    %mul3A_44 = arith.constant -48.4904671 : f32
    %mul3A_45 = vector.broadcast %mul3A_44 : f32 to vector<2048x128xf32>
    %mul3A_46 = arith.mulf %get3A_1, %mul3A_45 : vector<2048x128xf32>
    %add3A_47 = arith.addf %add3A_43, %mul3A_46 : vector<2048x128xf32>
    %exp23A_48 = math.exp2 %add3A_47 : vector<2048x128xf32>
    %sub3A_49 = arith.subf %add3A_43, %mul3A_46 : vector<2048x128xf32>
    %exp23A_50 = math.exp2 %sub3A_49 : vector<2048x128xf32>
    %mul3A_51 = arith.constant -55.5053482 : f32
    %mul3A_52 = vector.broadcast %mul3A_51 : f32 to vector<2048x128xf32>
    %mul3A_53 = arith.mulf %mul3A, %mul3A_52 : vector<2048x128xf32>
    %add3A_54 = arith.constant -2.885390e+00 : f32
    %add3A_55 = vector.broadcast %add3A_54 : f32 to vector<2048x128xf32>
    %add3A_56 = arith.addf %mul3A_53, %add3A_55 : vector<2048x128xf32>
    %mul3A_57 = arith.constant -25.3104401 : f32
    %mul3A_58 = vector.broadcast %mul3A_57 : f32 to vector<2048x128xf32>
    %mul3A_59 = arith.mulf %get3A_1, %mul3A_58 : vector<2048x128xf32>
    %add3A_60 = arith.addf %add3A_56, %mul3A_59 : vector<2048x128xf32>
    %exp23A_61 = math.exp2 %add3A_60 : vector<2048x128xf32>
    %sub3A_62 = arith.subf %add3A_56, %mul3A_59 : vector<2048x128xf32>
    %exp23A_63 = math.exp2 %sub3A_62 : vector<2048x128xf32>
    %mul3A_64 = arith.constant -55.5053482 : f32
    %mul3A_65 = vector.broadcast %mul3A_64 : f32 to vector<2048x128xf32>
    %mul3A_66 = arith.mulf %mul3A, %mul3A_65 : vector<2048x128xf32>
    %exp23A_67 = math.exp2 %mul3A_66 : vector<2048x128xf32>
    %add3A_68 = arith.addf %exp23A, %exp23A_22 : vector<2048x128xf32>
    %add3A_69 = arith.addf %add3A_68, %exp23A_35 : vector<2048x128xf32>
    %add3A_70 = arith.addf %add3A_69, %exp23A_48 : vector<2048x128xf32>
    %add3A_71 = arith.addf %add3A_70, %exp23A_61 : vector<2048x128xf32>
    %add3A_72 = arith.addf %add3A_71, %exp23A_67 : vector<2048x128xf32>
    %add3A_73 = arith.addf %add3A_72, %exp23A_63 : vector<2048x128xf32>
    %add3A_74 = arith.addf %add3A_73, %exp23A_50 : vector<2048x128xf32>
    %add3A_75 = arith.addf %add3A_74, %exp23A_37 : vector<2048x128xf32>
    %add3A_76 = arith.addf %add3A_75, %exp23A_24 : vector<2048x128xf32>
    %add3A_77 = arith.addf %add3A_76, %exp23A_11 : vector<2048x128xf32>
    %div3A = arith.constant 1.000000e+00 : f32
    %div3A_78 = vector.broadcast %div3A : f32 to vector<2048x128xf32>
    %div3A_79 = arith.divf %div3A_78, %add3A_77 : vector<2048x128xf32>
    %mul3A_80 = arith.mulf %exp23A, %div3A_79 : vector<2048x128xf32>
    %convert_element_type3A = arith.truncf %mul3A_80 : vector<2048x128xf32> to vector<2048x128xbf16>
    %get3A_81 = arith.constant 0 : index
    %get3A_82 = arith.constant 0 : index
    %get3A_83 = arith.constant 0 : index
    %get3A_84 = vector.load %arg2[%get3A_81, %get3A_82, %get3A_83] : memref<11x128x128xbf16, #tpu.memory_space<vmem>>, vector<1x128x128xbf16>
    %get3A_85 = vector.shape_cast %get3A_84 : vector<1x128x128xbf16> to vector<128x128xbf16>
    %dot_general3A = arith.constant dense<0.000000e+00> : vector<2048x128xf32>
    %dot_general3A_86 = tpu.matmul %convert_element_type3A, %get3A_85, %dot_general3A {dimension_numbers = #tpu.dot_dimension_numbers<[1], [0], [0], [1], [0, 0, 1, 1], [], []>, transpose_lhs_hint = false} : vector<2048x128xbf16>, vector<128x128xbf16>, vector<2048x128xf32> -> vector<2048x128xf32>
    %mul3A_87 = arith.mulf %exp23A_22, %div3A_79 : vector<2048x128xf32>
    %convert_element_type3A_88 = arith.truncf %mul3A_87 : vector<2048x128xf32> to vector<2048x128xbf16>
    %get3A_89 = arith.constant 1 : index
    %get3A_90 = arith.constant 0 : index
    %get3A_91 = arith.constant 0 : index
    %get3A_92 = vector.load %arg2[%get3A_89, %get3A_90, %get3A_91] : memref<11x128x128xbf16, #tpu.memory_space<vmem>>, vector<1x128x128xbf16>
    %get3A_93 = vector.shape_cast %get3A_92 : vector<1x128x128xbf16> to vector<128x128xbf16>
    %dot_general3A_94 = arith.constant dense<0.000000e+00> : vector<2048x128xf32>
    %dot_general3A_95 = tpu.matmul %convert_element_type3A_88, %get3A_93, %dot_general3A_94 {dimension_numbers = #tpu.dot_dimension_numbers<[1], [0], [0], [1], [0, 0, 1, 1], [], []>, transpose_lhs_hint = false} : vector<2048x128xbf16>, vector<128x128xbf16>, vector<2048x128xf32> -> vector<2048x128xf32>
    %add3A_96 = arith.addf %dot_general3A_86, %dot_general3A_95 : vector<2048x128xf32>
    %mul3A_97 = arith.mulf %exp23A_35, %div3A_79 : vector<2048x128xf32>
    %convert_element_type3A_98 = arith.truncf %mul3A_97 : vector<2048x128xf32> to vector<2048x128xbf16>
    %get3A_99 = arith.constant 2 : index
    %get3A_100 = arith.constant 0 : index
    %get3A_101 = arith.constant 0 : index
    %get3A_102 = vector.load %arg2[%get3A_99, %get3A_100, %get3A_101] : memref<11x128x128xbf16, #tpu.memory_space<vmem>>, vector<1x128x128xbf16>
    %get3A_103 = vector.shape_cast %get3A_102 : vector<1x128x128xbf16> to vector<128x128xbf16>
    %dot_general3A_104 = arith.constant dense<0.000000e+00> : vector<2048x128xf32>
    %dot_general3A_105 = tpu.matmul %convert_element_type3A_98, %get3A_103, %dot_general3A_104 {dimension_numbers = #tpu.dot_dimension_numbers<[1], [0], [0], [1], [0, 0, 1, 1], [], []>, transpose_lhs_hint = false} : vector<2048x128xbf16>, vector<128x128xbf16>, vector<2048x128xf32> -> vector<2048x128xf32>
    %add3A_106 = arith.addf %add3A_96, %dot_general3A_105 : vector<2048x128xf32>
    %mul3A_107 = arith.mulf %exp23A_48, %div3A_79 : vector<2048x128xf32>
    %convert_element_type3A_108 = arith.truncf %mul3A_107 : vector<2048x128xf32> to vector<2048x128xbf16>
    %get3A_109 = arith.constant 3 : index
    %get3A_110 = arith.constant 0 : index
    %get3A_111 = arith.constant 0 : index
    %get3A_112 = vector.load %arg2[%get3A_109, %get3A_110, %get3A_111] : memref<11x128x128xbf16, #tpu.memory_space<vmem>>, vector<1x128x128xbf16>
    %get3A_113 = vector.shape_cast %get3A_112 : vector<1x128x128xbf16> to vector<128x128xbf16>
    %dot_general3A_114 = arith.constant dense<0.000000e+00> : vector<2048x128xf32>
    %dot_general3A_115 = tpu.matmul %convert_element_type3A_108, %get3A_113, %dot_general3A_114 {dimension_numbers = #tpu.dot_dimension_numbers<[1], [0], [0], [1], [0, 0, 1, 1], [], []>, transpose_lhs_hint = false} : vector<2048x128xbf16>, vector<128x128xbf16>, vector<2048x128xf32> -> vector<2048x128xf32>
    %add3A_116 = arith.addf %add3A_106, %dot_general3A_115 : vector<2048x128xf32>
    %mul3A_117 = arith.mulf %exp23A_61, %div3A_79 : vector<2048x128xf32>
    %convert_element_type3A_118 = arith.truncf %mul3A_117 : vector<2048x128xf32> to vector<2048x128xbf16>
    %get3A_119 = arith.constant 4 : index
    %get3A_120 = arith.constant 0 : index
    %get3A_121 = arith.constant 0 : index
    %get3A_122 = vector.load %arg2[%get3A_119, %get3A_120, %get3A_121] : memref<11x128x128xbf16, #tpu.memory_space<vmem>>, vector<1x128x128xbf16>
    %get3A_123 = vector.shape_cast %get3A_122 : vector<1x128x128xbf16> to vector<128x128xbf16>
    %dot_general3A_124 = arith.constant dense<0.000000e+00> : vector<2048x128xf32>
    %dot_general3A_125 = tpu.matmul %convert_element_type3A_118, %get3A_123, %dot_general3A_124 {dimension_numbers = #tpu.dot_dimension_numbers<[1], [0], [0], [1], [0, 0, 1, 1], [], []>, transpose_lhs_hint = false} : vector<2048x128xbf16>, vector<128x128xbf16>, vector<2048x128xf32> -> vector<2048x128xf32>
    %add3A_126 = arith.addf %add3A_116, %dot_general3A_125 : vector<2048x128xf32>
    %mul3A_127 = arith.mulf %exp23A_67, %div3A_79 : vector<2048x128xf32>
    %convert_element_type3A_128 = arith.truncf %mul3A_127 : vector<2048x128xf32> to vector<2048x128xbf16>
    %get3A_129 = arith.constant 5 : index
    %get3A_130 = arith.constant 0 : index
    %get3A_131 = arith.constant 0 : index
    %get3A_132 = vector.load %arg2[%get3A_129, %get3A_130, %get3A_131] : memref<11x128x128xbf16, #tpu.memory_space<vmem>>, vector<1x128x128xbf16>
    %get3A_133 = vector.shape_cast %get3A_132 : vector<1x128x128xbf16> to vector<128x128xbf16>
    %dot_general3A_134 = arith.constant dense<0.000000e+00> : vector<2048x128xf32>
    %dot_general3A_135 = tpu.matmul %convert_element_type3A_128, %get3A_133, %dot_general3A_134 {dimension_numbers = #tpu.dot_dimension_numbers<[1], [0], [0], [1], [0, 0, 1, 1], [], []>, transpose_lhs_hint = false} : vector<2048x128xbf16>, vector<128x128xbf16>, vector<2048x128xf32> -> vector<2048x128xf32>
    %add3A_136 = arith.addf %add3A_126, %dot_general3A_135 : vector<2048x128xf32>
    %mul3A_137 = arith.mulf %exp23A_63, %div3A_79 : vector<2048x128xf32>
    %convert_element_type3A_138 = arith.truncf %mul3A_137 : vector<2048x128xf32> to vector<2048x128xbf16>
    %get3A_139 = arith.constant 6 : index
    %get3A_140 = arith.constant 0 : index
    %get3A_141 = arith.constant 0 : index
    %get3A_142 = vector.load %arg2[%get3A_139, %get3A_140, %get3A_141] : memref<11x128x128xbf16, #tpu.memory_space<vmem>>, vector<1x128x128xbf16>
    %get3A_143 = vector.shape_cast %get3A_142 : vector<1x128x128xbf16> to vector<128x128xbf16>
    %dot_general3A_144 = arith.constant dense<0.000000e+00> : vector<2048x128xf32>
    %dot_general3A_145 = tpu.matmul %convert_element_type3A_138, %get3A_143, %dot_general3A_144 {dimension_numbers = #tpu.dot_dimension_numbers<[1], [0], [0], [1], [0, 0, 1, 1], [], []>, transpose_lhs_hint = false} : vector<2048x128xbf16>, vector<128x128xbf16>, vector<2048x128xf32> -> vector<2048x128xf32>
    %add3A_146 = arith.addf %add3A_136, %dot_general3A_145 : vector<2048x128xf32>
    %mul3A_147 = arith.mulf %exp23A_50, %div3A_79 : vector<2048x128xf32>
    %convert_element_type3A_148 = arith.truncf %mul3A_147 : vector<2048x128xf32> to vector<2048x128xbf16>
    %get3A_149 = arith.constant 7 : index
    %get3A_150 = arith.constant 0 : index
    %get3A_151 = arith.constant 0 : index
    %get3A_152 = vector.load %arg2[%get3A_149, %get3A_150, %get3A_151] : memref<11x128x128xbf16, #tpu.memory_space<vmem>>, vector<1x128x128xbf16>
    %get3A_153 = vector.shape_cast %get3A_152 : vector<1x128x128xbf16> to vector<128x128xbf16>
    %dot_general3A_154 = arith.constant dense<0.000000e+00> : vector<2048x128xf32>
    %dot_general3A_155 = tpu.matmul %convert_element_type3A_148, %get3A_153, %dot_general3A_154 {dimension_numbers = #tpu.dot_dimension_numbers<[1], [0], [0], [1], [0, 0, 1, 1], [], []>, transpose_lhs_hint = false} : vector<2048x128xbf16>, vector<128x128xbf16>, vector<2048x128xf32> -> vector<2048x128xf32>
    %add3A_156 = arith.addf %add3A_146, %dot_general3A_155 : vector<2048x128xf32>
    %mul3A_157 = arith.mulf %exp23A_37, %div3A_79 : vector<2048x128xf32>
    %convert_element_type3A_158 = arith.truncf %mul3A_157 : vector<2048x128xf32> to vector<2048x128xbf16>
    %get3A_159 = arith.constant 8 : index
    %get3A_160 = arith.constant 0 : index
    %get3A_161 = arith.constant 0 : index
    %get3A_162 = vector.load %arg2[%get3A_159, %get3A_160, %get3A_161] : memref<11x128x128xbf16, #tpu.memory_space<vmem>>, vector<1x128x128xbf16>
    %get3A_163 = vector.shape_cast %get3A_162 : vector<1x128x128xbf16> to vector<128x128xbf16>
    %dot_general3A_164 = arith.constant dense<0.000000e+00> : vector<2048x128xf32>
    %dot_general3A_165 = tpu.matmul %convert_element_type3A_158, %get3A_163, %dot_general3A_164 {dimension_numbers = #tpu.dot_dimension_numbers<[1], [0], [0], [1], [0, 0, 1, 1], [], []>, transpose_lhs_hint = false} : vector<2048x128xbf16>, vector<128x128xbf16>, vector<2048x128xf32> -> vector<2048x128xf32>
    %add3A_166 = arith.addf %add3A_156, %dot_general3A_165 : vector<2048x128xf32>
    %mul3A_167 = arith.mulf %exp23A_24, %div3A_79 : vector<2048x128xf32>
    %convert_element_type3A_168 = arith.truncf %mul3A_167 : vector<2048x128xf32> to vector<2048x128xbf16>
    %get3A_169 = arith.constant 9 : index
    %get3A_170 = arith.constant 0 : index
    %get3A_171 = arith.constant 0 : index
    %get3A_172 = vector.load %arg2[%get3A_169, %get3A_170, %get3A_171] : memref<11x128x128xbf16, #tpu.memory_space<vmem>>, vector<1x128x128xbf16>
    %get3A_173 = vector.shape_cast %get3A_172 : vector<1x128x128xbf16> to vector<128x128xbf16>
    %dot_general3A_174 = arith.constant dense<0.000000e+00> : vector<2048x128xf32>
    %dot_general3A_175 = tpu.matmul %convert_element_type3A_168, %get3A_173, %dot_general3A_174 {dimension_numbers = #tpu.dot_dimension_numbers<[1], [0], [0], [1], [0, 0, 1, 1], [], []>, transpose_lhs_hint = false} : vector<2048x128xbf16>, vector<128x128xbf16>, vector<2048x128xf32> -> vector<2048x128xf32>
    %add3A_176 = arith.addf %add3A_166, %dot_general3A_175 : vector<2048x128xf32>
    %mul3A_177 = arith.mulf %exp23A_11, %div3A_79 : vector<2048x128xf32>
    %convert_element_type3A_178 = arith.truncf %mul3A_177 : vector<2048x128xf32> to vector<2048x128xbf16>
    %get3A_179 = arith.constant 10 : index
    %get3A_180 = arith.constant 0 : index
    %get3A_181 = arith.constant 0 : index
    %get3A_182 = vector.load %arg2[%get3A_179, %get3A_180, %get3A_181] : memref<11x128x128xbf16, #tpu.memory_space<vmem>>, vector<1x128x128xbf16>
    %get3A_183 = vector.shape_cast %get3A_182 : vector<1x128x128xbf16> to vector<128x128xbf16>
    %dot_general3A_184 = arith.constant dense<0.000000e+00> : vector<2048x128xf32>
    %dot_general3A_185 = tpu.matmul %convert_element_type3A_178, %get3A_183, %dot_general3A_184 {dimension_numbers = #tpu.dot_dimension_numbers<[1], [0], [0], [1], [0, 0, 1, 1], [], []>, transpose_lhs_hint = false} : vector<2048x128xbf16>, vector<128x128xbf16>, vector<2048x128xf32> -> vector<2048x128xf32>
    %add3A_186 = arith.addf %add3A_176, %dot_general3A_185 : vector<2048x128xf32>
    %swap3A = arith.constant 0 : index
    %swap3A_187 = arith.constant 0 : index
    %swap3A_188 = vector.load %arg3[%swap3A, %swap3A_187] : memref<2048x128xf32, #tpu.memory_space<vmem>>, vector<2048x128xf32>
    tpu.vector_store %arg3[%swap3A, %swap3A_187], %add3A_186 {strides = array<i32>} : memref<2048x128xf32, #tpu.memory_space<vmem>>, vector<2048x128xf32>,
    return
  }
  func.func @transform_0(%arg0: i32) -> (i32, i32) {
    %add3A = arith.constant 40 : i32
    %add3A_0 = arith.addi %add3A, %arg0 : i32
    %min3A = arith.constant 48 : i32
    %min3A_1 = arith.minsi %add3A_0, %min3A : i32
    %c0_i32 = arith.constant 0 : i32
    %c0_i32_2 = arith.constant 0 : i32
    return %min3A_1, %c0_i32 : i32, i32
  }
  func.func @transform_1(%arg0: i32) -> (i32, i32, i32) {
    %c0_i32 = arith.constant 0 : i32
    %c0_i32_0 = arith.constant 0 : i32
    %c0_i32_1 = arith.constant 0 : i32
    %c0_i32_2 = arith.constant 0 : i32
    return %c0_i32, %c0_i32_0, %c0_i32_1 : i32, i32, i32
  }
  func.func @transform_2(%arg0: i32) -> (i32, i32) {
    %c0_i32 = arith.constant 0 : i32
    %c0_i32_0 = arith.constant 0 : i32
    return %arg0, %c0_i32 : i32, i32
  }
}

module attributes {stable_mosaic.version = 14 : i64} {
  func.func @_finish_body(%arg0: i32, %arg1: memref<2x1024x128xf32, #tpu.memory_space<vmem>>, %arg2: memref<2x1024x128xf32, #tpu.memory_space<vmem>>, %arg3: memref<1x128xf32, #tpu.memory_space<vmem>>, %arg4: memref<1024x128xf32, #tpu.memory_space<vmem>>) attributes {dimension_semantics = [#tpu.dimension_semantics<arbitrary>], iteration_bounds = array<i64: 4>, scalar_prefetch = 0 : i64, scratch_operands = 0 : i64, tpu.core_type = #tpu.core_type<tc>, window_params = [{transform_indices = @transform_0, window_bounds = array<i64: 2, 1024, 128>}, {transform_indices = @transform_1, window_bounds = array<i64: 2, 1024, 128>}, {pipeline_mode = #tpu.pipeline_mode<synchronous>, transform_indices = @transform_2, window_bounds = array<i64: 1, 128>}, {transform_indices = @transform_3, window_bounds = array<i64: 1024, 128>}]} {
    %get3A = arith.constant 0 : index
    %get3A_0 = arith.constant 0 : index
    %get3A_1 = arith.constant 0 : index
    %get3A_2 = vector.load %arg1[%get3A, %get3A_0, %get3A_1] : memref<2x1024x128xf32, #tpu.memory_space<vmem>>, vector<1x1024x128xf32>
    %get3A_3 = vector.shape_cast %get3A_2 : vector<1x1024x128xf32> to vector<1024x128xf32>
    %get3A_4 = arith.constant 1 : index
    %get3A_5 = arith.constant 0 : index
    %get3A_6 = arith.constant 0 : index
    %get3A_7 = vector.load %arg1[%get3A_4, %get3A_5, %get3A_6] : memref<2x1024x128xf32, #tpu.memory_space<vmem>>, vector<1x1024x128xf32>
    %get3A_8 = vector.shape_cast %get3A_7 : vector<1x1024x128xf32> to vector<1024x128xf32>
    %add3A = arith.addf %get3A_3, %get3A_8 : vector<1024x128xf32>
    %get3A_9 = arith.constant 0 : index
    %get3A_10 = arith.constant 0 : index
    %get3A_11 = arith.constant 0 : index
    %get3A_12 = vector.load %arg2[%get3A_9, %get3A_10, %get3A_11] : memref<2x1024x128xf32, #tpu.memory_space<vmem>>, vector<1x1024x128xf32>
    %get3A_13 = vector.shape_cast %get3A_12 : vector<1x1024x128xf32> to vector<1024x128xf32>
    %add3A_14 = arith.addf %add3A, %get3A_13 : vector<1024x128xf32>
    %get3A_15 = arith.constant 1 : index
    %get3A_16 = arith.constant 0 : index
    %get3A_17 = arith.constant 0 : index
    %get3A_18 = vector.load %arg2[%get3A_15, %get3A_16, %get3A_17] : memref<2x1024x128xf32, #tpu.memory_space<vmem>>, vector<1x1024x128xf32>
    %get3A_19 = vector.shape_cast %get3A_18 : vector<1x1024x128xf32> to vector<1024x128xf32>
    %add3A_20 = arith.addf %add3A_14, %get3A_19 : vector<1024x128xf32>
    %get3A_21 = arith.constant 0 : index
    %get3A_22 = arith.constant 0 : index
    %get3A_23 = vector.load %arg3[%get3A_21, %get3A_22] : memref<1x128xf32, #tpu.memory_space<vmem>>, vector<1x128xf32>
    %add3A_24 = vector.broadcast %get3A_23 : vector<1x128xf32> to vector<1024x128xf32>
    %add3A_25 = arith.addf %add3A_20, %add3A_24 : vector<1024x128xf32>
    %tanh3A = math.tanh %add3A_25 : vector<1024x128xf32>
    %swap3A = arith.constant 0 : index
    %swap3A_26 = arith.constant 0 : index
    %swap3A_27 = vector.load %arg4[%swap3A, %swap3A_26] : memref<1024x128xf32, #tpu.memory_space<vmem>>, vector<1024x128xf32>
    tpu.vector_store %arg4[%swap3A, %swap3A_26], %tanh3A {strides = array<i32>} : memref<1024x128xf32, #tpu.memory_space<vmem>>, vector<1024x128xf32>,
    return
  }
  func.func @transform_0(%arg0: i32) -> (i32, i32, i32) {
    %c0_i32 = arith.constant 0 : i32
    %c0_i32_0 = arith.constant 0 : i32
    %c0_i32_1 = arith.constant 0 : i32
    return %c0_i32, %arg0, %c0_i32_0 : i32, i32, i32
  }
  func.func @transform_1(%arg0: i32) -> (i32, i32, i32) {
    %c0_i32 = arith.constant 0 : i32
    %c0_i32_0 = arith.constant 0 : i32
    %c0_i32_1 = arith.constant 0 : i32
    return %c0_i32, %arg0, %c0_i32_0 : i32, i32, i32
  }
  func.func @transform_2(%arg0: i32) -> (i32, i32) {
    %c0_i32 = arith.constant 0 : i32
    %c0_i32_0 = arith.constant 0 : i32
    %c0_i32_1 = arith.constant 0 : i32
    return %c0_i32, %c0_i32_0 : i32, i32
  }
  func.func @transform_3(%arg0: i32) -> (i32, i32) {
    %c0_i32 = arith.constant 0 : i32
    %c0_i32_0 = arith.constant 0 : i32
    return %arg0, %c0_i32 : i32, i32
  }
}

</mosaic_0001>

<sc_bundles>
// kernel: kernel.10.cloned.1.call-start
scs
__scs_entry_jumppad:
0x0: {  	(pc) =	sbr.rel $0x88, $3  }
0x1: {  	(tag) =	ssettag $0x0;
	lr =	simm.s32 $0x1  }
0x2: {  	[smem:$0x3F9D] =	sst lr;
	_ =	strace $0xD0000000  }
0x3: {  	_ = 	snop  }
0x4: {  	_ = 	snop  }
0x5: {  	_ = 	snop  }
0x6: {  	_ = 	snop  }
0x7: {  	_ = 	snop  }
__scs_overlays_trampoline_lowered:
0x8: {  	[smem:$0x3FAC] =	sst s0  }
0x9: {  	[smem:$0x3FAD] =	sst s1  }
0xa: {  	[smem:$0x3FAE] =	sst s2  }
0xb: {  	[smem:$0x3FAF] =	sst s3  }
0xc: {  	[smem:$0x3FB0] =	sst s4  }
0xd: {  	[smem:$0x3FB1] =	sst s5  }
0xe: {  	[smem:$0x3FB2] =	sst s6  }
0xf: {  	[smem:$0x3FB3] =	sst s7  }
0x10: {  	[smem:$0x3FB4] =	sst s8  }
0x11: {  	[smem:$0x3FB5] =	sst s9;
	s0 =	simm.s32 @!p0 $0x0  }
0x12: {  	s1 =	sld [smem:$0x3F9B];
	s0 =	simm.s32 @p0 $0x1  }
0x13: {  	[smem:$0x3FB6] =	sst s0;
	s0 =	simm.s32 @!p1 $0x0  }
0x14: {  	s2 =	sld [smem:$0x3F9A];
	s0 =	simm.s32 @p1 $0x1  }
0x15: {  	[smem:$0x3FB7] =	sst s0;
	s0 =	simm.s32 @!p2 $0x0  }
0x16: {  	s3 =	sld [smem:$0x3FDB];
	s0 =	simm.s32 @p2 $0x1  }
0x17: {  	s4 =	simm.s32 $0x1BF5;
	[smem:$0x3FB9] =	sst s0  }
0x18: {  	s0 =	sld [smem:$0x3F9C];
	_ =	swait.ge [sflag:s4], $0x0  }
0x19: {  	s7 =	sld [smem:$0x3F9D]  }
0x1a: {  	s8 =	sadd.s32 $0xFFFFE003, lr  }
0x1b: {  	s9 =	sadd.s32 $0xFFFFFEF7, lr;
	s5 =	simm.s32 $0xFFFFFFFF;
	p2 =	slt.u32 s8, $0xFFFFF086  }
0x1c: {  	p1 =	slt.u32 s9, $0xF7A;
	s5 =	simm.s32 @!p2 $0x0  }
0x1d: {  	s5 =	simm.s32 @p1 $0x1;
	p0 =	seq.s32 s7, s2  }
0x1e: {  	s7 =	smul.u32 @!p0 $0xF7A, s2;
	p2 =	seq.s32 @!p0 s5, $0x0  }
0x1f: {  	s9 =	smul.u32 $0xF7A, s1;
	s8 =	simm.s32 @!p0 $0x1BF5;
	p2 =	por !p2, p0  }
0x20: {  	[sflag:s8] =	ssyncset.s32 @!p0 $0xFFFFF086;
	s6 =	sadd.s32 @!p0 s3, s7;
	s7 =	simm.s32 @!p0 $0x108  }
0x21: {  	s3 =	sadd.s32 s3, s9;
	s6 =	sadd.s32 @!p0 $0x88, s6;
	s7 =	simm.s32 @p2 $0x1082  }
0x22: {  	[simem:s7], [sflag:s8] =	dma.local @!p0 [hbm:s6], $0xF7A  }
0x23: {  	s9 =	sor.u32 $0xD0000000, s2;
	s6 =	simm.s32 $0x108;
	_ =	swait.ge @!p0 [sflag:s8], $0x0  }
0x24: {  	s3 =	sadd.s32 $0x88, s3;
	s6 =	simm.s32 @!p1 $0x1082;
	[sflag:s4] =	ssyncset.s32 $0xFFFFF086  }
0x25: {  	[simem:s6], [sflag:s4] =	dma.local [hbm:s3], $0xF7A  }
0x26: {  	[smem:$0x3F9D] =	sst s1;
	(tag) =	ssettag s2;
	_ =	strace s9  }
0x27: {  	s1 =	sld [smem:$0x3FAD]  }
0x28: {  	s2 =	sld [smem:$0x3FAE]  }
0x29: {  	s4 =	sld [smem:$0x3FB0]  }
0x2a: {  	p0 =	seq.s32 s5, $0x0;
	s5 =	sld [smem:$0x3FB1]  }
0x2b: {  	s6 =	sld [smem:$0x3FB2]  }
0x2c: {  	s7 =	sld [smem:$0x3FB3]  }
0x2d: {  	s3 =	simm.s32 $0x108;
	s8 =	sld [smem:$0x3FB4]  }
0x2e: {  	s3 =	simm.s32 @!p0 $0x1082;
	s9 =	sld [smem:$0x3FB5]  }
0x2f: {  	lr =	sadd.s32 s0, s3;
	s0 =	sld [smem:$0x3FAC]  }
0x30: {  	s3 =	sld [smem:$0x3FAF]  }
0x31: {  	[smem:$0x3FB8] =	sst s10  }
0x32: {  	s10 =	sld [smem:$0x3FB6];
	_ =	sdelay $0x3  }
0x33: {  	p0 =	seq.s32 s10, $0x1;
	s10 =	sld [smem:$0x3FB8];
	_ =	sdelay $0x3  }
0x34: {  	[smem:$0x3FB8] =	sst s10  }
0x35: {  	s10 =	sld [smem:$0x3FB7];
	_ =	sdelay $0x3  }
0x36: {  	p1 =	seq.s32 s10, $0x1;
	s10 =	sld [smem:$0x3FB8];
	_ =	sdelay $0x3  }
0x37: {  	[smem:$0x3FB8] =	sst s10  }
0x38: {  	s10 =	sld [smem:$0x3FB9]  }
0x39: {  	_ = 	snop;
	(pc) =	sbr.ind lr, $3  }
0x3a: {  	_ = 	snop  }
0x3b: {  	_ = 	snop  }
0x3c: {  	p2 =	seq.s32 s10, $0x1;
	s10 =	sld [smem:$0x3FB8]  }
0x3d: {  	_ =	shalt  }
0x3e: {  	_ =	shalt  }
0x3f: {  	_ =	shalt  }
0x40: {  	_ =	shalt  }
0x41: {  	_ =	shalt  }
0x42: {  	_ =	shalt  }
0x43: {  	_ =	shalt  }
0x44: {  	_ =	shalt  }
0x45: {  	_ =	shalt  }
0x46: {  	_ =	shalt  }
0x47: {  	_ =	shalt  }
0x48: {  	_ =	shalt  }
0x49: {  	_ =	shalt  }
0x4a: {  	_ =	shalt  }
0x4b: {  	_ =	shalt  }
0x4c: {  	_ =	shalt  }
0x4d: {  	_ =	shalt  }
0x4e: {  	_ =	shalt  }
0x4f: {  	_ =	shalt  }
0x50: {  	_ =	shalt  }
0x51: {  	_ =	shalt  }
0x52: {  	_ =	shalt  }
0x53: {  	_ =	shalt  }
0x54: {  	_ =	shalt  }
0x55: {  	_ =	shalt  }
0x56: {  	_ =	shalt  }
0x57: {  	_ =	shalt  }
0x58: {  	_ =	shalt  }
0x59: {  	_ =	shalt  }
0x5a: {  	_ =	shalt  }
0x5b: {  	_ =	shalt  }
0x5c: {  	_ =	shalt  }
0x5d: {  	_ =	shalt  }
0x5e: {  	_ =	shalt  }
0x5f: {  	_ =	shalt  }
0x60: {  	_ =	shalt  }
0x61: {  	_ =	shalt  }
0x62: {  	_ =	shalt  }
0x63: {  	_ =	shalt  }
0x64: {  	_ =	shalt  }
0x65: {  	_ =	shalt  }
0x66: {  	_ =	shalt  }
0x67: {  	_ =	shalt  }
0x68: {  	_ =	shalt  }
0x69: {  	_ =	shalt  }
0x6a: {  	_ =	shalt  }
0x6b: {  	_ =	shalt  }
0x6c: {  	_ =	shalt  }
0x6d: {  	_ =	shalt  }
0x6e: {  	_ =	shalt  }
0x6f: {  	_ =	shalt  }
0x70: {  	_ =	shalt  }
0x71: {  	_ =	shalt  }
0x72: {  	_ =	shalt  }
0x73: {  	_ =	shalt  }
0x74: {  	_ =	shalt  }
0x75: {  	_ =	shalt  }
0x76: {  	_ =	shalt  }
0x77: {  	_ =	shalt  }
0x78: {  	_ =	shalt  }
0x79: {  	_ =	shalt  }
0x7a: {  	_ =	shalt  }
0x7b: {  	_ =	shalt  }
0x7c: {  	_ =	shalt  }
0x7d: {  	_ =	shalt  }
0x7e: {  	_ =	shalt  }
0x7f: {  	_ =	shalt  }
0x80: {  	_ =	shalt  }
0x81: {  	_ =	shalt  }
0x82: {  	_ =	shalt  }
0x83: {  	_ =	shalt  }
0x84: {  	_ =	shalt  }
0x85: {  	_ =	shalt  }
0x86: {  	_ =	shalt  }
0x87: {  	_ =	shalt  }
.Lfunc_end0:
.L_simem_size_0:
called_computation.1_lowered:
.L_overlay_start_0:
0x88: {  	s2 =	sld [smem:$0x3FD9]  }
0x89: {  	s3 =	sld [smem:$0x3FFE];
	_ =	sdelay $0x1  }
0x8a: {  	s1 =	srdreg.scid  }
0x8b: {  	s0 =	sand.u32 $0x1, s1  }
0x8c: {  	s17 =	sshll.u32 s0, $0xA;
	s2 =	sadd.s32 s3, s2  }
0x8d: {  	s2 =	sadd.s32 s2, s17  }
0x8e: {  	[smem:$0x3FC4] =	sst s2  }
0x8f: {  	_ = 	snop  }
0x90: {  	(tm) =	ssettm $0x1  }
0x91: {  	s18 =	sld [smem:$0x3FFB];
	_ =	sdelay $0x3  }
0x92: {  	_ =	strace s18  }
0x93: {  	s2 =	sld [smem:$0x3FFC];
	_ =	sdelay $0x3  }
0x94: {  	_ =	strace s2  }
0x95: {  	s2 =	sld [smem:$0x3FFD];
	_ =	sdelay $0x3  }
0x96: {  	_ =	strace s2  }
0x97: {  	_ =	strace $0x8FFFFFFF  }
0x98: {  	s19 =	sld [smem:$0x3FDB];
	_ =	sdelay $0x1  }
0x99: {  	s20 =	simm.s32 $_scs_section_size  }
0x9a: {  	s4 =	simm.s32 $_size__tile_overlayer_lowered;
	s5 =	simm.s32 $_tile_overlayer_lowered  }
0x9b: {  	s6 =	simm.s32 $0x1BFF;
	s21 =	sshll.u32 s5, $0x1;
	s3 =	sadd.s32 s20, s19  }
0x9c: {  	s22 =	simm.s32 $0x0;
	s4 =	sshll.u32 s4, $0x1;
	s5 =	sadd.s32 s21, s3  }
0x9d: {  	[timem:s22], [sflag:s6] =	dma.local [hbm:s5], s4  }
0x9e: {  	_ =	swait.ge [sflag:s6], s4  }
0x9f: {  	s4 =	ssub.s32 $0x0, s4;
	[sflag:s6] =	ssyncset.done $0x0  }
0xa0: {  	[sflag:s6] =	ssyncadd.s32 s4;
	_ =	sdelay $0x1  }
0xa1: {  	s23 =	simm.s32 $0x1B8B  }
0xa2: {  	_ =	swait.ge [sflag:s23], $0x1  }
0xa3: {  	[sflag:s23] =	ssyncset.done $0x0  }
0xa4: {  	[sflag:s23] =	ssyncadd.s32 $0xFFFFFFFF  }
0xa5: {  	s4 =	sld [smem:$0x0]  }
0xa6: {  	s5 =	sand.u32 $0xFFFFFFFE, s1  }
0xa7: {  	p0 =	sne.s32 s1, s5  }
0xa8: {  	s5 =	sshll.u32 @p0 s5, $0xE  }
0xa9: {  	s5 =	sadd.s32 @p0 $0x11B8D, s5;
	s6 =	sshll.u32 @p0 s4, $0x11  }
0xaa: {  	s5 =	sor.u32 @p0 s6, s5  }
0xab: {  	[sflag:s5] =	ssyncadd.remote.s32 @p0 $0x1;
	_ =	sdelay $0x1  }
0xac: {  	s5 =	simm.s32 @p0 $0x1B8D  }
0xad: {  	_ =	swait.eq @p0 [sflag:s5], $0x1  }
0xae: {  	[sflag:s5] =	ssyncadd.s32 @p0 $0xFFFFFFFF  }
0xaf: {  	s6 =	sshll.u32 @!p0 s1, $0xE  }
0xb0: {  	s6 =	sor.u32 @!p0 $0x4000, s6;
	s5 =	simm.s32 @!p0 $0x1B8D  }
0xb1: {  	s4 =	sshll.u32 @!p0 s4, $0x11;
	s6 =	sadd.s32 @!p0 $0x11B8D, s6;
	_ =	swait.eq @!p0 [sflag:s5], $0x1  }
0xb2: {  	s4 =	sor.u32 @!p0 s4, s6;
	[sflag:s5] =	ssyncadd.s32 @!p0 $0xFFFFFFFF  }
0xb3: {  	s25 =	simm.s32 $0x1B8E;
	s24 =	sld [smem:$0x3FFE];
	[sflag:s4] =	ssyncadd.remote.s32 @!p0 $0x1  }
0xb4: {  	s26 =	simm.s32 $execute0_lowered;
	[smem:$0x3FD2] =	sst s25  }
0xb5: {  	s5 =	sshll.u32 s26, $0x1;
	_ =	strace $0x80000049;
	[dreg:$0x1] =	wrdreg $0xFFFFFFFF  }
0xb6: {  	s28 =	simm.s32 $_size_execute0_lowered;
	s3 =	sadd.s32 s3, s5;
	[dreg:$0x0] =	wrdreg $0x0  }
0xb7: {  	s5 =	sshll.u32 s28, $0x1;
	[dreg:$0x2] =	wrdreg s3  }
0xb8: {  	[dreg:$0x3] =	wrdreg s5  }
0xb9: {  	[dreg:$0x4] =	wrdreg $0xC0  }
0xba: {  	_ =	task [dreg:s22], $0x5FFFF  }
0xbb: {  	[dreg:$0x1] =	wrdreg $0xFFFFFFFF  }
0xbc: {  	[dreg:$0x0] =	wrdreg $0x60  }
0xbd: {  	[dreg:$0x2] =	wrdreg s24  }
0xbe: {  	[dreg:$0x3] =	wrdreg $0x144000  }
0xbf: {  	[dreg:$0x4] =	wrdreg $0xA  }
0xc0: {  	_ =	task.clear_ibuf [dreg:s22], $0x5FFFF;
	_ =	strace $0x90000049  }
0xc1: {  	s29 =	simm.s32 $0xA;
	_ =	strace $0x8000004B  }
0xc2: {  	_ =	swait.ge [sflag:s29], $0x1  }
0xc3: {  	[sflag:s29] =	ssyncadd.s32 $0xFFFFFFFF  }
0xc4: {  	_ =	strace $0x9000004B  }
0xc5: {  	_ =	sfence  }
0xc6: {  	s30 =	sld [smem:$0x0];
	_ =	sdelay $0x2  }
0xc7: {  	s31 =	sshll.u32 s1, $0xD;
	s1 =	sshrl.u32 s1, $0x2  }
0xc8: {  	s4 =	sand.u32 $0x4000, s31;
	s1 =	sadd.s32 s1, s30  }
0xc9: {  	s0 =	sor.u32 s4, s0;
	s1 =	sshll.u32 s1, $0x11  }
0xca: {  	s0 =	sor.u32 s1, s0  }
0xcb: {  	s0 =	sadd.s32 $0x8F2B, s0  }
0xcc: {  	[sflag:s0] =	ssyncadd.remote.s32 $0x1  }
0xcd: {  	_ =	sfence.sel $0xFFFF  }
0xce: {  	[dreg:$0x0] =	wrdreg $0xFFFFFFFF;
	(pc) =	sbr.abs _section_cstart, $3  }
0xcf: {  	[dreg:$0x1] =	wrdreg $0xFFFFFFFF  }
0xd0: {  	_ =	task.clear_ibuf [dreg:s22], $0x2FFFF;
	_ =	strace $0x9FFFFFFF  }
0xd1: {  	(tm) =	ssettm $0x7FFFFFFF  }
tec
execute0_lowered:
.L_overlay_start_1:
0x0: {  	(tag) =	ssettag $0x1  }
0x1: {  	s21 =	rddreg [dreg:$0x0];
	s1 =	stileid.u32  }
0x2: {  	s2 =	rddreg [dreg:$0x1];
	s4 =	smul.u32 $0x1080, s1  }
0x3: {  	s0 =	rddreg [dreg:$0x2];
	s3 =	simm.s32 $0x0;
	s6 =	srdreg.scid  }
0x4: {  	[smem:$0x7FF] =	sst s3;
	s7 =	smul.u32 $0x21000, s1;
	s4 =	sadd.s32 s4, s21  }
0x5: {  	s5 =	simm.s32 $0x1;
	_ =	strace $0x8000004A;
	s4 =	sadd.s32 $0x141200, s4  }
0x6: {  	[tilespmem:s3], [sflag:$0x1] =	stream.linear.gather [hbm4b:s4+s3], $0x8400, $0x38;
	[tilespmem:$0x1C800] =	vst v63  }
0x7: {  	s22 =	sand.u32 $0x1, s6;
	_ =	swait.ge [sflag:s5], $0x8400  }
0x8: {  	s6 =	sshll.u32 s22, $0x4;
	s7 =	sshrl.u32 s7, $0x2;
	[sflag:s5] =	ssyncset.done $0x0  }
0x9: {  	s17 =	sor.u32 s1, s6;
	s6 =	sadd.s32 s7, s2;
	[sflag:s5] =	ssyncadd.s32 $0xFFFF7C00  }
0xa: {  	[spmem:s6] =	stream.linear.scatter [tilespmem:s3], [sflag:$0x1], $0x8400, $0x38;
	[tilespmem:$0x1C800] =	vst v63  }
0xb: {  	s29 =	sshll.u32 s17, $0x7;
	_ =	swait.ge [sflag:s5], $0x8400  }
0xc: {  	s7 =	sadd.s32 s29, s21;
	[sflag:s5] =	ssyncset.done $0x0  }
0xd: {  	s8 =	simm.s32 $0x14000;
	s7 =	sadd.s32 $0x1D1A00, s7;
	[sflag:s5] =	ssyncadd.s32 $0xFFFF7C00  }
0xe: {  	[tilespmem:s8], [sflag:$0x1] =	stream.linear.gather [hbm4b:s7+s3], $0x300, $0x38;
	[tilespmem:$0x1C800] =	vst v63  }
0xf: {  	_ =	swait.ge [sflag:s5], $0x300  }
0x10: {  	s9 =	smul.u32 $0x3000, s17;
	[sflag:s5] =	ssyncset.done $0x0  }
0x11: {  	s19 =	sadd.s32 $0x171A00, s21;
	[sflag:s5] =	ssyncadd.s32 $0xFFFFFD00  }
0x12: {  	s9 =	sadd.s32 s19, s9;
	[bflag:$0x0] =	sbarrier.arrive $0xFFFF  }
0x13: {  	[tilespmem:s3], [sflag:$0x1] =	stream.linear.gather [hbm4b:s9+s3], $0x14000, $0x38;
	[tilespmem:$0x1C800] =	vst v63  }
0x14: {  	_ =	swait.ge [sflag:s5], $0x14000  }
0x15: {  	[sflag:s5] =	ssyncset.done $0x0  }
0x16: {  	s10 =	simm.s32 $0x80;
	[sflag:s5] =	ssyncadd.s32 $0xFFFEC000  }
0x17: {  	[spmem:s2] =	stream.indirect.scatter.add.f32 [tilespmem:s3], [sflag:$0x1], $0x80, s8, s10, $0xb8;
	[tilespmem:$0x1C800] =	vst v63  }
0x18: {  	_ =	swait.ge [sflag:s5], $0x4000  }
0x19: {  	[sflag:s5] =	ssyncset.done $0x0  }
0x1a: {  	s11 =	simm.s32 $0x14080;
	s12 =	simm.s32 $0x4000;
	[sflag:s5] =	ssyncadd.s32 $0xFFFFC000  }
0x1b: {  	[spmem:s2] =	stream.indirect.scatter.add.f32 [tilespmem:s12], [sflag:$0x1], $0x80, s11, s10, $0xb8;
	[tilespmem:$0x1C800] =	vst v63  }
0x1c: {  	_ =	swait.ge [sflag:s5], $0x4000  }
0x1d: {  	[sflag:s5] =	ssyncset.done $0x0  }
0x1e: {  	s13 =	simm.s32 $0x14100;
	s14 =	simm.s32 $0x8000;
	[sflag:s5] =	ssyncadd.s32 $0xFFFFC000  }
0x1f: {  	[spmem:s2] =	stream.indirect.scatter.add.f32 [tilespmem:s14], [sflag:$0x1], $0x80, s13, s10, $0xb8;
	[tilespmem:$0x1C800] =	vst v63  }
0x20: {  	_ =	swait.ge [sflag:s5], $0x4000  }
0x21: {  	[sflag:s5] =	ssyncset.done $0x0  }
0x22: {  	s15 =	simm.s32 $0x14180;
	s16 =	simm.s32 $0xC000;
	[sflag:s5] =	ssyncadd.s32 $0xFFFFC000  }
0x23: {  	[spmem:s2] =	stream.indirect.scatter.add.f32 [tilespmem:s16], [sflag:$0x1], $0x80, s15, s10, $0xb8;
	[tilespmem:$0x1C800] =	vst v63  }
0x24: {  	_ =	swait.ge [sflag:s5], $0x4000  }
0x25: {  	s18 =	simm.s32 $0x10000;
	[sflag:s5] =	ssyncset.done $0x0  }
0x26: {  	s20 =	smul.u32 $0x18000, s17;
	s17 =	simm.s32 $0x14200;
	[sflag:s5] =	ssyncadd.s32 $0xFFFFC000  }
0x27: {  	[spmem:s2] =	stream.indirect.scatter.add.f32 [tilespmem:s18], [sflag:$0x1], $0x80, s17, s10, $0xb8;
	[tilespmem:$0x1C800] =	vst v63  }
0x28: {  	s20 =	sshrl.u32 s20, $0x3;
	_ =	swait.ge [sflag:s5], $0x4000  }
0x29: {  	s19 =	sadd.s32 s19, s20;
	[sflag:s5] =	ssyncset.done $0x0  }
0x2a: {  	s19 =	sadd.s32 $0x2800, s19;
	[sflag:s5] =	ssyncadd.s32 $0xFFFFC000  }
0x2b: {  	[tilespmem:s3], [sflag:$0x1] =	stream.linear.gather [hbm4b:s19+s3], $0x4000, $0x38;
	[tilespmem:$0x1C800] =	vst v63  }
0x2c: {  	_ =	swait.ge [sflag:s5], $0x4000  }
0x2d: {  	[sflag:s5] =	ssyncset.done $0x0  }
0x2e: {  	s20 =	simm.s32 $0x14280;
	[sflag:s5] =	ssyncadd.s32 $0xFFFFC000  }
0x2f: {  	[spmem:s2] =	stream.indirect.scatter.add.f32 [tilespmem:s3], [sflag:$0x1], $0x80, s20, s10, $0xb8;
	[tilespmem:$0x1C800] =	vst v63  }
0x30: {  	s23 =	sshll.u32 s1, $0xC;
	s24 =	ssub.s32 $0x2, s22;
	_ =	swait.ge [sflag:s5], $0x4000  }
0x31: {  	s30 =	sshll.u32 s1, $0xF;
	s25 =	sshrl.u32 s24, $0x1;
	[sflag:s5] =	ssyncset.done $0x0  }
0x32: {  	s23 =	sadd.s32 s23, s21;
	s24 =	ssub.s32 s24, s25;
	[sflag:s5] =	ssyncadd.s32 $0xFFFFC000  }
0x33: {  	s21 =	sadd.s32 s30, s2;
	s31 =	smax.u32 s24, $0x1;
	[bflag:$0x0] =	sbarrier.arrive $0xFFFF  }
0x34: {  	[tilespmem:s3], [sflag:$0x1] =	stream.linear.gather [spmem:s21], $0x8000, $0x38;
	[tilespmem:$0x1C800] =	vst v63  }
0x35: {  	s22 =	sshll.u32 s22, $0x10;
	p0 =	sne.s32 s31, $0x1;
	_ =	swait.ge [sflag:s5], $0x8000  }
.Ltmp0:
0x36: {  	s22 =	sadd.s32 s22, s23;
	[sflag:s5] =	ssyncset.done $0x0;
	(pc) =	sbr.rel @!p0 .LBB2_2-.Ltmp0, $4  }
0x37: {  	s22 =	sadd.s32 $0x1D2A00, s22;
	[sflag:s5] =	ssyncadd.s32 $0xFFFF8000  }
0x38: {  	[hbm4b:s22+s3] =	stream.linear.scatter [tilespmem:s3], [sflag:$0x1], $0x8000, $0x38;
	[tilespmem:$0x1C800] =	vst v63  }
0x39: {  	_ =	swait.ge [sflag:s5], $0x8000  }
0x3a: {  	s23 =	sadd.s32 $0xFFFFFFFF, s31;
	[sflag:s5] =	ssyncset.done $0x0  }
.LBB2_1:
0x3b: {  	p0 =	sne.s32 s23, $0x1;
	s23 =	sadd.s32 $0xFFFFFFFF, s23;
	[sflag:s5] =	ssyncadd.s32 $0xFFFF8000  }
0x3c: {  	[tilespmem:s3], [sflag:$0x1] =	stream.linear.gather [hbm4b:s4+s3], $0x8400, $0x38;
	[tilespmem:$0x1C800] =	vst v63  }
0x3d: {  	_ =	swait.ge [sflag:s5], $0x8400  }
0x3e: {  	[sflag:s5] =	ssyncset.done $0x0  }
0x3f: {  	[sflag:s5] =	ssyncadd.s32 $0xFFFF7C00  }
0x40: {  	[spmem:s6] =	stream.linear.scatter [tilespmem:s3], [sflag:$0x1], $0x8400, $0x38;
	[tilespmem:$0x1C800] =	vst v63  }
0x41: {  	_ =	swait.ge [sflag:s5], $0x8400  }
0x42: {  	[sflag:s5] =	ssyncset.done $0x0  }
0x43: {  	[sflag:s5] =	ssyncadd.s32 $0xFFFF7C00  }
0x44: {  	[tilespmem:s8], [sflag:$0x1] =	stream.linear.gather [hbm4b:s7+s3], $0x300, $0x38;
	[tilespmem:$0x1C800] =	vst v63  }
0x45: {  	_ =	swait.ge [sflag:s5], $0x300  }
0x46: {  	[sflag:s5] =	ssyncset.done $0x0  }
0x47: {  	[sflag:s5] =	ssyncadd.s32 $0xFFFFFD00  }
0x48: {  	[bflag:$0x0] =	sbarrier.arrive $0xFFFF  }
0x49: {  	[tilespmem:s3], [sflag:$0x1] =	stream.linear.gather [hbm4b:s9+s3], $0x14000, $0x38;
	[tilespmem:$0x1C800] =	vst v63  }
0x4a: {  	_ =	swait.ge [sflag:s5], $0x14000  }
0x4b: {  	[sflag:s5] =	ssyncset.done $0x0  }
0x4c: {  	[sflag:s5] =	ssyncadd.s32 $0xFFFEC000  }
0x4d: {  	[spmem:s2] =	stream.indirect.scatter.add.f32 [tilespmem:s3], [sflag:$0x1], $0x80, s8, s10, $0xb8;
	[tilespmem:$0x1C800] =	vst v63  }
0x4e: {  	_ =	swait.ge [sflag:s5], $0x4000  }
0x4f: {  	[sflag:s5] =	ssyncset.done $0x0  }
0x50: {  	[sflag:s5] =	ssyncadd.s32 $0xFFFFC000  }
0x51: {  	[spmem:s2] =	stream.indirect.scatter.add.f32 [tilespmem:s12], [sflag:$0x1], $0x80, s11, s10, $0xb8;
	[tilespmem:$0x1C800] =	vst v63  }
0x52: {  	_ =	swait.ge [sflag:s5], $0x4000  }
0x53: {  	[sflag:s5] =	ssyncset.done $0x0  }
0x54: {  	[sflag:s5] =	ssyncadd.s32 $0xFFFFC000  }
0x55: {  	[spmem:s2] =	stream.indirect.scatter.add.f32 [tilespmem:s14], [sflag:$0x1], $0x80, s13, s10, $0xb8;
	[tilespmem:$0x1C800] =	vst v63  }
0x56: {  	_ =	swait.ge [sflag:s5], $0x4000  }
0x57: {  	[sflag:s5] =	ssyncset.done $0x0  }
0x58: {  	[sflag:s5] =	ssyncadd.s32 $0xFFFFC000  }
0x59: {  	[spmem:s2] =	stream.indirect.scatter.add.f32 [tilespmem:s16], [sflag:$0x1], $0x80, s15, s10, $0xb8;
	[tilespmem:$0x1C800] =	vst v63  }
0x5a: {  	_ =	swait.ge [sflag:s5], $0x4000  }
0x5b: {  	[sflag:s5] =	ssyncset.done $0x0  }
0x5c: {  	[sflag:s5] =	ssyncadd.s32 $0xFFFFC000  }
0x5d: {  	[spmem:s2] =	stream.indirect.scatter.add.f32 [tilespmem:s18], [sflag:$0x1], $0x80, s17, s10, $0xb8;
	[tilespmem:$0x1C800] =	vst v63  }
0x5e: {  	_ =	swait.ge [sflag:s5], $0x4000  }
0x5f: {  	[sflag:s5] =	ssyncset.done $0x0  }
0x60: {  	[sflag:s5] =	ssyncadd.s32 $0xFFFFC000  }
0x61: {  	[tilespmem:s3], [sflag:$0x1] =	stream.linear.gather [hbm4b:s19+s3], $0x4000, $0x38;
	[tilespmem:$0x1C800] =	vst v63  }
0x62: {  	_ =	swait.ge [sflag:s5], $0x4000  }
0x63: {  	[sflag:s5] =	ssyncset.done $0x0  }
0x64: {  	[sflag:s5] =	ssyncadd.s32 $0xFFFFC000  }
0x65: {  	[spmem:s2] =	stream.indirect.scatter.add.f32 [tilespmem:s3], [sflag:$0x1], $0x80, s20, s10, $0xb8;
	[tilespmem:$0x1C800] =	vst v63  }
0x66: {  	_ =	swait.ge [sflag:s5], $0x4000  }
0x67: {  	[sflag:s5] =	ssyncset.done $0x0  }
0x68: {  	[sflag:s5] =	ssyncadd.s32 $0xFFFFC000  }
0x69: {  	[bflag:$0x0] =	sbarrier.arrive $0xFFFF  }
0x6a: {  	[tilespmem:s3], [sflag:$0x1] =	stream.linear.gather [spmem:s21], $0x8000, $0x38;
	[tilespmem:$0x1C800] =	vst v63  }
0x6b: {  	_ =	swait.ge [sflag:s5], $0x8000  }
.Ltmp1:
0x6c: {  	[sflag:s5] =	ssyncset.done $0x0;
	(pc) =	sbr.rel @p0 .LBB2_1-.Ltmp1, $4  }
0x6d: {  	[sflag:s5] =	ssyncadd.s32 $0xFFFF8000  }
0x6e: {  	[hbm4b:s22+s3] =	stream.linear.scatter [tilespmem:s3], [sflag:$0x1], $0x8000, $0x38;
	[tilespmem:$0x1C800] =	vst v63  }
0x6f: {  	_ =	swait.ge [sflag:s5], $0x8000  }
0x70: {  	[sflag:s5] =	ssyncset.done $0x0  }
.LBB2_2:
0x71: {  	[sflag:s5] =	ssyncadd.s32 $0xFFFF8000  }
0x72: {  	_ =	sfence.sel $0x180000  }
0x73: {  	[bflag:$0x0] =	sbarrier.arrive $0xFFFF  }
0x74: {  	p0 =	sne.s32 s1, $0x0;
	_ =	strace $0x9000004A  }
0x75: {  	s0 =	sadd.s32 @!p0 $0x100000, s0;
	[bflag:$0x2] =	sbarrier.arrive $0xFFFF  }
0x76: {  	[sflag:s0] =	ssyncadd.tile.s32 @!p0 $0x1;
	_ =	shalt  }
.Lfunc_end2:
_tile_overlayer_lowered:
.L_overlay_start_2:
0x77: {  	(tag) =	ssettag $0x2  }
0x78: {  	s0 =	rddreg [dreg:$0x0];
	s2 =	stileid.u32  }
0x79: {  	s1 =	rddreg [dreg:$0x1];
	p0 =	sne.s32 s2, $0x0  }
0x7a: {  	s3 =	rddreg [dreg:$0x2];
	[bflag:$0x3] =	sbarrier.arrive $0xFFFF;
	s2 =	simm.s32 @!p0 $0x1C01  }
0x7b: {  	[timem:s3], [sflag:s2] =	dma.local @!p0 [hbm:s0], s1  }
0x7c: {  	s0 =	simm.s32 @!p0 $0x1  }
0x7d: {  	_ =	swait.ge @!p0 [sflag:s0], s1  }
0x7e: {  	s1 =	ssub.s32 @!p0 $0x0, s1;
	[sflag:s0] =	ssyncset.done @!p0 $0x0  }
0x7f: {  	[sflag:s0] =	ssyncadd.s32 @!p0 s1  }
0x80: {  	[bflag:$0x3] =	sbarrier.arrive $0xFFFF  }
0x81: {  	_ =	shalt  }

// kernel: kernel.7.cloned.1.call-start
scs
__scs_entry_jumppad:
0x0: {  	(pc) =	sbr.rel $0x88, $3  }
0x1: {  	(tag) =	ssettag $0x0;
	lr =	simm.s32 $0x1  }
0x2: {  	[smem:$0x3F9D] =	sst lr;
	_ =	strace $0xD0000000  }
0x3: {  	_ = 	snop  }
0x4: {  	_ = 	snop  }
0x5: {  	_ = 	snop  }
0x6: {  	_ = 	snop  }
0x7: {  	_ = 	snop  }
__scs_overlays_trampoline_lowered:
0x8: {  	[smem:$0x3FAC] =	sst s0  }
0x9: {  	[smem:$0x3FAD] =	sst s1  }
0xa: {  	[smem:$0x3FAE] =	sst s2  }
0xb: {  	[smem:$0x3FAF] =	sst s3  }
0xc: {  	[smem:$0x3FB0] =	sst s4  }
0xd: {  	[smem:$0x3FB1] =	sst s5  }
0xe: {  	[smem:$0x3FB2] =	sst s6  }
0xf: {  	[smem:$0x3FB3] =	sst s7  }
0x10: {  	[smem:$0x3FB4] =	sst s8  }
0x11: {  	[smem:$0x3FB5] =	sst s9;
	s0 =	simm.s32 @!p0 $0x0  }
0x12: {  	s1 =	sld [smem:$0x3F9B];
	s0 =	simm.s32 @p0 $0x1  }
0x13: {  	[smem:$0x3FB6] =	sst s0;
	s0 =	simm.s32 @!p1 $0x0  }
0x14: {  	s2 =	sld [smem:$0x3F9A];
	s0 =	simm.s32 @p1 $0x1  }
0x15: {  	[smem:$0x3FB7] =	sst s0;
	s0 =	simm.s32 @!p2 $0x0  }
0x16: {  	s3 =	sld [smem:$0x3FDB];
	s0 =	simm.s32 @p2 $0x1  }
0x17: {  	s4 =	simm.s32 $0x1BF5;
	[smem:$0x3FB9] =	sst s0  }
0x18: {  	s0 =	sld [smem:$0x3F9C];
	_ =	swait.ge [sflag:s4], $0x0  }
0x19: {  	s7 =	sld [smem:$0x3F9D]  }
0x1a: {  	s8 =	sadd.s32 $0xFFFFE003, lr  }
0x1b: {  	s9 =	sadd.s32 $0xFFFFFEF7, lr;
	s5 =	simm.s32 $0xFFFFFFFF;
	p2 =	slt.u32 s8, $0xFFFFF086  }
0x1c: {  	p1 =	slt.u32 s9, $0xF7A;
	s5 =	simm.s32 @!p2 $0x0  }
0x1d: {  	s5 =	simm.s32 @p1 $0x1;
	p0 =	seq.s32 s7, s2  }
0x1e: {  	s7 =	smul.u32 @!p0 $0xF7A, s2;
	p2 =	seq.s32 @!p0 s5, $0x0  }
0x1f: {  	s9 =	smul.u32 $0xF7A, s1;
	s8 =	simm.s32 @!p0 $0x1BF5;
	p2 =	por !p2, p0  }
0x20: {  	[sflag:s8] =	ssyncset.s32 @!p0 $0xFFFFF086;
	s6 =	sadd.s32 @!p0 s3, s7;
	s7 =	simm.s32 @!p0 $0x108  }
0x21: {  	s3 =	sadd.s32 s3, s9;
	s6 =	sadd.s32 @!p0 $0x88, s6;
	s7 =	simm.s32 @p2 $0x1082  }
0x22: {  	[simem:s7], [sflag:s8] =	dma.local @!p0 [hbm:s6], $0xF7A  }
0x23: {  	s9 =	sor.u32 $0xD0000000, s2;
	s6 =	simm.s32 $0x108;
	_ =	swait.ge @!p0 [sflag:s8], $0x0  }
0x24: {  	s3 =	sadd.s32 $0x88, s3;
	s6 =	simm.s32 @!p1 $0x1082;
	[sflag:s4] =	ssyncset.s32 $0xFFFFF086  }
0x25: {  	[simem:s6], [sflag:s4] =	dma.local [hbm:s3], $0xF7A  }
0x26: {  	[smem:$0x3F9D] =	sst s1;
	(tag) =	ssettag s2;
	_ =	strace s9  }
0x27: {  	s1 =	sld [smem:$0x3FAD]  }
0x28: {  	s2 =	sld [smem:$0x3FAE]  }
0x29: {  	s4 =	sld [smem:$0x3FB0]  }
0x2a: {  	p0 =	seq.s32 s5, $0x0;
	s5 =	sld [smem:$0x3FB1]  }
0x2b: {  	s6 =	sld [smem:$0x3FB2]  }
0x2c: {  	s7 =	sld [smem:$0x3FB3]  }
0x2d: {  	s3 =	simm.s32 $0x108;
	s8 =	sld [smem:$0x3FB4]  }
0x2e: {  	s3 =	simm.s32 @!p0 $0x1082;
	s9 =	sld [smem:$0x3FB5]  }
0x2f: {  	lr =	sadd.s32 s0, s3;
	s0 =	sld [smem:$0x3FAC]  }
0x30: {  	s3 =	sld [smem:$0x3FAF]  }
0x31: {  	[smem:$0x3FB8] =	sst s10  }
0x32: {  	s10 =	sld [smem:$0x3FB6];
	_ =	sdelay $0x3  }
0x33: {  	p0 =	seq.s32 s10, $0x1;
	s10 =	sld [smem:$0x3FB8];
	_ =	sdelay $0x3  }
0x34: {  	[smem:$0x3FB8] =	sst s10  }
0x35: {  	s10 =	sld [smem:$0x3FB7];
	_ =	sdelay $0x3  }
0x36: {  	p1 =	seq.s32 s10, $0x1;
	s10 =	sld [smem:$0x3FB8];
	_ =	sdelay $0x3  }
0x37: {  	[smem:$0x3FB8] =	sst s10  }
0x38: {  	s10 =	sld [smem:$0x3FB9]  }
0x39: {  	_ = 	snop;
	(pc) =	sbr.ind lr, $3  }
0x3a: {  	_ = 	snop  }
0x3b: {  	_ = 	snop  }
0x3c: {  	p2 =	seq.s32 s10, $0x1;
	s10 =	sld [smem:$0x3FB8]  }
0x3d: {  	_ =	shalt  }
0x3e: {  	_ =	shalt  }
0x3f: {  	_ =	shalt  }
0x40: {  	_ =	shalt  }
0x41: {  	_ =	shalt  }
0x42: {  	_ =	shalt  }
0x43: {  	_ =	shalt  }
0x44: {  	_ =	shalt  }
0x45: {  	_ =	shalt  }
0x46: {  	_ =	shalt  }
0x47: {  	_ =	shalt  }
0x48: {  	_ =	shalt  }
0x49: {  	_ =	shalt  }
0x4a: {  	_ =	shalt  }
0x4b: {  	_ =	shalt  }
0x4c: {  	_ =	shalt  }
0x4d: {  	_ =	shalt  }
0x4e: {  	_ =	shalt  }
0x4f: {  	_ =	shalt  }
0x50: {  	_ =	shalt  }
0x51: {  	_ =	shalt  }
0x52: {  	_ =	shalt  }
0x53: {  	_ =	shalt  }
0x54: {  	_ =	shalt  }
0x55: {  	_ =	shalt  }
0x56: {  	_ =	shalt  }
0x57: {  	_ =	shalt  }
0x58: {  	_ =	shalt  }
0x59: {  	_ =	shalt  }
0x5a: {  	_ =	shalt  }
0x5b: {  	_ =	shalt  }
0x5c: {  	_ =	shalt  }
0x5d: {  	_ =	shalt  }
0x5e: {  	_ =	shalt  }
0x5f: {  	_ =	shalt  }
0x60: {  	_ =	shalt  }
0x61: {  	_ =	shalt  }
0x62: {  	_ =	shalt  }
0x63: {  	_ =	shalt  }
0x64: {  	_ =	shalt  }
0x65: {  	_ =	shalt  }
0x66: {  	_ =	shalt  }
0x67: {  	_ =	shalt  }
0x68: {  	_ =	shalt  }
0x69: {  	_ =	shalt  }
0x6a: {  	_ =	shalt  }
0x6b: {  	_ =	shalt  }
0x6c: {  	_ =	shalt  }
0x6d: {  	_ =	shalt  }
0x6e: {  	_ =	shalt  }
0x6f: {  	_ =	shalt  }
0x70: {  	_ =	shalt  }
0x71: {  	_ =	shalt  }
0x72: {  	_ =	shalt  }
0x73: {  	_ =	shalt  }
0x74: {  	_ =	shalt  }
0x75: {  	_ =	shalt  }
0x76: {  	_ =	shalt  }
0x77: {  	_ =	shalt  }
0x78: {  	_ =	shalt  }
0x79: {  	_ =	shalt  }
0x7a: {  	_ =	shalt  }
0x7b: {  	_ =	shalt  }
0x7c: {  	_ =	shalt  }
0x7d: {  	_ =	shalt  }
0x7e: {  	_ =	shalt  }
0x7f: {  	_ =	shalt  }
0x80: {  	_ =	shalt  }
0x81: {  	_ =	shalt  }
0x82: {  	_ =	shalt  }
0x83: {  	_ =	shalt  }
0x84: {  	_ =	shalt  }
0x85: {  	_ =	shalt  }
0x86: {  	_ =	shalt  }
0x87: {  	_ =	shalt  }
.Lfunc_end0:
.L_simem_size_0:
called_computation_lowered:
.L_overlay_start_0:
0x88: {  	s2 =	sld [smem:$0x3FD9]  }
0x89: {  	s3 =	sld [smem:$0x3FFE];
	_ =	sdelay $0x1  }
0x8a: {  	s1 =	srdreg.scid  }
0x8b: {  	s0 =	sand.u32 $0x1, s1  }
0x8c: {  	s17 =	sshll.u32 s0, $0xA;
	s2 =	sadd.s32 s3, s2  }
0x8d: {  	s2 =	sadd.s32 s2, s17  }
0x8e: {  	[smem:$0x3FC4] =	sst s2  }
0x8f: {  	_ = 	snop  }
0x90: {  	s2 =	sld [smem:$0x3FD0];
	(tm) =	ssettm $0x1  }
0x91: {  	s18 =	sld [smem:$0x3FFB];
	_ =	sdelay $0x3  }
0x92: {  	_ =	strace s18  }
0x93: {  	s3 =	sld [smem:$0x3FFC];
	_ =	sdelay $0x3  }
0x94: {  	_ =	strace s3  }
0x95: {  	s3 =	sld [smem:$0x3FFD];
	_ =	sdelay $0x3  }
0x96: {  	_ =	strace s3  }
0x97: {  	_ =	strace $0x8FFFFFFF  }
0x98: {  	s19 =	sld [smem:$0x3FDB];
	_ =	sdelay $0x1  }
0x99: {  	s4 =	simm.s32 $_scs_section_size  }
0x9a: {  	s5 =	simm.s32 $_size__tile_overlayer_lowered;
	s6 =	simm.s32 $_tile_overlayer_lowered  }
0x9b: {  	s22 =	simm.s32 $0x1BFF;
	s21 =	sshll.u32 s6, $0x1;
	s3 =	sadd.s32 s4, s19  }
0x9c: {  	s7 =	simm.s32 $0x0;
	s20 =	sshll.u32 s5, $0x1;
	s5 =	sadd.s32 s21, s3  }
0x9d: {  	[timem:s7], [sflag:s22] =	dma.local [hbm:s5], s20  }
0x9e: {  	_ =	swait.ge [sflag:s22], s20  }
0x9f: {  	s4 =	ssub.s32 $0x0, s20;
	[sflag:s22] =	ssyncset.done $0x0  }
0xa0: {  	[sflag:s22] =	ssyncadd.s32 s4;
	_ =	sdelay $0x1  }
0xa1: {  	s23 =	simm.s32 $0x1B8B  }
0xa2: {  	_ =	swait.ge [sflag:s23], $0x1  }
0xa3: {  	[sflag:s23] =	ssyncset.done $0x0  }
0xa4: {  	s25 =	simm.s32 $0x1B8E;
	s24 =	sld [smem:$0x3FFE];
	[sflag:s23] =	ssyncadd.s32 $0xFFFFFFFF  }
0xa5: {  	s26 =	simm.s32 $execute0_lowered;
	[smem:$0x3FD2] =	sst s25  }
0xa6: {  	s5 =	sshll.u32 s26, $0x1;
	_ =	strace $0x80000046;
	[dreg:$0x1] =	wrdreg $0xFFFFFFFF  }
0xa7: {  	s28 =	simm.s32 $_size_execute0_lowered;
	s3 =	sadd.s32 s3, s5;
	[dreg:$0x0] =	wrdreg $0x0  }
0xa8: {  	s5 =	sshll.u32 s28, $0x1;
	[dreg:$0x2] =	wrdreg s3  }
0xa9: {  	[dreg:$0x3] =	wrdreg s5  }
0xaa: {  	[dreg:$0x4] =	wrdreg $0xC0  }
0xab: {  	_ =	task [dreg:s7], $0x5FFFF  }
0xac: {  	[dreg:$0x1] =	wrdreg $0xFFFFFFFF  }
0xad: {  	[dreg:$0x0] =	wrdreg $0x60  }
0xae: {  	[dreg:$0x2] =	wrdreg s24  }
0xaf: {  	[dreg:$0x3] =	wrdreg s2  }
0xb0: {  	[dreg:$0x4] =	wrdreg $0x14C000  }
0xb1: {  	[dreg:$0x5] =	wrdreg $0x9  }
0xb2: {  	_ =	task.clear_ibuf [dreg:s7], $0x6FFFF;
	_ =	strace $0x90000046  }
0xb3: {  	s29 =	simm.s32 $0x9;
	_ =	strace $0x80000048  }
0xb4: {  	_ =	swait.ge [sflag:s29], $0x1  }
0xb5: {  	[sflag:s29] =	ssyncadd.s32 $0xFFFFFFFF  }
0xb6: {  	_ =	strace $0x90000048  }
0xb7: {  	_ =	sfence  }
0xb8: {  	s30 =	sld [smem:$0x0];
	_ =	sdelay $0x2  }
0xb9: {  	s31 =	sshll.u32 s1, $0xD;
	s1 =	sshrl.u32 s1, $0x2  }
0xba: {  	s3 =	sand.u32 $0x4000, s31;
	s1 =	sadd.s32 s1, s30  }
0xbb: {  	s0 =	sor.u32 s3, s0;
	s1 =	sshll.u32 s1, $0x11  }
0xbc: {  	s0 =	sor.u32 s1, s0  }
0xbd: {  	s0 =	sadd.s32 $0x8F2B, s0  }
0xbe: {  	[sflag:s0] =	ssyncadd.remote.s32 $0x1  }
0xbf: {  	_ =	sfence.sel $0xFFFF  }
0xc0: {  	[dreg:$0x0] =	wrdreg $0xFFFFFFFF;
	(pc) =	sbr.abs _section_cstart, $3  }
0xc1: {  	[dreg:$0x1] =	wrdreg $0xFFFFFFFF  }
0xc2: {  	_ =	task.clear_ibuf [dreg:s7], $0x2FFFF;
	_ =	strace $0x9FFFFFFF  }
0xc3: {  	(tm) =	ssettm $0x7FFFFFFF  }
tec
execute0_lowered:
.L_overlay_start_1:
0x0: {  	(tag) =	ssettag $0x1  }
0x1: {  	s1 =	rddreg [dreg:$0x0]  }
0x2: {  	s4 =	rddreg [dreg:$0x1]  }
0x3: {  	s2 =	rddreg [dreg:$0x2]  }
0x4: {  	s5 =	srdreg.scid;
	s0 =	stileid.u32  }
0x5: {  	s3 =	simm.s32 $0x0;
	s31 =	sand.u32 $0x1, s5;
	s14 =	smul.u32 $0x1080, s0  }
0x6: {  	[smem:$0x7FF] =	sst s3;
	s7 =	smul.u32 $0x21000, s0;
	s21 =	sshll.u32 s0, $0xF  }
0x7: {  	s6 =	sshll.u32 s31, $0x4;
	_ =	strace $0x80000047;
	s23 =	sadd.s32 s21, s2  }
0x8: {  	s6 =	sor.u32 s0, s6;
	s5 =	sadd.s32 s14, s1;
	s7 =	sshrl.u32 s7, $0x2  }
0x9: {  	[dreg:$0xb] =	wrdreg s23;
	s9 =	smul.u32 $0x180, s6;
	s5 =	sadd.s32 $0x141200, s5  }
0xa: {  	s10 =	smul.u32 $0x50000, s6;
	s15 =	sadd.s32 s7, s2;
	[dreg:$0x4] =	wrdreg s5  }
0xb: {  	s8 =	sadd.s32 $0x1200, s1;
	s6 =	smul.u32 $0xA000, s6;
	[dreg:$0x5] =	wrdreg s15  }
0xc: {  	s4 =	sadd.s32 s4, s9;
	s16 =	sshrl.u32 s10, $0x3;
	s22 =	rddreg [dreg:$0x4]  }
0xd: {  	s17 =	sadd.s32 s8, s6;
	[dreg:$0x6] =	wrdreg s4;
	s5 =	sadd.s32 s8, s16  }
0xe: {  	[tilespmem:s3], [sflag:$0x1] =	stream.linear.gather [hbm4b:s22+s3], $0x8400, $0x38;
	[tilespmem:$0x1D000] =	vst v63  }
0xf: {  	[dreg:$0x7] =	wrdreg s17;
	s18 =	sadd.s32 $0x2800, s5  }
0x10: {  	s19 =	sadd.s32 $0x5000, s5;
	[dreg:$0x8] =	wrdreg s18  }
0x11: {  	s20 =	sadd.s32 $0x7800, s5;
	[dreg:$0x9] =	wrdreg s19  }
0x12: {  	s4 =	simm.s32 $0x1;
	[dreg:$0xa] =	wrdreg s20  }
0x13: {  	_ =	swait.ge [sflag:s4], $0x8400  }
0x14: {  	[sflag:s4] =	ssyncset.done $0x0  }
0x15: {  	s24 =	rddreg [dreg:$0x5];
	[sflag:s4] =	ssyncadd.s32 $0xFFFF7C00  }
0x16: {  	[spmem:s24] =	stream.linear.scatter [tilespmem:s3], [sflag:$0x1], $0x8400, $0x38;
	[tilespmem:$0x1D000] =	vst v63  }
0x17: {  	_ =	swait.ge [sflag:s4], $0x8400  }
0x18: {  	[sflag:s4] =	ssyncset.done $0x0  }
0x19: {  	s5 =	simm.s32 $0x14000;
	s25 =	rddreg [dreg:$0x6];
	[sflag:s4] =	ssyncadd.s32 $0xFFFF7C00  }
0x1a: {  	[tilespmem:s5], [sflag:$0x1] =	stream.linear.gather [hbm4b:s25+s3], $0xA00, $0x38;
	[tilespmem:$0x1D000] =	vst v63  }
0x1b: {  	_ =	swait.ge [sflag:s4], $0xA00  }
0x1c: {  	[sflag:s4] =	ssyncset.done $0x0  }
0x1d: {  	[sflag:s4] =	ssyncadd.s32 $0xFFFFF600  }
0x1e: {  	[bflag:$0x0] =	sbarrier.arrive $0xFFFF  }
0x1f: {  	s26 =	rddreg [dreg:$0x7]  }
0x20: {  	[tilespmem:s3], [sflag:$0x1] =	stream.linear.gather [hbm4b:s26+s3], $0x14000, $0x38;
	[tilespmem:$0x1D000] =	vst v63  }
0x21: {  	_ =	swait.ge [sflag:s4], $0x14000  }
0x22: {  	[sflag:s4] =	ssyncset.done $0x0  }
0x23: {  	s6 =	simm.s32 $0x80;
	[sflag:s4] =	ssyncadd.s32 $0xFFFEC000  }
0x24: {  	[spmem:s2] =	stream.indirect.scatter.add.f32 [tilespmem:s3], [sflag:$0x1], $0x80, s5, s6, $0xb8;
	[tilespmem:$0x1D000] =	vst v63  }
0x25: {  	_ =	swait.ge [sflag:s4], $0x4000  }
0x26: {  	[sflag:s4] =	ssyncset.done $0x0  }
0x27: {  	s7 =	simm.s32 $0x14080;
	s8 =	simm.s32 $0x4000;
	[sflag:s4] =	ssyncadd.s32 $0xFFFFC000  }
0x28: {  	[spmem:s2] =	stream.indirect.scatter.add.f32 [tilespmem:s8], [sflag:$0x1], $0x80, s7, s6, $0xb8;
	[tilespmem:$0x1D000] =	vst v63  }
0x29: {  	_ =	swait.ge [sflag:s4], $0x4000  }
0x2a: {  	[sflag:s4] =	ssyncset.done $0x0  }
0x2b: {  	s9 =	simm.s32 $0x14100;
	s10 =	simm.s32 $0x8000;
	[sflag:s4] =	ssyncadd.s32 $0xFFFFC000  }
0x2c: {  	[spmem:s2] =	stream.indirect.scatter.add.f32 [tilespmem:s10], [sflag:$0x1], $0x80, s9, s6, $0xb8;
	[tilespmem:$0x1D000] =	vst v63  }
0x2d: {  	_ =	swait.ge [sflag:s4], $0x4000  }
0x2e: {  	[sflag:s4] =	ssyncset.done $0x0  }
0x2f: {  	s11 =	simm.s32 $0x14180;
	s12 =	simm.s32 $0xC000;
	[sflag:s4] =	ssyncadd.s32 $0xFFFFC000  }
0x30: {  	[spmem:s2] =	stream.indirect.scatter.add.f32 [tilespmem:s12], [sflag:$0x1], $0x80, s11, s6, $0xb8;
	[tilespmem:$0x1D000] =	vst v63  }
0x31: {  	_ =	swait.ge [sflag:s4], $0x4000  }
0x32: {  	[sflag:s4] =	ssyncset.done $0x0  }
0x33: {  	s13 =	simm.s32 $0x14200;
	s14 =	simm.s32 $0x10000;
	[sflag:s4] =	ssyncadd.s32 $0xFFFFC000  }
0x34: {  	[spmem:s2] =	stream.indirect.scatter.add.f32 [tilespmem:s14], [sflag:$0x1], $0x80, s13, s6, $0xb8;
	[tilespmem:$0x1D000] =	vst v63  }
0x35: {  	_ =	swait.ge [sflag:s4], $0x4000  }
0x36: {  	[sflag:s4] =	ssyncset.done $0x0  }
0x37: {  	s15 =	rddreg [dreg:$0x8];
	[sflag:s4] =	ssyncadd.s32 $0xFFFFC000  }
0x38: {  	[tilespmem:s3], [sflag:$0x1] =	stream.linear.gather [hbm4b:s15+s3], $0x14000, $0x38;
	[tilespmem:$0x1D000] =	vst v63  }
0x39: {  	_ =	swait.ge [sflag:s4], $0x14000  }
0x3a: {  	[sflag:s4] =	ssyncset.done $0x0  }
0x3b: {  	s15 =	simm.s32 $0x14280;
	[sflag:s4] =	ssyncadd.s32 $0xFFFEC000  }
0x3c: {  	[spmem:s2] =	stream.indirect.scatter.add.f32 [tilespmem:s3], [sflag:$0x1], $0x80, s15, s6, $0xb8;
	[tilespmem:$0x1D000] =	vst v63  }
0x3d: {  	_ =	swait.ge [sflag:s4], $0x4000  }
0x3e: {  	[sflag:s4] =	ssyncset.done $0x0  }
0x3f: {  	s16 =	simm.s32 $0x14300;
	[sflag:s4] =	ssyncadd.s32 $0xFFFFC000  }
0x40: {  	[spmem:s2] =	stream.indirect.scatter.add.f32 [tilespmem:s8], [sflag:$0x1], $0x80, s16, s6, $0xb8;
	[tilespmem:$0x1D000] =	vst v63  }
0x41: {  	_ =	swait.ge [sflag:s4], $0x4000  }
0x42: {  	[sflag:s4] =	ssyncset.done $0x0  }
0x43: {  	s17 =	simm.s32 $0x14380;
	[sflag:s4] =	ssyncadd.s32 $0xFFFFC000  }
0x44: {  	[spmem:s2] =	stream.indirect.scatter.add.f32 [tilespmem:s10], [sflag:$0x1], $0x80, s17, s6, $0xb8;
	[tilespmem:$0x1D000] =	vst v63  }
0x45: {  	_ =	swait.ge [sflag:s4], $0x4000  }
0x46: {  	[sflag:s4] =	ssyncset.done $0x0  }
0x47: {  	s18 =	simm.s32 $0x14400;
	[sflag:s4] =	ssyncadd.s32 $0xFFFFC000  }
0x48: {  	[spmem:s2] =	stream.indirect.scatter.add.f32 [tilespmem:s12], [sflag:$0x1], $0x80, s18, s6, $0xb8;
	[tilespmem:$0x1D000] =	vst v63  }
0x49: {  	_ =	swait.ge [sflag:s4], $0x4000  }
0x4a: {  	[sflag:s4] =	ssyncset.done $0x0  }
0x4b: {  	s19 =	simm.s32 $0x14480;
	[sflag:s4] =	ssyncadd.s32 $0xFFFFC000  }
0x4c: {  	[spmem:s2] =	stream.indirect.scatter.add.f32 [tilespmem:s14], [sflag:$0x1], $0x80, s19, s6, $0xb8;
	[tilespmem:$0x1D000] =	vst v63  }
0x4d: {  	_ =	swait.ge [sflag:s4], $0x4000  }
0x4e: {  	[sflag:s4] =	ssyncset.done $0x0  }
0x4f: {  	s20 =	rddreg [dreg:$0x9];
	[sflag:s4] =	ssyncadd.s32 $0xFFFFC000  }
0x50: {  	[tilespmem:s3], [sflag:$0x1] =	stream.linear.gather [hbm4b:s20+s3], $0x14000, $0x38;
	[tilespmem:$0x1D000] =	vst v63  }
0x51: {  	_ =	swait.ge [sflag:s4], $0x14000  }
0x52: {  	[sflag:s4] =	ssyncset.done $0x0  }
0x53: {  	s20 =	simm.s32 $0x14500;
	[sflag:s4] =	ssyncadd.s32 $0xFFFEC000  }
0x54: {  	[spmem:s2] =	stream.indirect.scatter.add.f32 [tilespmem:s3], [sflag:$0x1], $0x80, s20, s6, $0xb8;
	[tilespmem:$0x1D000] =	vst v63  }
0x55: {  	_ =	swait.ge [sflag:s4], $0x4000  }
0x56: {  	[sflag:s4] =	ssyncset.done $0x0  }
0x57: {  	s21 =	simm.s32 $0x14580;
	[sflag:s4] =	ssyncadd.s32 $0xFFFFC000  }
0x58: {  	[spmem:s2] =	stream.indirect.scatter.add.f32 [tilespmem:s8], [sflag:$0x1], $0x80, s21, s6, $0xb8;
	[tilespmem:$0x1D000] =	vst v63  }
0x59: {  	_ =	swait.ge [sflag:s4], $0x4000  }
0x5a: {  	[sflag:s4] =	ssyncset.done $0x0  }
0x5b: {  	s22 =	simm.s32 $0x14600;
	[sflag:s4] =	ssyncadd.s32 $0xFFFFC000  }
0x5c: {  	[spmem:s2] =	stream.indirect.scatter.add.f32 [tilespmem:s10], [sflag:$0x1], $0x80, s22, s6, $0xb8;
	[tilespmem:$0x1D000] =	vst v63  }
0x5d: {  	_ =	swait.ge [sflag:s4], $0x4000  }
0x5e: {  	[sflag:s4] =	ssyncset.done $0x0  }
0x5f: {  	s23 =	simm.s32 $0x14680;
	[sflag:s4] =	ssyncadd.s32 $0xFFFFC000  }
0x60: {  	[spmem:s2] =	stream.indirect.scatter.add.f32 [tilespmem:s12], [sflag:$0x1], $0x80, s23, s6, $0xb8;
	[tilespmem:$0x1D000] =	vst v63  }
0x61: {  	_ =	swait.ge [sflag:s4], $0x4000  }
0x62: {  	[sflag:s4] =	ssyncset.done $0x0  }
0x63: {  	s24 =	simm.s32 $0x14700;
	[sflag:s4] =	ssyncadd.s32 $0xFFFFC000  }
0x64: {  	[spmem:s2] =	stream.indirect.scatter.add.f32 [tilespmem:s14], [sflag:$0x1], $0x80, s24, s6, $0xb8;
	[tilespmem:$0x1D000] =	vst v63  }
0x65: {  	_ =	swait.ge [sflag:s4], $0x4000  }
0x66: {  	[sflag:s4] =	ssyncset.done $0x0  }
0x67: {  	s25 =	rddreg [dreg:$0xa];
	[sflag:s4] =	ssyncadd.s32 $0xFFFFC000  }
0x68: {  	[tilespmem:s3], [sflag:$0x1] =	stream.linear.gather [hbm4b:s25+s3], $0x14000, $0x38;
	[tilespmem:$0x1D000] =	vst v63  }
0x69: {  	_ =	swait.ge [sflag:s4], $0x14000  }
0x6a: {  	[sflag:s4] =	ssyncset.done $0x0  }
0x6b: {  	s25 =	simm.s32 $0x14780;
	[sflag:s4] =	ssyncadd.s32 $0xFFFEC000  }
0x6c: {  	[spmem:s2] =	stream.indirect.scatter.add.f32 [tilespmem:s3], [sflag:$0x1], $0x80, s25, s6, $0xb8;
	[tilespmem:$0x1D000] =	vst v63  }
0x6d: {  	_ =	swait.ge [sflag:s4], $0x4000  }
0x6e: {  	[sflag:s4] =	ssyncset.done $0x0  }
0x6f: {  	s26 =	simm.s32 $0x14800;
	[sflag:s4] =	ssyncadd.s32 $0xFFFFC000  }
0x70: {  	[spmem:s2] =	stream.indirect.scatter.add.f32 [tilespmem:s8], [sflag:$0x1], $0x80, s26, s6, $0xb8;
	[tilespmem:$0x1D000] =	vst v63  }
0x71: {  	_ =	swait.ge [sflag:s4], $0x4000  }
0x72: {  	[sflag:s4] =	ssyncset.done $0x0  }
0x73: {  	s28 =	simm.s32 $0x14880;
	[sflag:s4] =	ssyncadd.s32 $0xFFFFC000  }
0x74: {  	[spmem:s2] =	stream.indirect.scatter.add.f32 [tilespmem:s10], [sflag:$0x1], $0x80, s28, s6, $0xb8;
	[tilespmem:$0x1D000] =	vst v63  }
0x75: {  	_ =	swait.ge [sflag:s4], $0x4000  }
0x76: {  	[sflag:s4] =	ssyncset.done $0x0  }
0x77: {  	s29 =	simm.s32 $0x14900;
	[sflag:s4] =	ssyncadd.s32 $0xFFFFC000  }
0x78: {  	[spmem:s2] =	stream.indirect.scatter.add.f32 [tilespmem:s12], [sflag:$0x1], $0x80, s29, s6, $0xb8;
	[tilespmem:$0x1D000] =	vst v63  }
0x79: {  	_ =	swait.ge [sflag:s4], $0x4000  }
0x7a: {  	[sflag:s4] =	ssyncset.done $0x0  }
0x7b: {  	s30 =	simm.s32 $0x14980;
	[sflag:s4] =	ssyncadd.s32 $0xFFFFC000  }
0x7c: {  	[spmem:s2] =	stream.indirect.scatter.add.f32 [tilespmem:s14], [sflag:$0x1], $0x80, s30, s6, $0xb8;
	[tilespmem:$0x1D000] =	vst v63  }
0x7d: {  	_ =	swait.ge [sflag:s4], $0x4000  }
0x7e: {  	[sflag:s4] =	ssyncset.done $0x0  }
0x7f: {  	[sflag:s4] =	ssyncadd.s32 $0xFFFFC000  }
0x80: {  	[bflag:$0x0] =	sbarrier.arrive $0xFFFF  }
0x81: {  	s1 =	rddreg [dreg:$0xb]  }
0x82: {  	[tilespmem:s3], [sflag:$0x1] =	stream.linear.gather [spmem:s1], $0x8000, $0x38;
	[tilespmem:$0x1D000] =	vst v63  }
0x83: {  	s1 =	sshll.u32 s0, $0xC;
	s0 =	rddreg [dreg:$0x0]  }
0x84: {  	s0 =	sadd.s32 s1, s0;
	s1 =	ssub.s32 $0x2, s31  }
0x85: {  	[dreg:$0xc] =	wrdreg s0;
	s0 =	sshrl.u32 s1, $0x1  }
0x86: {  	s0 =	ssub.s32 s1, s0  }
0x87: {  	s0 =	smax.u32 s0, $0x1  }
0x88: {  	_ =	swait.ge [sflag:s4], $0x8000;
	p0 =	sne.s32 s0, $0x1  }
.Ltmp0:
0x89: {  	s31 =	sshll.u32 s31, $0x10;
	s1 =	rddreg [dreg:$0xc];
	(pc) =	sbr.rel @!p0 .LBB2_2-.Ltmp0, $4  }
0x8a: {  	[sflag:s4] =	ssyncset.done $0x0;
	s1 =	sadd.s32 s31, s1  }
0x8b: {  	[sflag:s4] =	ssyncadd.s32 $0xFFFF8000;
	s31 =	sadd.s32 $0x151A00, s1  }
0x8c: {  	[hbm4b:s31+s3] =	stream.linear.scatter [tilespmem:s3], [sflag:$0x1], $0x8000, $0x38;
	[tilespmem:$0x1D000] =	vst v63  }
0x8d: {  	s0 =	sadd.s32 $0xFFFFFFFF, s0;
	_ =	swait.ge [sflag:s4], $0x8000  }
.LBB2_1:
0x8e: {  	[sflag:s4] =	ssyncset.done $0x0  }
0x8f: {  	s1 =	rddreg [dreg:$0x4];
	[sflag:s4] =	ssyncadd.s32 $0xFFFF8000  }
0x90: {  	[tilespmem:s3], [sflag:$0x1] =	stream.linear.gather [hbm4b:s1+s3], $0x8400, $0x38;
	[tilespmem:$0x1D000] =	vst v63  }
0x91: {  	_ =	swait.ge [sflag:s4], $0x8400  }
0x92: {  	[sflag:s4] =	ssyncset.done $0x0  }
0x93: {  	s1 =	rddreg [dreg:$0x5];
	[sflag:s4] =	ssyncadd.s32 $0xFFFF7C00  }
0x94: {  	[spmem:s1] =	stream.linear.scatter [tilespmem:s3], [sflag:$0x1], $0x8400, $0x38;
	[tilespmem:$0x1D000] =	vst v63  }
0x95: {  	_ =	swait.ge [sflag:s4], $0x8400  }
0x96: {  	[sflag:s4] =	ssyncset.done $0x0  }
0x97: {  	s1 =	rddreg [dreg:$0x6];
	[sflag:s4] =	ssyncadd.s32 $0xFFFF7C00  }
0x98: {  	[tilespmem:s5], [sflag:$0x1] =	stream.linear.gather [hbm4b:s1+s3], $0xA00, $0x38;
	[tilespmem:$0x1D000] =	vst v63  }
0x99: {  	_ =	swait.ge [sflag:s4], $0xA00  }
0x9a: {  	[sflag:s4] =	ssyncset.done $0x0  }
0x9b: {  	[sflag:s4] =	ssyncadd.s32 $0xFFFFF600  }
0x9c: {  	[bflag:$0x0] =	sbarrier.arrive $0xFFFF  }
0x9d: {  	s1 =	rddreg [dreg:$0x7]  }
0x9e: {  	[tilespmem:s3], [sflag:$0x1] =	stream.linear.gather [hbm4b:s1+s3], $0x14000, $0x38;
	[tilespmem:$0x1D000] =	vst v63  }
0x9f: {  	_ =	swait.ge [sflag:s4], $0x14000  }
0xa0: {  	[sflag:s4] =	ssyncset.done $0x0  }
0xa1: {  	[sflag:s4] =	ssyncadd.s32 $0xFFFEC000  }
0xa2: {  	[spmem:s2] =	stream.indirect.scatter.add.f32 [tilespmem:s3], [sflag:$0x1], $0x80, s5, s6, $0xb8;
	[tilespmem:$0x1D000] =	vst v63  }
0xa3: {  	_ =	swait.ge [sflag:s4], $0x4000  }
0xa4: {  	[sflag:s4] =	ssyncset.done $0x0  }
0xa5: {  	[sflag:s4] =	ssyncadd.s32 $0xFFFFC000  }
0xa6: {  	[spmem:s2] =	stream.indirect.scatter.add.f32 [tilespmem:s8], [sflag:$0x1], $0x80, s7, s6, $0xb8;
	[tilespmem:$0x1D000] =	vst v63  }
0xa7: {  	_ =	swait.ge [sflag:s4], $0x4000  }
0xa8: {  	[sflag:s4] =	ssyncset.done $0x0  }
0xa9: {  	[sflag:s4] =	ssyncadd.s32 $0xFFFFC000  }
0xaa: {  	[spmem:s2] =	stream.indirect.scatter.add.f32 [tilespmem:s10], [sflag:$0x1], $0x80, s9, s6, $0xb8;
	[tilespmem:$0x1D000] =	vst v63  }
0xab: {  	_ =	swait.ge [sflag:s4], $0x4000  }
0xac: {  	[sflag:s4] =	ssyncset.done $0x0  }
0xad: {  	[sflag:s4] =	ssyncadd.s32 $0xFFFFC000  }
0xae: {  	[spmem:s2] =	stream.indirect.scatter.add.f32 [tilespmem:s12], [sflag:$0x1], $0x80, s11, s6, $0xb8;
	[tilespmem:$0x1D000] =	vst v63  }
0xaf: {  	_ =	swait.ge [sflag:s4], $0x4000  }
0xb0: {  	[sflag:s4] =	ssyncset.done $0x0  }
0xb1: {  	[sflag:s4] =	ssyncadd.s32 $0xFFFFC000  }
0xb2: {  	[spmem:s2] =	stream.indirect.scatter.add.f32 [tilespmem:s14], [sflag:$0x1], $0x80, s13, s6, $0xb8;
	[tilespmem:$0x1D000] =	vst v63  }
0xb3: {  	_ =	swait.ge [sflag:s4], $0x4000  }
0xb4: {  	[sflag:s4] =	ssyncset.done $0x0  }
0xb5: {  	s1 =	rddreg [dreg:$0x8];
	[sflag:s4] =	ssyncadd.s32 $0xFFFFC000  }
0xb6: {  	[tilespmem:s3], [sflag:$0x1] =	stream.linear.gather [hbm4b:s1+s3], $0x14000, $0x38;
	[tilespmem:$0x1D000] =	vst v63  }
0xb7: {  	_ =	swait.ge [sflag:s4], $0x14000  }
0xb8: {  	[sflag:s4] =	ssyncset.done $0x0  }
0xb9: {  	[sflag:s4] =	ssyncadd.s32 $0xFFFEC000  }
0xba: {  	[spmem:s2] =	stream.indirect.scatter.add.f32 [tilespmem:s3], [sflag:$0x1], $0x80, s15, s6, $0xb8;
	[tilespmem:$0x1D000] =	vst v63  }
0xbb: {  	_ =	swait.ge [sflag:s4], $0x4000  }
0xbc: {  	[sflag:s4] =	ssyncset.done $0x0  }
0xbd: {  	[sflag:s4] =	ssyncadd.s32 $0xFFFFC000  }
0xbe: {  	[spmem:s2] =	stream.indirect.scatter.add.f32 [tilespmem:s8], [sflag:$0x1], $0x80, s16, s6, $0xb8;
	[tilespmem:$0x1D000] =	vst v63  }
0xbf: {  	_ =	swait.ge [sflag:s4], $0x4000  }
0xc0: {  	[sflag:s4] =	ssyncset.done $0x0  }
0xc1: {  	[sflag:s4] =	ssyncadd.s32 $0xFFFFC000  }
0xc2: {  	[spmem:s2] =	stream.indirect.scatter.add.f32 [tilespmem:s10], [sflag:$0x1], $0x80, s17, s6, $0xb8;
	[tilespmem:$0x1D000] =	vst v63  }
0xc3: {  	_ =	swait.ge [sflag:s4], $0x4000  }
0xc4: {  	[sflag:s4] =	ssyncset.done $0x0  }
0xc5: {  	[sflag:s4] =	ssyncadd.s32 $0xFFFFC000  }
0xc6: {  	[spmem:s2] =	stream.indirect.scatter.add.f32 [tilespmem:s12], [sflag:$0x1], $0x80, s18, s6, $0xb8;
	[tilespmem:$0x1D000] =	vst v63  }
0xc7: {  	_ =	swait.ge [sflag:s4], $0x4000  }
0xc8: {  	[sflag:s4] =	ssyncset.done $0x0  }
0xc9: {  	[sflag:s4] =	ssyncadd.s32 $0xFFFFC000  }
0xca: {  	[spmem:s2] =	stream.indirect.scatter.add.f32 [tilespmem:s14], [sflag:$0x1], $0x80, s19, s6, $0xb8;
	[tilespmem:$0x1D000] =	vst v63  }
0xcb: {  	_ =	swait.ge [sflag:s4], $0x4000  }
0xcc: {  	[sflag:s4] =	ssyncset.done $0x0  }
0xcd: {  	s1 =	rddreg [dreg:$0x9];
	[sflag:s4] =	ssyncadd.s32 $0xFFFFC000  }
0xce: {  	[tilespmem:s3], [sflag:$0x1] =	stream.linear.gather [hbm4b:s1+s3], $0x14000, $0x38;
	[tilespmem:$0x1D000] =	vst v63  }
0xcf: {  	_ =	swait.ge [sflag:s4], $0x14000  }
0xd0: {  	[sflag:s4] =	ssyncset.done $0x0  }
0xd1: {  	[sflag:s4] =	ssyncadd.s32 $0xFFFEC000  }
0xd2: {  	[spmem:s2] =	stream.indirect.scatter.add.f32 [tilespmem:s3], [sflag:$0x1], $0x80, s20, s6, $0xb8;
	[tilespmem:$0x1D000] =	vst v63  }
0xd3: {  	_ =	swait.ge [sflag:s4], $0x4000  }
0xd4: {  	[sflag:s4] =	ssyncset.done $0x0  }
0xd5: {  	[sflag:s4] =	ssyncadd.s32 $0xFFFFC000  }
0xd6: {  	[spmem:s2] =	stream.indirect.scatter.add.f32 [tilespmem:s8], [sflag:$0x1], $0x80, s21, s6, $0xb8;
	[tilespmem:$0x1D000] =	vst v63  }
0xd7: {  	_ =	swait.ge [sflag:s4], $0x4000  }
0xd8: {  	[sflag:s4] =	ssyncset.done $0x0  }
0xd9: {  	[sflag:s4] =	ssyncadd.s32 $0xFFFFC000  }
0xda: {  	[spmem:s2] =	stream.indirect.scatter.add.f32 [tilespmem:s10], [sflag:$0x1], $0x80, s22, s6, $0xb8;
	[tilespmem:$0x1D000] =	vst v63  }
0xdb: {  	_ =	swait.ge [sflag:s4], $0x4000  }
0xdc: {  	[sflag:s4] =	ssyncset.done $0x0  }
0xdd: {  	[sflag:s4] =	ssyncadd.s32 $0xFFFFC000  }
0xde: {  	[spmem:s2] =	stream.indirect.scatter.add.f32 [tilespmem:s12], [sflag:$0x1], $0x80, s23, s6, $0xb8;
	[tilespmem:$0x1D000] =	vst v63  }
0xdf: {  	_ =	swait.ge [sflag:s4], $0x4000  }
0xe0: {  	[sflag:s4] =	ssyncset.done $0x0  }
0xe1: {  	[sflag:s4] =	ssyncadd.s32 $0xFFFFC000  }
0xe2: {  	[spmem:s2] =	stream.indirect.scatter.add.f32 [tilespmem:s14], [sflag:$0x1], $0x80, s24, s6, $0xb8;
	[tilespmem:$0x1D000] =	vst v63  }
0xe3: {  	_ =	swait.ge [sflag:s4], $0x4000  }
0xe4: {  	[sflag:s4] =	ssyncset.done $0x0  }
0xe5: {  	s1 =	rddreg [dreg:$0xa];
	[sflag:s4] =	ssyncadd.s32 $0xFFFFC000  }
0xe6: {  	[tilespmem:s3], [sflag:$0x1] =	stream.linear.gather [hbm4b:s1+s3], $0x14000, $0x38;
	[tilespmem:$0x1D000] =	vst v63  }
0xe7: {  	_ =	swait.ge [sflag:s4], $0x14000  }
0xe8: {  	[sflag:s4] =	ssyncset.done $0x0  }
0xe9: {  	[sflag:s4] =	ssyncadd.s32 $0xFFFEC000  }
0xea: {  	[spmem:s2] =	stream.indirect.scatter.add.f32 [tilespmem:s3], [sflag:$0x1], $0x80, s25, s6, $0xb8;
	[tilespmem:$0x1D000] =	vst v63  }
0xeb: {  	_ =	swait.ge [sflag:s4], $0x4000  }
0xec: {  	[sflag:s4] =	ssyncset.done $0x0  }
0xed: {  	[sflag:s4] =	ssyncadd.s32 $0xFFFFC000  }
0xee: {  	[spmem:s2] =	stream.indirect.scatter.add.f32 [tilespmem:s8], [sflag:$0x1], $0x80, s26, s6, $0xb8;
	[tilespmem:$0x1D000] =	vst v63  }
0xef: {  	_ =	swait.ge [sflag:s4], $0x4000  }
0xf0: {  	[sflag:s4] =	ssyncset.done $0x0  }
0xf1: {  	[sflag:s4] =	ssyncadd.s32 $0xFFFFC000  }
0xf2: {  	[spmem:s2] =	stream.indirect.scatter.add.f32 [tilespmem:s10], [sflag:$0x1], $0x80, s28, s6, $0xb8;
	[tilespmem:$0x1D000] =	vst v63  }
0xf3: {  	_ =	swait.ge [sflag:s4], $0x4000  }
0xf4: {  	[sflag:s4] =	ssyncset.done $0x0  }
0xf5: {  	[sflag:s4] =	ssyncadd.s32 $0xFFFFC000  }
0xf6: {  	[spmem:s2] =	stream.indirect.scatter.add.f32 [tilespmem:s12], [sflag:$0x1], $0x80, s29, s6, $0xb8;
	[tilespmem:$0x1D000] =	vst v63  }
0xf7: {  	_ =	swait.ge [sflag:s4], $0x4000  }
0xf8: {  	[sflag:s4] =	ssyncset.done $0x0  }
0xf9: {  	[sflag:s4] =	ssyncadd.s32 $0xFFFFC000  }
0xfa: {  	[spmem:s2] =	stream.indirect.scatter.add.f32 [tilespmem:s14], [sflag:$0x1], $0x80, s30, s6, $0xb8;
	[tilespmem:$0x1D000] =	vst v63  }
0xfb: {  	_ =	swait.ge [sflag:s4], $0x4000  }
0xfc: {  	[sflag:s4] =	ssyncset.done $0x0  }
0xfd: {  	[sflag:s4] =	ssyncadd.s32 $0xFFFFC000  }
0xfe: {  	[bflag:$0x0] =	sbarrier.arrive $0xFFFF  }
0xff: {  	p0 =	sne.s32 s0, $0x1;
	s1 =	rddreg [dreg:$0xb]  }
0x100: {  	[tilespmem:s3], [sflag:$0x1] =	stream.linear.gather [spmem:s1], $0x8000, $0x38;
	[tilespmem:$0x1D000] =	vst v63  }
.Ltmp1:
0x101: {  	_ =	swait.ge [sflag:s4], $0x8000;
	(pc) =	sbr.rel @p0 .LBB2_1-.Ltmp1, $4  }
0x102: {  	[sflag:s4] =	ssyncset.done $0x0  }
0x103: {  	[sflag:s4] =	ssyncadd.s32 $0xFFFF8000  }
0x104: {  	[hbm4b:s31+s3] =	stream.linear.scatter [tilespmem:s3], [sflag:$0x1], $0x8000, $0x38;
	[tilespmem:$0x1D000] =	vst v63  }
0x105: {  	s0 =	sadd.s32 $0xFFFFFFFF, s0;
	_ =	swait.ge [sflag:s4], $0x8000  }
.LBB2_2:
0x106: {  	[sflag:s4] =	ssyncset.done $0x0  }
0x107: {  	[sflag:s4] =	ssyncadd.s32 $0xFFFF8000  }
0x108: {  	_ =	sfence.sel $0x180000  }
0x109: {  	[bflag:$0x0] =	sbarrier.arrive $0xFFFF  }
0x10a: {  	_ =	strace $0x90000047  }
0x10b: {  	s0 =	stileid.u32;
	[bflag:$0x2] =	sbarrier.arrive $0xFFFF  }
0x10c: {  	p0 =	sne.s32 s0, $0x0;
	s0 =	rddreg [dreg:$0x3]  }
0x10d: {  	s0 =	sadd.s32 @!p0 $0x100000, s0  }
0x10e: {  	[sflag:s0] =	ssyncadd.tile.s32 @!p0 $0x1;
	_ =	shalt  }
.Lfunc_end2:
_tile_overlayer_lowered:
.L_overlay_start_2:
0x10f: {  	(tag) =	ssettag $0x2  }
0x110: {  	s0 =	rddreg [dreg:$0x0];
	s2 =	stileid.u32  }
0x111: {  	s1 =	rddreg [dreg:$0x1];
	p0 =	sne.s32 s2, $0x0  }
0x112: {  	s3 =	rddreg [dreg:$0x2];
	[bflag:$0x3] =	sbarrier.arrive $0xFFFF;
	s2 =	simm.s32 @!p0 $0x1C01  }
0x113: {  	[timem:s3], [sflag:s2] =	dma.local @!p0 [hbm:s0], s1  }
0x114: {  	s0 =	simm.s32 @!p0 $0x1  }
0x115: {  	_ =	swait.ge @!p0 [sflag:s0], s1  }
0x116: {  	s1 =	ssub.s32 @!p0 $0x0, s1;
	[sflag:s0] =	ssyncset.done @!p0 $0x0  }
0x117: {  	[sflag:s0] =	ssyncadd.s32 @!p0 s1  }
0x118: {  	[bflag:$0x3] =	sbarrier.arrive $0xFFFF  }
0x119: {  	_ =	shalt  }

</sc_bundles>
